<compile_context>
chip_gen: v7x
topology: tpu7x:2x2x1
jax: 0.10.2.dev20260603
libtpu: 0.0.44.dev20260713+nightly
codegen_flags: <defaults>
</compile_context>

<pallas_src>
import functools

import jax
import jax.numpy as jnp
from jax import lax
from jax.experimental import pallas as pl
from jax.experimental.pallas import tpu as pltpu
from jax.experimental.pallas import tpu_sc as plsc

_D = 128
_N_EDGES = 320000
_N_NODES = 10000
_N_NODES_PAD = 10240
_NODES_PER_TILE = 640
_EDGES_PER_TILE = _N_EDGES // 32
_GCHUNK = 128
_N_NODES_TBL = 100000
_N_RELS = 400000


_CHUNK = 4000
_RING = 12


def _rowsums_body(ent_hbm, rel_hbm, se_ref, sr_ref, ring, sems):
    ones = jnp.ones((1, _D), jnp.float32)
    dn = (((1,), (1,)), ((), ()))

    for tbl, out_ref in ((ent_hbm, se_ref), (rel_hbm, sr_ref)):
        nchunk = tbl.shape[0] // _CHUNK

        def issue(c, slot, tbl=tbl):
            off = pl.multiple_of(c * _CHUNK, _CHUNK)
            pltpu.make_async_copy(
                tbl.at[pl.ds(off, _CHUNK), :], ring.at[slot],
                sems.at[slot]).start()

        for k in range(min(_RING, nchunk)):
            issue(k, k)

        def step(i, carry, tbl=tbl, out_ref=out_ref, nchunk=nchunk):
            slot = lax.rem(i, _RING)
            off = pl.multiple_of(i * _CHUNK, _CHUNK)
            pltpu.make_async_copy(
                tbl.at[pl.ds(off, _CHUNK), :], ring.at[slot],
                sems.at[slot]).wait()
            out_ref[pl.ds(i, 1), :] = jax.lax.dot_general(
                ones, ring[slot], dn, preferred_element_type=jnp.float32)

            @pl.when(i + _RING < nchunk)
            def _():
                issue(i + _RING, slot)

            return carry

        lax.fori_loop(0, nchunk, step, 0)


def _rowsums(ent_table, rel_table):
    se, sr = pl.pallas_call(
        _rowsums_body,
        in_specs=[
            pl.BlockSpec(memory_space=pl.ANY),
            pl.BlockSpec(memory_space=pl.ANY),
        ],
        out_shape=[
            jax.ShapeDtypeStruct((_N_NODES_TBL // _CHUNK, _CHUNK), jnp.float32),
            jax.ShapeDtypeStruct((_N_RELS // _CHUNK, _CHUNK), jnp.float32),
        ],
        scratch_shapes=[
            pltpu.VMEM((_RING, _CHUNK, _D), jnp.float32),
            pltpu.SemaphoreType.DMA((_RING,)),
        ],
    )(ent_table, rel_table)
    return se.reshape(_N_NODES_TBL), sr.reshape(_N_RELS)


def _make_sc_combine():
    mesh = plsc.VectorSubcoreMesh(core_axis_name="c", subcore_axis_name="s")

    @functools.partial(
        pl.kernel,
        out_type=jax.ShapeDtypeStruct((_N_EDGES,), jnp.float32),
        mesh=mesh,
        compiler_params=pltpu.CompilerParams(needs_layout_passes=False),
        scratch_types=[
            pltpu.VMEM((_NODES_PER_TILE,), jnp.int32),
            pltpu.VMEM((_NODES_PER_TILE,), jnp.float32),
            pltpu.VMEM_SHARED((_N_NODES_PAD,), jnp.float32),
            pltpu.VMEM((_N_NODES_PAD,), jnp.float32),
            pltpu.VMEM((_EDGES_PER_TILE,), jnp.int32),
            pltpu.VMEM((_EDGES_PER_TILE,), jnp.int32),
            pltpu.VMEM((_EDGES_PER_TILE,), jnp.int32),
            pltpu.VMEM((_EDGES_PER_TILE,), jnp.float32),
            pltpu.VMEM((_EDGES_PER_TILE,), jnp.float32),
            pltpu.SemaphoreType.DMA,
            pltpu.SemaphoreType.DMA,
            pltpu.SemaphoreType.DMA,
            pltpu.SemaphoreType.DMA,
        ],
    )
    def sc_combine(se_hbm, sr_hbm, nid_hbm, edge_hbm, rel_hbm,
                   out_hbm, nid_v, nsum_v, sh_shared, sh_v, src_v, dst_v,
                   rel_v, r_v, out_v, sem1, sem2, sem3, sem4):
        cid = lax.axis_index("c")
        sid = lax.axis_index("s")
        wid = sid * 2 + cid

        ebase = pl.multiple_of(wid * _EDGES_PER_TILE, 8)
        h_src = pltpu.async_copy(
            edge_hbm.at[pl.ds(ebase, _EDGES_PER_TILE)], src_v, sem3)
        dbase = pl.multiple_of(_N_EDGES + wid * _EDGES_PER_TILE, 8)
        h_dst = pltpu.async_copy(
            edge_hbm.at[pl.ds(dbase, _EDGES_PER_TILE)], dst_v, sem3)
        h_rel = pltpu.async_copy(
            rel_hbm.at[pl.ds(ebase, _EDGES_PER_TILE)], rel_v, sem4)

        nbase = pl.multiple_of(sid * _NODES_PER_TILE, 8)
        pltpu.sync_copy(nid_hbm.at[pl.ds(nbase, _NODES_PER_TILE)], nid_v)
        ph1 = []
        for j in range(_NODES_PER_TILE // _GCHUNK):
            ph1.append(pltpu.async_copy(
                se_hbm.at[nid_v.at[pl.ds(j * _GCHUNK, _GCHUNK)]],
                nsum_v.at[pl.ds(j * _GCHUNK, _GCHUNK)], sem1))

        h_rel.wait()
        handles = []
        nfull = _EDGES_PER_TILE // _GCHUNK
        for j in range(13):
            handles.append(pltpu.async_copy(
                sr_hbm.at[rel_v.at[pl.ds(j * _GCHUNK, _GCHUNK)]],
                r_v.at[pl.ds(j * _GCHUNK, _GCHUNK)], sem2))

        for h in ph1:
            h.wait()
        pltpu.sync_copy(nsum_v, sh_shared.at[pl.ds(nbase, _NODES_PER_TILE)])
        plsc.subcore_barrier()
        pltpu.sync_copy(sh_shared, sh_v)

        for j in range(13, nfull):
            handles.append(pltpu.async_copy(
                sr_hbm.at[rel_v.at[pl.ds(j * _GCHUNK, _GCHUNK)]],
                r_v.at[pl.ds(j * _GCHUNK, _GCHUNK)], sem2))
            if len(handles) > 13:
                handles.pop(0).wait()
        rem = _EDGES_PER_TILE - nfull * _GCHUNK
        if rem:
            handles.append(pltpu.async_copy(
                sr_hbm.at[rel_v.at[pl.ds(nfull * _GCHUNK, rem)]],
                r_v.at[pl.ds(nfull * _GCHUNK, rem)], sem2))
        h_src.wait()
        h_dst.wait()
        for h in handles:
            h.wait()

        @plsc.parallel_loop(0, _EDGES_PER_TILE, step=16, unroll=4)
        def _(o):
            s16 = src_v[pl.ds(o, 16)]
            d16 = dst_v[pl.ds(o, 16)]
            hvec = plsc.load_gather(sh_v, [s16])
            tvec = plsc.load_gather(sh_v, [d16])
            out_v[pl.ds(o, 16)] = hvec + r_v[pl.ds(o, 16)] - tvec

        pltpu.sync_copy(out_v, out_hbm.at[pl.ds(ebase, _EDGES_PER_TILE)])

    return sc_combine


_sc_combine = _make_sc_combine()


def kernel(ent_table, rel_table, node_ids, edge_index, edge_rel_ids):
    se, sr = _rowsums(ent_table, rel_table)
    nid_pad = jnp.concatenate(
        [node_ids, jnp.zeros((_N_NODES_PAD - _N_NODES,), jnp.int32)])
    return _sc_combine(se, sr, nid_pad, edge_index.reshape(-1), edge_rel_ids)

# --- scband reference (transcript-rebuilt; emitter-appended) ---
"""Pipeline reference for scband-arlayer-87282325390073 (READ-ONLY COPY).

The authoritative reference and input builder live on the scoring server;
editing this copy changes nothing except your own understanding.
"""

import jax, jax.numpy as jnp
import numpy as np

N_NODES = 10000
N_EDGES = 320000
D = 128
N_ENT = 100000
N_REL = 400000
SCORE_DIM = 320000


def setup_inputs(seed: int = 0) -> dict:
    key = jax.random.key(seed)
    k1, k2, k3, k4, k5 = jax.random.split(key, 5)
    ent_table = jax.random.normal(k1, (N_ENT, D), dtype=jnp.float32)
    rel_table = jax.random.normal(k2, (N_REL, D), dtype=jnp.float32)
    node_ids = jax.random.randint(k3, (N_NODES,), 0, N_ENT, dtype=jnp.int64 if jax.config.jax_enable_x64 else jnp.int32).astype(jnp.int32)
    edge_index = jax.random.randint(k4, (2, N_EDGES), 0, N_NODES).astype(jnp.int32)
    edge_rel_ids = jax.random.randint(k5, (N_EDGES,), 0, N_REL).astype(jnp.int32)
    return {
        "ent_table": ent_table,
        "rel_table": rel_table,
        "node_ids": node_ids,
        "edge_index": edge_index,
        "edge_rel_ids": edge_rel_ids,
    }


def reference(ent_table, rel_table, node_ids, edge_index, edge_rel_ids):
    # hg.srcnodes/dstnodes data: embedding lookup of node global IDs
    h_emb = jnp.take(ent_table, node_ids, axis=0)            # [N, D] (h_emb == t_emb)
    r_emb = jnp.take(rel_table, edge_rel_ids, axis=0)        # [E, D]
    src = edge_index[0]
    dst = edge_index[1]
    # trans_dist: sum over feature dim of (h_src + r - t_dst)
    h_src = jnp.take(h_emb, src, axis=0)                      # gather [E, D]
    t_dst = jnp.take(h_emb, dst, axis=0)                      # gather [E, D]
    score = jnp.sum(h_src + r_emb - t_dst, axis=1)            # [E]
    # pad to score_dim if needed (single etype -> single concat segment)
    e = score.shape[0]
    if e < SCORE_DIM:
        score = jnp.concatenate([score, jnp.zeros((SCORE_DIM - e,), dtype=score.dtype)])
    return score

if __name__ == "__main__":
    import jax
    _d = setup_inputs()
    print(jax.jit(kernel)(*tuple(_d.values())))

</pallas_src>

<mosaic_0001>
#map = affine_map<(d0, d1) -> (0)>
module attributes {stable_mosaic.version = 14 : i64} {
  func.func @sc_combine(%arg0: i32, %arg1: i32, %arg2: memref<100000xf32, #tpu.memory_space<hbm>>, %arg3: memref<400000xf32, #tpu.memory_space<hbm>>, %arg4: memref<10240xi32, #tpu.memory_space<hbm>>, %arg5: memref<640000xi32, #tpu.memory_space<hbm>>, %arg6: memref<320000xi32, #tpu.memory_space<hbm>>, %arg7: memref<320000xf32, #tpu.memory_space<hbm>>, %arg8: memref<640xi32, #tpu.memory_space<vmem>>, %arg9: memref<640xf32, #tpu.memory_space<vmem>>, %arg10: memref<10240xf32, #tpu.memory_space<vmem_shared>>, %arg11: memref<10240xf32, #tpu.memory_space<vmem>>, %arg12: memref<10000xi32, #tpu.memory_space<vmem>>, %arg13: memref<10000xi32, #tpu.memory_space<vmem>>, %arg14: memref<10000xi32, #tpu.memory_space<vmem>>, %arg15: memref<10000xf32, #tpu.memory_space<vmem>>, %arg16: memref<10000xf32, #tpu.memory_space<vmem>>, %arg17: memref<!tpu.dma_semaphore, #tpu.memory_space<semaphore_mem>>, %arg18: memref<!tpu.dma_semaphore, #tpu.memory_space<semaphore_mem>>, %arg19: memref<!tpu.dma_semaphore, #tpu.memory_space<semaphore_mem>>, %arg20: memref<!tpu.dma_semaphore, #tpu.memory_space<semaphore_mem>>) attributes {dimension_semantics = [#tpu.dimension_semantics<core_parallel>, #tpu.dimension_semantics<subcore_parallel>], iteration_bounds = array<i64: 2, 16>, scalar_prefetch = 0 : i64, scratch_operands = 13 : i64, tpu.core_type = #tpu.core_type<sc_vector_subcore>, window_params = [{transform_indices = #map}, {transform_indices = #map}, {transform_indices = #map}, {transform_indices = #map}, {transform_indices = #map}, {transform_indices = #map}]} {
    %mul3A = arith.constant 2 : i32
    %mul3A_0 = arith.muli %arg1, %mul3A : i32
    %add3A = arith.addi %mul3A_0, %arg0 : i32
    %mul3A_1 = arith.constant 10000 : i32
    %mul3A_2 = arith.muli %add3A, %mul3A_1 : i32
    %multiple_of3A = tpu.assume_multiple %mul3A_2, 8 : i32
    %dma_start3A = tpu.memref_slice %arg5[%multiple_of3A] : memref<640000xi32, #tpu.memory_space<hbm>> -> memref<10000xi32, #tpu.memory_space<hbm>>
    %dma_start3A_3 = tpu.memref_slice %arg5[%multiple_of3A] : memref<640000xi32, #tpu.memory_space<hbm>> -> memref<10000xi32, #tpu.memory_space<hbm>>
    tpu.enqueue_dma source(%dma_start3A_3 : memref<10000xi32, #tpu.memory_space<hbm>>) target(%arg12 : memref<10000xi32, #tpu.memory_space<vmem>>) target_semaphore(%arg19 : memref<!tpu.dma_semaphore, #tpu.memory_space<semaphore_mem>>)
    %mul3A_4 = arith.constant 10000 : i32
    %mul3A_5 = arith.muli %add3A, %mul3A_4 : i32
    %add3A_6 = arith.constant 320000 : i32
    %add3A_7 = arith.addi %add3A_6, %mul3A_5 : i32
    %multiple_of3A_8 = tpu.assume_multiple %add3A_7, 8 : i32
    %dma_start3A_9 = tpu.memref_slice %arg5[%multiple_of3A_8] : memref<640000xi32, #tpu.memory_space<hbm>> -> memref<10000xi32, #tpu.memory_space<hbm>>
    %dma_start3A_10 = tpu.memref_slice %arg5[%multiple_of3A_8] : memref<640000xi32, #tpu.memory_space<hbm>> -> memref<10000xi32, #tpu.memory_space<hbm>>
    tpu.enqueue_dma source(%dma_start3A_10 : memref<10000xi32, #tpu.memory_space<hbm>>) target(%arg13 : memref<10000xi32, #tpu.memory_space<vmem>>) target_semaphore(%arg19 : memref<!tpu.dma_semaphore, #tpu.memory_space<semaphore_mem>>)
    %dma_start3A_11 = tpu.memref_slice %arg6[%multiple_of3A] : memref<320000xi32, #tpu.memory_space<hbm>> -> memref<10000xi32, #tpu.memory_space<hbm>>
    %dma_start3A_12 = tpu.memref_slice %arg6[%multiple_of3A] : memref<320000xi32, #tpu.memory_space<hbm>> -> memref<10000xi32, #tpu.memory_space<hbm>>
    tpu.enqueue_dma source(%dma_start3A_12 : memref<10000xi32, #tpu.memory_space<hbm>>) target(%arg14 : memref<10000xi32, #tpu.memory_space<vmem>>) target_semaphore(%arg20 : memref<!tpu.dma_semaphore, #tpu.memory_space<semaphore_mem>>)
    %mul3A_13 = arith.constant 640 : i32
    %mul3A_14 = arith.muli %arg1, %mul3A_13 : i32
    %multiple_of3A_15 = tpu.assume_multiple %mul3A_14, 8 : i32
    "tpu.region"() ({
      %run_scoped3A = tpu.sem_alloc : memref<!tpu.dma_semaphore, #tpu.memory_space<semaphore_mem>>
      %dma_start3A_1031 = tpu.memref_slice %arg4[%multiple_of3A_15] : memref<10240xi32, #tpu.memory_space<hbm>> -> memref<640xi32, #tpu.memory_space<hbm>>
      %dma_start3A_1032 = tpu.memref_slice %arg4[%multiple_of3A_15] : memref<10240xi32, #tpu.memory_space<hbm>> -> memref<640xi32, #tpu.memory_space<hbm>>
      tpu.enqueue_dma source(%dma_start3A_1032 : memref<640xi32, #tpu.memory_space<hbm>>) target(%arg8 : memref<640xi32, #tpu.memory_space<vmem>>) target_semaphore(%run_scoped3A : memref<!tpu.dma_semaphore, #tpu.memory_space<semaphore_mem>>)
      %dma_wait3A_1033 = tpu.memref_slice %arg4[%multiple_of3A_15] : memref<10240xi32, #tpu.memory_space<hbm>> -> memref<640xi32, #tpu.memory_space<hbm>>
      %dma_wait3A_1034 = tpu.memref_slice %arg4[%multiple_of3A_15] : memref<10240xi32, #tpu.memory_space<hbm>> -> memref<640xi32, #tpu.memory_space<hbm>>
      tpu.wait_dma2 semaphore(%run_scoped3A : memref<!tpu.dma_semaphore, #tpu.memory_space<semaphore_mem>>) src(%dma_wait3A_1034 : memref<640xi32, #tpu.memory_space<hbm>>) dst(%arg8 : memref<640xi32, #tpu.memory_space<vmem>>)
      tpu.yield
    }) : () -> ()
    %dma_start3A_16 = arith.constant 0 : i32
    %dma_start3A_17 = tpu.memref_slice %arg9[%dma_start3A_16] : memref<640xf32, #tpu.memory_space<vmem>> -> memref<128xf32, #tpu.memory_space<vmem>>
    %dma_start3A_18 = arith.constant 0 : i32
    %dma_start3A_19 = tpu.memref_slice %arg8[%dma_start3A_18] : memref<640xi32, #tpu.memory_space<vmem>> -> memref<128xi32, #tpu.memory_space<vmem>>
    %dma_start3A_20 = arith.constant 0 : i32
    %dma_start3A_21 = tpu.memref_slice %arg2[%dma_start3A_20] : memref<100000xf32, #tpu.memory_space<hbm>> -> memref<100000xf32, #tpu.memory_space<hbm>>
    tpu.enqueue_indirect_dma source(%dma_start3A_21 : memref<100000xf32, #tpu.memory_space<hbm>>) target(%dma_start3A_17 : memref<128xf32, #tpu.memory_space<vmem>>) offsets(%dma_start3A_19 : memref<128xi32, #tpu.memory_space<vmem>>) semaphore(%arg17 : memref<!tpu.dma_semaphore, #tpu.memory_space<semaphore_mem>>)
    %dma_start3A_22 = arith.constant 128 : i32
    %dma_start3A_23 = tpu.memref_slice %arg9[%dma_start3A_22] : memref<640xf32, #tpu.memory_space<vmem>> -> memref<128xf32, #tpu.memory_space<vmem>>
    %dma_start3A_24 = arith.constant 128 : i32
    %dma_start3A_25 = tpu.memref_slice %arg8[%dma_start3A_24] : memref<640xi32, #tpu.memory_space<vmem>> -> memref<128xi32, #tpu.memory_space<vmem>>
    %dma_start3A_26 = arith.constant 0 : i32
    %dma_start3A_27 = tpu.memref_slice %arg2[%dma_start3A_26] : memref<100000xf32, #tpu.memory_space<hbm>> -> memref<100000xf32, #tpu.memory_space<hbm>>
    tpu.enqueue_indirect_dma source(%dma_start3A_27 : memref<100000xf32, #tpu.memory_space<hbm>>) target(%dma_start3A_23 : memref<128xf32, #tpu.memory_space<vmem>>) offsets(%dma_start3A_25 : memref<128xi32, #tpu.memory_space<vmem>>) semaphore(%arg17 : memref<!tpu.dma_semaphore, #tpu.memory_space<semaphore_mem>>)
    %dma_start3A_28 = arith.constant 256 : i32
    %dma_start3A_29 = tpu.memref_slice %arg9[%dma_start3A_28] : memref<640xf32, #tpu.memory_space<vmem>> -> memref<128xf32, #tpu.memory_space<vmem>>
    %dma_start3A_30 = arith.constant 256 : i32
    %dma_start3A_31 = tpu.memref_slice %arg8[%dma_start3A_30] : memref<640xi32, #tpu.memory_space<vmem>> -> memref<128xi32, #tpu.memory_space<vmem>>
    %dma_start3A_32 = arith.constant 0 : i32
    %dma_start3A_33 = tpu.memref_slice %arg2[%dma_start3A_32] : memref<100000xf32, #tpu.memory_space<hbm>> -> memref<100000xf32, #tpu.memory_space<hbm>>
    tpu.enqueue_indirect_dma source(%dma_start3A_33 : memref<100000xf32, #tpu.memory_space<hbm>>) target(%dma_start3A_29 : memref<128xf32, #tpu.memory_space<vmem>>) offsets(%dma_start3A_31 : memref<128xi32, #tpu.memory_space<vmem>>) semaphore(%arg17 : memref<!tpu.dma_semaphore, #tpu.memory_space<semaphore_mem>>)
    %dma_start3A_34 = arith.constant 384 : i32
    %dma_start3A_35 = tpu.memref_slice %arg9[%dma_start3A_34] : memref<640xf32, #tpu.memory_space<vmem>> -> memref<128xf32, #tpu.memory_space<vmem>>
    %dma_start3A_36 = arith.constant 384 : i32
    %dma_start3A_37 = tpu.memref_slice %arg8[%dma_start3A_36] : memref<640xi32, #tpu.memory_space<vmem>> -> memref<128xi32, #tpu.memory_space<vmem>>
    %dma_start3A_38 = arith.constant 0 : i32
    %dma_start3A_39 = tpu.memref_slice %arg2[%dma_start3A_38] : memref<100000xf32, #tpu.memory_space<hbm>> -> memref<100000xf32, #tpu.memory_space<hbm>>
    tpu.enqueue_indirect_dma source(%dma_start3A_39 : memref<100000xf32, #tpu.memory_space<hbm>>) target(%dma_start3A_35 : memref<128xf32, #tpu.memory_space<vmem>>) offsets(%dma_start3A_37 : memref<128xi32, #tpu.memory_space<vmem>>) semaphore(%arg17 : memref<!tpu.dma_semaphore, #tpu.memory_space<semaphore_mem>>)
    %dma_start3A_40 = arith.constant 512 : i32
    %dma_start3A_41 = tpu.memref_slice %arg9[%dma_start3A_40] : memref<640xf32, #tpu.memory_space<vmem>> -> memref<128xf32, #tpu.memory_space<vmem>>
    %dma_start3A_42 = arith.constant 512 : i32
    %dma_start3A_43 = tpu.memref_slice %arg8[%dma_start3A_42] : memref<640xi32, #tpu.memory_space<vmem>> -> memref<128xi32, #tpu.memory_space<vmem>>
    %dma_start3A_44 = arith.constant 0 : i32
    %dma_start3A_45 = tpu.memref_slice %arg2[%dma_start3A_44] : memref<100000xf32, #tpu.memory_space<hbm>> -> memref<100000xf32, #tpu.memory_space<hbm>>
    tpu.enqueue_indirect_dma source(%dma_start3A_45 : memref<100000xf32, #tpu.memory_space<hbm>>) target(%dma_start3A_41 : memref<128xf32, #tpu.memory_space<vmem>>) offsets(%dma_start3A_43 : memref<128xi32, #tpu.memory_space<vmem>>) semaphore(%arg17 : memref<!tpu.dma_semaphore, #tpu.memory_space<semaphore_mem>>)
    %dma_wait3A = tpu.memref_slice %arg6[%multiple_of3A] : memref<320000xi32, #tpu.memory_space<hbm>> -> memref<10000xi32, #tpu.memory_space<hbm>>
    %dma_wait3A_46 = tpu.memref_slice %arg6[%multiple_of3A] : memref<320000xi32, #tpu.memory_space<hbm>> -> memref<10000xi32, #tpu.memory_space<hbm>>
    tpu.wait_dma2 semaphore(%arg20 : memref<!tpu.dma_semaphore, #tpu.memory_space<semaphore_mem>>) src(%dma_wait3A_46 : memref<10000xi32, #tpu.memory_space<hbm>>) dst(%arg14 : memref<10000xi32, #tpu.memory_space<vmem>>)
    %dma_start3A_47 = arith.constant 0 : i32
    %dma_start3A_48 = tpu.memref_slice %arg15[%dma_start3A_47] : memref<10000xf32, #tpu.memory_space<vmem>> -> memref<128xf32, #tpu.memory_space<vmem>>
    %dma_start3A_49 = arith.constant 0 : i32
    %dma_start3A_50 = tpu.memref_slice %arg14[%dma_start3A_49] : memref<10000xi32, #tpu.memory_space<vmem>> -> memref<128xi32, #tpu.memory_space<vmem>>
    %dma_start3A_51 = arith.constant 0 : i32
    %dma_start3A_52 = tpu.memref_slice %arg3[%dma_start3A_51] : memref<400000xf32, #tpu.memory_space<hbm>> -> memref<400000xf32, #tpu.memory_space<hbm>>
    tpu.enqueue_indirect_dma source(%dma_start3A_52 : memref<400000xf32, #tpu.memory_space<hbm>>) target(%dma_start3A_48 : memref<128xf32, #tpu.memory_space<vmem>>) offsets(%dma_start3A_50 : memref<128xi32, #tpu.memory_space<vmem>>) semaphore(%arg18 : memref<!tpu.dma_semaphore, #tpu.memory_space<semaphore_mem>>)
    %dma_start3A_53 = arith.constant 128 : i32
    %dma_start3A_54 = tpu.memref_slice %arg15[%dma_start3A_53] : memref<10000xf32, #tpu.memory_space<vmem>> -> memref<128xf32, #tpu.memory_space<vmem>>
    %dma_start3A_55 = arith.constant 128 : i32
    %dma_start3A_56 = tpu.memref_slice %arg14[%dma_start3A_55] : memref<10000xi32, #tpu.memory_space<vmem>> -> memref<128xi32, #tpu.memory_space<vmem>>
    %dma_start3A_57 = arith.constant 0 : i32
    %dma_start3A_58 = tpu.memref_slice %arg3[%dma_start3A_57] : memref<400000xf32, #tpu.memory_space<hbm>> -> memref<400000xf32, #tpu.memory_space<hbm>>
    tpu.enqueue_indirect_dma source(%dma_start3A_58 : memref<400000xf32, #tpu.memory_space<hbm>>) target(%dma_start3A_54 : memref<128xf32, #tpu.memory_space<vmem>>) offsets(%dma_start3A_56 : memref<128xi32, #tpu.memory_space<vmem>>) semaphore(%arg18 : memref<!tpu.dma_semaphore, #tpu.memory_space<semaphore_mem>>)
    %dma_start3A_59 = arith.constant 256 : i32
    %dma_start3A_60 = tpu.memref_slice %arg15[%dma_start3A_59] : memref<10000xf32, #tpu.memory_space<vmem>> -> memref<128xf32, #tpu.memory_space<vmem>>
    %dma_start3A_61 = arith.constant 256 : i32
    %dma_start3A_62 = tpu.memref_slice %arg14[%dma_start3A_61] : memref<10000xi32, #tpu.memory_space<vmem>> -> memref<128xi32, #tpu.memory_space<vmem>>
    %dma_start3A_63 = arith.constant 0 : i32
    %dma_start3A_64 = tpu.memref_slice %arg3[%dma_start3A_63] : memref<400000xf32, #tpu.memory_space<hbm>> -> memref<400000xf32, #tpu.memory_space<hbm>>
    tpu.enqueue_indirect_dma source(%dma_start3A_64 : memref<400000xf32, #tpu.memory_space<hbm>>) target(%dma_start3A_60 : memref<128xf32, #tpu.memory_space<vmem>>) offsets(%dma_start3A_62 : memref<128xi32, #tpu.memory_space<vmem>>) semaphore(%arg18 : memref<!tpu.dma_semaphore, #tpu.memory_space<semaphore_mem>>)
    %dma_start3A_65 = arith.constant 384 : i32
    %dma_start3A_66 = tpu.memref_slice %arg15[%dma_start3A_65] : memref<10000xf32, #tpu.memory_space<vmem>> -> memref<128xf32, #tpu.memory_space<vmem>>
    %dma_start3A_67 = arith.constant 384 : i32
    %dma_start3A_68 = tpu.memref_slice %arg14[%dma_start3A_67] : memref<10000xi32, #tpu.memory_space<vmem>> -> memref<128xi32, #tpu.memory_space<vmem>>
    %dma_start3A_69 = arith.constant 0 : i32
    %dma_start3A_70 = tpu.memref_slice %arg3[%dma_start3A_69] : memref<400000xf32, #tpu.memory_space<hbm>> -> memref<400000xf32, #tpu.memory_space<hbm>>
    tpu.enqueue_indirect_dma source(%dma_start3A_70 : memref<400000xf32, #tpu.memory_space<hbm>>) target(%dma_start3A_66 : memref<128xf32, #tpu.memory_space<vmem>>) offsets(%dma_start3A_68 : memref<128xi32, #tpu.memory_space<vmem>>) semaphore(%arg18 : memref<!tpu.dma_semaphore, #tpu.memory_space<semaphore_mem>>)
    %dma_start3A_71 = arith.constant 512 : i32
    %dma_start3A_72 = tpu.memref_slice %arg15[%dma_start3A_71] : memref<10000xf32, #tpu.memory_space<vmem>> -> memref<128xf32, #tpu.memory_space<vmem>>
    %dma_start3A_73 = arith.constant 512 : i32
    %dma_start3A_74 = tpu.memref_slice %arg14[%dma_start3A_73] : memref<10000xi32, #tpu.memory_space<vmem>> -> memref<128xi32, #tpu.memory_space<vmem>>
    %dma_start3A_75 = arith.constant 0 : i32
    %dma_start3A_76 = tpu.memref_slice %arg3[%dma_start3A_75] : memref<400000xf32, #tpu.memory_space<hbm>> -> memref<400000xf32, #tpu.memory_space<hbm>>
    tpu.enqueue_indirect_dma source(%dma_start3A_76 : memref<400000xf32, #tpu.memory_space<hbm>>) target(%dma_start3A_72 : memref<128xf32, #tpu.memory_space<vmem>>) offsets(%dma_start3A_74 : memref<128xi32, #tpu.memory_space<vmem>>) semaphore(%arg18 : memref<!tpu.dma_semaphore, #tpu.memory_space<semaphore_mem>>)
    %dma_start3A_77 = arith.constant 640 : i32
    %dma_start3A_78 = tpu.memref_slice %arg15[%dma_start3A_77] : memref<10000xf32, #tpu.memory_space<vmem>> -> memref<128xf32, #tpu.memory_space<vmem>>
    %dma_start3A_79 = arith.constant 640 : i32
    %dma_start3A_80 = tpu.memref_slice %arg14[%dma_start3A_79] : memref<10000xi32, #tpu.memory_space<vmem>> -> memref<128xi32, #tpu.memory_space<vmem>>
    %dma_start3A_81 = arith.constant 0 : i32
    %dma_start3A_82 = tpu.memref_slice %arg3[%dma_start3A_81] : memref<400000xf32, #tpu.memory_space<hbm>> -> memref<400000xf32, #tpu.memory_space<hbm>>
    tpu.enqueue_indirect_dma source(%dma_start3A_82 : memref<400000xf32, #tpu.memory_space<hbm>>) target(%dma_start3A_78 : memref<128xf32, #tpu.memory_space<vmem>>) offsets(%dma_start3A_80 : memref<128xi32, #tpu.memory_space<vmem>>) semaphore(%arg18 : memref<!tpu.dma_semaphore, #tpu.memory_space<semaphore_mem>>)
    %dma_start3A_83 = arith.constant 768 : i32
    %dma_start3A_84 = tpu.memref_slice %arg15[%dma_start3A_83] : memref<10000xf32, #tpu.memory_space<vmem>> -> memref<128xf32, #tpu.memory_space<vmem>>
    %dma_start3A_85 = arith.constant 768 : i32
    %dma_start3A_86 = tpu.memref_slice %arg14[%dma_start3A_85] : memref<10000xi32, #tpu.memory_space<vmem>> -> memref<128xi32, #tpu.memory_space<vmem>>
    %dma_start3A_87 = arith.constant 0 : i32
    %dma_start3A_88 = tpu.memref_slice %arg3[%dma_start3A_87] : memref<400000xf32, #tpu.memory_space<hbm>> -> memref<400000xf32, #tpu.memory_space<hbm>>
    tpu.enqueue_indirect_dma source(%dma_start3A_88 : memref<400000xf32, #tpu.memory_space<hbm>>) target(%dma_start3A_84 : memref<128xf32, #tpu.memory_space<vmem>>) offsets(%dma_start3A_86 : memref<128xi32, #tpu.memory_space<vmem>>) semaphore(%arg18 : memref<!tpu.dma_semaphore, #tpu.memory_space<semaphore_mem>>)
    %dma_start3A_89 = arith.constant 896 : i32
    %dma_start3A_90 = tpu.memref_slice %arg15[%dma_start3A_89] : memref<10000xf32, #tpu.memory_space<vmem>> -> memref<128xf32, #tpu.memory_space<vmem>>
    %dma_start3A_91 = arith.constant 896 : i32
    %dma_start3A_92 = tpu.memref_slice %arg14[%dma_start3A_91] : memref<10000xi32, #tpu.memory_space<vmem>> -> memref<128xi32, #tpu.memory_space<vmem>>
    %dma_start3A_93 = arith.constant 0 : i32
    %dma_start3A_94 = tpu.memref_slice %arg3[%dma_start3A_93] : memref<400000xf32, #tpu.memory_space<hbm>> -> memref<400000xf32, #tpu.memory_space<hbm>>
    tpu.enqueue_indirect_dma source(%dma_start3A_94 : memref<400000xf32, #tpu.memory_space<hbm>>) target(%dma_start3A_90 : memref<128xf32, #tpu.memory_space<vmem>>) offsets(%dma_start3A_92 : memref<128xi32, #tpu.memory_space<vmem>>) semaphore(%arg18 : memref<!tpu.dma_semaphore, #tpu.memory_space<semaphore_mem>>)
    %dma_start3A_95 = arith.constant 1024 : i32
    %dma_start3A_96 = tpu.memref_slice %arg15[%dma_start3A_95] : memref<10000xf32, #tpu.memory_space<vmem>> -> memref<128xf32, #tpu.memory_space<vmem>>
    %dma_start3A_97 = arith.constant 1024 : i32
    %dma_start3A_98 = tpu.memref_slice %arg14[%dma_start3A_97] : memref<10000xi32, #tpu.memory_space<vmem>> -> memref<128xi32, #tpu.memory_space<vmem>>
    %dma_start3A_99 = arith.constant 0 : i32
    %dma_start3A_100 = tpu.memref_slice %arg3[%dma_start3A_99] : memref<400000xf32, #tpu.memory_space<hbm>> -> memref<400000xf32, #tpu.memory_space<hbm>>
    tpu.enqueue_indirect_dma source(%dma_start3A_100 : memref<400000xf32, #tpu.memory_space<hbm>>) target(%dma_start3A_96 : memref<128xf32, #tpu.memory_space<vmem>>) offsets(%dma_start3A_98 : memref<128xi32, #tpu.memory_space<vmem>>) semaphore(%arg18 : memref<!tpu.dma_semaphore, #tpu.memory_space<semaphore_mem>>)
    %dma_start3A_101 = arith.constant 1152 : i32
    %dma_start3A_102 = tpu.memref_slice %arg15[%dma_start3A_101] : memref<10000xf32, #tpu.memory_space<vmem>> -> memref<128xf32, #tpu.memory_space<vmem>>
    %dma_start3A_103 = arith.constant 1152 : i32
    %dma_start3A_104 = tpu.memref_slice %arg14[%dma_start3A_103] : memref<10000xi32, #tpu.memory_space<vmem>> -> memref<128xi32, #tpu.memory_space<vmem>>
    %dma_start3A_105 = arith.constant 0 : i32
    %dma_start3A_106 = tpu.memref_slice %arg3[%dma_start3A_105] : memref<400000xf32, #tpu.memory_space<hbm>> -> memref<400000xf32, #tpu.memory_space<hbm>>
    tpu.enqueue_indirect_dma source(%dma_start3A_106 : memref<400000xf32, #tpu.memory_space<hbm>>) target(%dma_start3A_102 : memref<128xf32, #tpu.memory_space<vmem>>) offsets(%dma_start3A_104 : memref<128xi32, #tpu.memory_space<vmem>>) semaphore(%arg18 : memref<!tpu.dma_semaphore, #tpu.memory_space<semaphore_mem>>)
    %dma_start3A_107 = arith.constant 1280 : i32
    %dma_start3A_108 = tpu.memref_slice %arg15[%dma_start3A_107] : memref<10000xf32, #tpu.memory_space<vmem>> -> memref<128xf32, #tpu.memory_space<vmem>>
    %dma_start3A_109 = arith.constant 1280 : i32
    %dma_start3A_110 = tpu.memref_slice %arg14[%dma_start3A_109] : memref<10000xi32, #tpu.memory_space<vmem>> -> memref<128xi32, #tpu.memory_space<vmem>>
    %dma_start3A_111 = arith.constant 0 : i32
    %dma_start3A_112 = tpu.memref_slice %arg3[%dma_start3A_111] : memref<400000xf32, #tpu.memory_space<hbm>> -> memref<400000xf32, #tpu.memory_space<hbm>>
    tpu.enqueue_indirect_dma source(%dma_start3A_112 : memref<400000xf32, #tpu.memory_space<hbm>>) target(%dma_start3A_108 : memref<128xf32, #tpu.memory_space<vmem>>) offsets(%dma_start3A_110 : memref<128xi32, #tpu.memory_space<vmem>>) semaphore(%arg18 : memref<!tpu.dma_semaphore, #tpu.memory_space<semaphore_mem>>)
    %dma_start3A_113 = arith.constant 1408 : i32
    %dma_start3A_114 = tpu.memref_slice %arg15[%dma_start3A_113] : memref<10000xf32, #tpu.memory_space<vmem>> -> memref<128xf32, #tpu.memory_space<vmem>>
    %dma_start3A_115 = arith.constant 1408 : i32
    %dma_start3A_116 = tpu.memref_slice %arg14[%dma_start3A_115] : memref<10000xi32, #tpu.memory_space<vmem>> -> memref<128xi32, #tpu.memory_space<vmem>>
    %dma_start3A_117 = arith.constant 0 : i32
    %dma_start3A_118 = tpu.memref_slice %arg3[%dma_start3A_117] : memref<400000xf32, #tpu.memory_space<hbm>> -> memref<400000xf32, #tpu.memory_space<hbm>>
    tpu.enqueue_indirect_dma source(%dma_start3A_118 : memref<400000xf32, #tpu.memory_space<hbm>>) target(%dma_start3A_114 : memref<128xf32, #tpu.memory_space<vmem>>) offsets(%dma_start3A_116 : memref<128xi32, #tpu.memory_space<vmem>>) semaphore(%arg18 : memref<!tpu.dma_semaphore, #tpu.memory_space<semaphore_mem>>)
    %dma_start3A_119 = arith.constant 1536 : i32
    %dma_start3A_120 = tpu.memref_slice %arg15[%dma_start3A_119] : memref<10000xf32, #tpu.memory_space<vmem>> -> memref<128xf32, #tpu.memory_space<vmem>>
    %dma_start3A_121 = arith.constant 1536 : i32
    %dma_start3A_122 = tpu.memref_slice %arg14[%dma_start3A_121] : memref<10000xi32, #tpu.memory_space<vmem>> -> memref<128xi32, #tpu.memory_space<vmem>>
    %dma_start3A_123 = arith.constant 0 : i32
    %dma_start3A_124 = tpu.memref_slice %arg3[%dma_start3A_123] : memref<400000xf32, #tpu.memory_space<hbm>> -> memref<400000xf32, #tpu.memory_space<hbm>>
    tpu.enqueue_indirect_dma source(%dma_start3A_124 : memref<400000xf32, #tpu.memory_space<hbm>>) target(%dma_start3A_120 : memref<128xf32, #tpu.memory_space<vmem>>) offsets(%dma_start3A_122 : memref<128xi32, #tpu.memory_space<vmem>>) semaphore(%arg18 : memref<!tpu.dma_semaphore, #tpu.memory_space<semaphore_mem>>)
    %dma_wait3A_125 = arith.constant 0 : i32
    %dma_wait3A_126 = tpu.memref_slice %arg9[%dma_wait3A_125] : memref<640xf32, #tpu.memory_space<vmem>> -> memref<128xf32, #tpu.memory_space<vmem>>
    %dma_wait3A_127 = arith.constant 0 : i32
    %dma_wait3A_128 = tpu.memref_slice %arg8[%dma_wait3A_127] : memref<640xi32, #tpu.memory_space<vmem>> -> memref<128xi32, #tpu.memory_space<vmem>>
    %dma_wait3A_129 = arith.constant 0 : i32
    %dma_wait3A_130 = tpu.memref_slice %arg2[%dma_wait3A_129] : memref<100000xf32, #tpu.memory_space<hbm>> -> memref<100000xf32, #tpu.memory_space<hbm>>
    tpu.wait_indirect_dma semaphore(%arg17 : memref<!tpu.dma_semaphore, #tpu.memory_space<semaphore_mem>>) src(%dma_wait3A_130 : memref<100000xf32, #tpu.memory_space<hbm>>) dst(%dma_wait3A_126 : memref<128xf32, #tpu.memory_space<vmem>>)
    %dma_wait3A_131 = arith.constant 128 : i32
    %dma_wait3A_132 = tpu.memref_slice %arg9[%dma_wait3A_131] : memref<640xf32, #tpu.memory_space<vmem>> -> memref<128xf32, #tpu.memory_space<vmem>>
    %dma_wait3A_133 = arith.constant 128 : i32
    %dma_wait3A_134 = tpu.memref_slice %arg8[%dma_wait3A_133] : memref<640xi32, #tpu.memory_space<vmem>> -> memref<128xi32, #tpu.memory_space<vmem>>
    %dma_wait3A_135 = arith.constant 0 : i32
    %dma_wait3A_136 = tpu.memref_slice %arg2[%dma_wait3A_135] : memref<100000xf32, #tpu.memory_space<hbm>> -> memref<100000xf32, #tpu.memory_space<hbm>>
    tpu.wait_indirect_dma semaphore(%arg17 : memref<!tpu.dma_semaphore, #tpu.memory_space<semaphore_mem>>) src(%dma_wait3A_136 : memref<100000xf32, #tpu.memory_space<hbm>>) dst(%dma_wait3A_132 : memref<128xf32, #tpu.memory_space<vmem>>)
    %dma_wait3A_137 = arith.constant 256 : i32
    %dma_wait3A_138 = tpu.memref_slice %arg9[%dma_wait3A_137] : memref<640xf32, #tpu.memory_space<vmem>> -> memref<128xf32, #tpu.memory_space<vmem>>
    %dma_wait3A_139 = arith.constant 256 : i32
    %dma_wait3A_140 = tpu.memref_slice %arg8[%dma_wait3A_139] : memref<640xi32, #tpu.memory_space<vmem>> -> memref<128xi32, #tpu.memory_space<vmem>>
    %dma_wait3A_141 = arith.constant 0 : i32
    %dma_wait3A_142 = tpu.memref_slice %arg2[%dma_wait3A_141] : memref<100000xf32, #tpu.memory_space<hbm>> -> memref<100000xf32, #tpu.memory_space<hbm>>
    tpu.wait_indirect_dma semaphore(%arg17 : memref<!tpu.dma_semaphore, #tpu.memory_space<semaphore_mem>>) src(%dma_wait3A_142 : memref<100000xf32, #tpu.memory_space<hbm>>) dst(%dma_wait3A_138 : memref<128xf32, #tpu.memory_space<vmem>>)
    %dma_wait3A_143 = arith.constant 384 : i32
    %dma_wait3A_144 = tpu.memref_slice %arg9[%dma_wait3A_143] : memref<640xf32, #tpu.memory_space<vmem>> -> memref<128xf32, #tpu.memory_space<vmem>>
    %dma_wait3A_145 = arith.constant 384 : i32
    %dma_wait3A_146 = tpu.memref_slice %arg8[%dma_wait3A_145] : memref<640xi32, #tpu.memory_space<vmem>> -> memref<128xi32, #tpu.memory_space<vmem>>
    %dma_wait3A_147 = arith.constant 0 : i32
    %dma_wait3A_148 = tpu.memref_slice %arg2[%dma_wait3A_147] : memref<100000xf32, #tpu.memory_space<hbm>> -> memref<100000xf32, #tpu.memory_space<hbm>>
    tpu.wait_indirect_dma semaphore(%arg17 : memref<!tpu.dma_semaphore, #tpu.memory_space<semaphore_mem>>) src(%dma_wait3A_148 : memref<100000xf32, #tpu.memory_space<hbm>>) dst(%dma_wait3A_144 : memref<128xf32, #tpu.memory_space<vmem>>)
    %dma_wait3A_149 = arith.constant 512 : i32
    %dma_wait3A_150 = tpu.memref_slice %arg9[%dma_wait3A_149] : memref<640xf32, #tpu.memory_space<vmem>> -> memref<128xf32, #tpu.memory_space<vmem>>
    %dma_wait3A_151 = arith.constant 512 : i32
    %dma_wait3A_152 = tpu.memref_slice %arg8[%dma_wait3A_151] : memref<640xi32, #tpu.memory_space<vmem>> -> memref<128xi32, #tpu.memory_space<vmem>>
    %dma_wait3A_153 = arith.constant 0 : i32
    %dma_wait3A_154 = tpu.memref_slice %arg2[%dma_wait3A_153] : memref<100000xf32, #tpu.memory_space<hbm>> -> memref<100000xf32, #tpu.memory_space<hbm>>
    tpu.wait_indirect_dma semaphore(%arg17 : memref<!tpu.dma_semaphore, #tpu.memory_space<semaphore_mem>>) src(%dma_wait3A_154 : memref<100000xf32, #tpu.memory_space<hbm>>) dst(%dma_wait3A_150 : memref<128xf32, #tpu.memory_space<vmem>>)
    "tpu.region"() ({
      %run_scoped3A = tpu.sem_alloc : memref<!tpu.dma_semaphore, #tpu.memory_space<semaphore_mem>>
      %dma_start3A_1031 = tpu.memref_slice %arg10[%multiple_of3A_15] : memref<10240xf32, #tpu.memory_space<vmem_shared>> -> memref<640xf32, #tpu.memory_space<vmem_shared>>
      %dma_start3A_1032 = tpu.memref_slice %arg10[%multiple_of3A_15] : memref<10240xf32, #tpu.memory_space<vmem_shared>> -> memref<640xf32, #tpu.memory_space<vmem_shared>>
      tpu.enqueue_dma source(%arg9 : memref<640xf32, #tpu.memory_space<vmem>>) target(%dma_start3A_1032 : memref<640xf32, #tpu.memory_space<vmem_shared>>) target_semaphore(%run_scoped3A : memref<!tpu.dma_semaphore, #tpu.memory_space<semaphore_mem>>)
      %dma_wait3A_1033 = tpu.memref_slice %arg10[%multiple_of3A_15] : memref<10240xf32, #tpu.memory_space<vmem_shared>> -> memref<640xf32, #tpu.memory_space<vmem_shared>>
      %dma_wait3A_1034 = tpu.memref_slice %arg10[%multiple_of3A_15] : memref<10240xf32, #tpu.memory_space<vmem_shared>> -> memref<640xf32, #tpu.memory_space<vmem_shared>>
      tpu.wait_dma2 semaphore(%run_scoped3A : memref<!tpu.dma_semaphore, #tpu.memory_space<semaphore_mem>>) src(%arg9 : memref<640xf32, #tpu.memory_space<vmem>>) dst(%dma_wait3A_1034 : memref<640xf32, #tpu.memory_space<vmem_shared>>)
      tpu.yield
    }) : () -> ()
    %barrier3A = arith.constant 0 : index
    tpu.barrier barrier_id(%barrier3A)
    "tpu.region"() ({
      %run_scoped3A = tpu.sem_alloc : memref<!tpu.dma_semaphore, #tpu.memory_space<semaphore_mem>>
      tpu.enqueue_dma source(%arg10 : memref<10240xf32, #tpu.memory_space<vmem_shared>>) target(%arg11 : memref<10240xf32, #tpu.memory_space<vmem>>) target_semaphore(%run_scoped3A : memref<!tpu.dma_semaphore, #tpu.memory_space<semaphore_mem>>)
      tpu.wait_dma2 semaphore(%run_scoped3A : memref<!tpu.dma_semaphore, #tpu.memory_space<semaphore_mem>>) src(%arg10 : memref<10240xf32, #tpu.memory_space<vmem_shared>>) dst(%arg11 : memref<10240xf32, #tpu.memory_space<vmem>>)
      tpu.yield
    }) : () -> ()
    %dma_start3A_155 = arith.constant 1664 : i32
    %dma_start3A_156 = tpu.memref_slice %arg15[%dma_start3A_155] : memref<10000xf32, #tpu.memory_space<vmem>> -> memref<128xf32, #tpu.memory_space<vmem>>
    %dma_start3A_157 = arith.constant 1664 : i32
    %dma_start3A_158 = tpu.memref_slice %arg14[%dma_start3A_157] : memref<10000xi32, #tpu.memory_space<vmem>> -> memref<128xi32, #tpu.memory_space<vmem>>
    %dma_start3A_159 = arith.constant 0 : i32
    %dma_start3A_160 = tpu.memref_slice %arg3[%dma_start3A_159] : memref<400000xf32, #tpu.memory_space<hbm>> -> memref<400000xf32, #tpu.memory_space<hbm>>
    tpu.enqueue_indirect_dma source(%dma_start3A_160 : memref<400000xf32, #tpu.memory_space<hbm>>) target(%dma_start3A_156 : memref<128xf32, #tpu.memory_space<vmem>>) offsets(%dma_start3A_158 : memref<128xi32, #tpu.memory_space<vmem>>) semaphore(%arg18 : memref<!tpu.dma_semaphore, #tpu.memory_space<semaphore_mem>>)
    %dma_wait3A_161 = arith.constant 0 : i32
    %dma_wait3A_162 = tpu.memref_slice %arg15[%dma_wait3A_161] : memref<10000xf32, #tpu.memory_space<vmem>> -> memref<128xf32, #tpu.memory_space<vmem>>
    %dma_wait3A_163 = arith.constant 0 : i32
    %dma_wait3A_164 = tpu.memref_slice %arg14[%dma_wait3A_163] : memref<10000xi32, #tpu.memory_space<vmem>> -> memref<128xi32, #tpu.memory_space<vmem>>
    %dma_wait3A_165 = arith.constant 0 : i32
    %dma_wait3A_166 = tpu.memref_slice %arg3[%dma_wait3A_165] : memref<400000xf32, #tpu.memory_space<hbm>> -> memref<400000xf32, #tpu.memory_space<hbm>>
    tpu.wait_indirect_dma semaphore(%arg18 : memref<!tpu.dma_semaphore, #tpu.memory_space<semaphore_mem>>) src(%dma_wait3A_166 : memref<400000xf32, #tpu.memory_space<hbm>>) dst(%dma_wait3A_162 : memref<128xf32, #tpu.memory_space<vmem>>)
    %dma_start3A_167 = arith.constant 1792 : i32
    %dma_start3A_168 = tpu.memref_slice %arg15[%dma_start3A_167] : memref<10000xf32, #tpu.memory_space<vmem>> -> memref<128xf32, #tpu.memory_space<vmem>>
    %dma_start3A_169 = arith.constant 1792 : i32
    %dma_start3A_170 = tpu.memref_slice %arg14[%dma_start3A_169] : memref<10000xi32, #tpu.memory_space<vmem>> -> memref<128xi32, #tpu.memory_space<vmem>>
    %dma_start3A_171 = arith.constant 0 : i32
    %dma_start3A_172 = tpu.memref_slice %arg3[%dma_start3A_171] : memref<400000xf32, #tpu.memory_space<hbm>> -> memref<400000xf32, #tpu.memory_space<hbm>>
    tpu.enqueue_indirect_dma source(%dma_start3A_172 : memref<400000xf32, #tpu.memory_space<hbm>>) target(%dma_start3A_168 : memref<128xf32, #tpu.memory_space<vmem>>) offsets(%dma_start3A_170 : memref<128xi32, #tpu.memory_space<vmem>>) semaphore(%arg18 : memref<!tpu.dma_semaphore, #tpu.memory_space<semaphore_mem>>)
    %dma_wait3A_173 = arith.constant 128 : i32
    %dma_wait3A_174 = tpu.memref_slice %arg15[%dma_wait3A_173] : memref<10000xf32, #tpu.memory_space<vmem>> -> memref<128xf32, #tpu.memory_space<vmem>>
    %dma_wait3A_175 = arith.constant 128 : i32
    %dma_wait3A_176 = tpu.memref_slice %arg14[%dma_wait3A_175] : memref<10000xi32, #tpu.memory_space<vmem>> -> memref<128xi32, #tpu.memory_space<vmem>>
    %dma_wait3A_177 = arith.constant 0 : i32
    %dma_wait3A_178 = tpu.memref_slice %arg3[%dma_wait3A_177] : memref<400000xf32, #tpu.memory_space<hbm>> -> memref<400000xf32, #tpu.memory_space<hbm>>
    tpu.wait_indirect_dma semaphore(%arg18 : memref<!tpu.dma_semaphore, #tpu.memory_space<semaphore_mem>>) src(%dma_wait3A_178 : memref<400000xf32, #tpu.memory_space<hbm>>) dst(%dma_wait3A_174 : memref<128xf32, #tpu.memory_space<vmem>>)
    %dma_start3A_179 = arith.constant 1920 : i32
    %dma_start3A_180 = tpu.memref_slice %arg15[%dma_start3A_179] : memref<10000xf32, #tpu.memory_space<vmem>> -> memref<128xf32, #tpu.memory_space<vmem>>
    %dma_start3A_181 = arith.constant 1920 : i32
    %dma_start3A_182 = tpu.memref_slice %arg14[%dma_start3A_181] : memref<10000xi32, #tpu.memory_space<vmem>> -> memref<128xi32, #tpu.memory_space<vmem>>
    %dma_start3A_183 = arith.constant 0 : i32
    %dma_start3A_184 = tpu.memref_slice %arg3[%dma_start3A_183] : memref<400000xf32, #tpu.memory_space<hbm>> -> memref<400000xf32, #tpu.memory_space<hbm>>
    tpu.enqueue_indirect_dma source(%dma_start3A_184 : memref<400000xf32, #tpu.memory_space<hbm>>) target(%dma_start3A_180 : memref<128xf32, #tpu.memory_space<vmem>>) offsets(%dma_start3A_182 : memref<128xi32, #tpu.memory_space<vmem>>) semaphore(%arg18 : memref<!tpu.dma_semaphore, #tpu.memory_space<semaphore_mem>>)
    %dma_wait3A_185 = arith.constant 256 : i32
    %dma_wait3A_186 = tpu.memref_slice %arg15[%dma_wait3A_185] : memref<10000xf32, #tpu.memory_space<vmem>> -> memref<128xf32, #tpu.memory_space<vmem>>
    %dma_wait3A_187 = arith.constant 256 : i32
    %dma_wait3A_188 = tpu.memref_slice %arg14[%dma_wait3A_187] : memref<10000xi32, #tpu.memory_space<vmem>> -> memref<128xi32, #tpu.memory_space<vmem>>
    %dma_wait3A_189 = arith.constant 0 : i32
    %dma_wait3A_190 = tpu.memref_slice %arg3[%dma_wait3A_189] : memref<400000xf32, #tpu.memory_space<hbm>> -> memref<400000xf32, #tpu.memory_space<hbm>>
    tpu.wait_indirect_dma semaphore(%arg18 : memref<!tpu.dma_semaphore, #tpu.memory_space<semaphore_mem>>) src(%dma_wait3A_190 : memref<400000xf32, #tpu.memory_space<hbm>>) dst(%dma_wait3A_186 : memref<128xf32, #tpu.memory_space<vmem>>)
    %dma_start3A_191 = arith.constant 2048 : i32
    %dma_start3A_192 = tpu.memref_slice %arg15[%dma_start3A_191] : memref<10000xf32, #tpu.memory_space<vmem>> -> memref<128xf32, #tpu.memory_space<vmem>>
    %dma_start3A_193 = arith.constant 2048 : i32
    %dma_start3A_194 = tpu.memref_slice %arg14[%dma_start3A_193] : memref<10000xi32, #tpu.memory_space<vmem>> -> memref<128xi32, #tpu.memory_space<vmem>>
    %dma_start3A_195 = arith.constant 0 : i32
    %dma_start3A_196 = tpu.memref_slice %arg3[%dma_start3A_195] : memref<400000xf32, #tpu.memory_space<hbm>> -> memref<400000xf32, #tpu.memory_space<hbm>>
    tpu.enqueue_indirect_dma source(%dma_start3A_196 : memref<400000xf32, #tpu.memory_space<hbm>>) target(%dma_start3A_192 : memref<128xf32, #tpu.memory_space<vmem>>) offsets(%dma_start3A_194 : memref<128xi32, #tpu.memory_space<vmem>>) semaphore(%arg18 : memref<!tpu.dma_semaphore, #tpu.memory_space<semaphore_mem>>)
    %dma_wait3A_197 = arith.constant 384 : i32
    %dma_wait3A_198 = tpu.memref_slice %arg15[%dma_wait3A_197] : memref<10000xf32, #tpu.memory_space<vmem>> -> memref<128xf32, #tpu.memory_space<vmem>>
    %dma_wait3A_199 = arith.constant 384 : i32
    %dma_wait3A_200 = tpu.memref_slice %arg14[%dma_wait3A_199] : memref<10000xi32, #tpu.memory_space<vmem>> -> memref<128xi32, #tpu.memory_space<vmem>>
    %dma_wait3A_201 = arith.constant 0 : i32
    %dma_wait3A_202 = tpu.memref_slice %arg3[%dma_wait3A_201] : memref<400000xf32, #tpu.memory_space<hbm>> -> memref<400000xf32, #tpu.memory_space<hbm>>
    tpu.wait_indirect_dma semaphore(%arg18 : memref<!tpu.dma_semaphore, #tpu.memory_space<semaphore_mem>>) src(%dma_wait3A_202 : memref<400000xf32, #tpu.memory_space<hbm>>) dst(%dma_wait3A_198 : memref<128xf32, #tpu.memory_space<vmem>>)
    %dma_start3A_203 = arith.constant 2176 : i32
    %dma_start3A_204 = tpu.memref_slice %arg15[%dma_start3A_203] : memref<10000xf32, #tpu.memory_space<vmem>> -> memref<128xf32, #tpu.memory_space<vmem>>
    %dma_start3A_205 = arith.constant 2176 : i32
    %dma_start3A_206 = tpu.memref_slice %arg14[%dma_start3A_205] : memref<10000xi32, #tpu.memory_space<vmem>> -> memref<128xi32, #tpu.memory_space<vmem>>
    %dma_start3A_207 = arith.constant 0 : i32
    %dma_start3A_208 = tpu.memref_slice %arg3[%dma_start3A_207] : memref<400000xf32, #tpu.memory_space<hbm>> -> memref<400000xf32, #tpu.memory_space<hbm>>
    tpu.enqueue_indirect_dma source(%dma_start3A_208 : memref<400000xf32, #tpu.memory_space<hbm>>) target(%dma_start3A_204 : memref<128xf32, #tpu.memory_space<vmem>>) offsets(%dma_start3A_206 : memref<128xi32, #tpu.memory_space<vmem>>) semaphore(%arg18 : memref<!tpu.dma_semaphore, #tpu.memory_space<semaphore_mem>>)
    %dma_wait3A_209 = arith.constant 512 : i32
    %dma_wait3A_210 = tpu.memref_slice %arg15[%dma_wait3A_209] : memref<10000xf32, #tpu.memory_space<vmem>> -> memref<128xf32, #tpu.memory_space<vmem>>
    %dma_wait3A_211 = arith.constant 512 : i32
    %dma_wait3A_212 = tpu.memref_slice %arg14[%dma_wait3A_211] : memref<10000xi32, #tpu.memory_space<vmem>> -> memref<128xi32, #tpu.memory_space<vmem>>
    %dma_wait3A_213 = arith.constant 0 : i32
    %dma_wait3A_214 = tpu.memref_slice %arg3[%dma_wait3A_213] : memref<400000xf32, #tpu.memory_space<hbm>> -> memref<400000xf32, #tpu.memory_space<hbm>>
    tpu.wait_indirect_dma semaphore(%arg18 : memref<!tpu.dma_semaphore, #tpu.memory_space<semaphore_mem>>) src(%dma_wait3A_214 : memref<400000xf32, #tpu.memory_space<hbm>>) dst(%dma_wait3A_210 : memref<128xf32, #tpu.memory_space<vmem>>)
    %dma_start3A_215 = arith.constant 2304 : i32
    %dma_start3A_216 = tpu.memref_slice %arg15[%dma_start3A_215] : memref<10000xf32, #tpu.memory_space<vmem>> -> memref<128xf32, #tpu.memory_space<vmem>>
    %dma_start3A_217 = arith.constant 2304 : i32
    %dma_start3A_218 = tpu.memref_slice %arg14[%dma_start3A_217] : memref<10000xi32, #tpu.memory_space<vmem>> -> memref<128xi32, #tpu.memory_space<vmem>>
    %dma_start3A_219 = arith.constant 0 : i32
    %dma_start3A_220 = tpu.memref_slice %arg3[%dma_start3A_219] : memref<400000xf32, #tpu.memory_space<hbm>> -> memref<400000xf32, #tpu.memory_space<hbm>>
    tpu.enqueue_indirect_dma source(%dma_start3A_220 : memref<400000xf32, #tpu.memory_space<hbm>>) target(%dma_start3A_216 : memref<128xf32, #tpu.memory_space<vmem>>) offsets(%dma_start3A_218 : memref<128xi32, #tpu.memory_space<vmem>>) semaphore(%arg18 : memref<!tpu.dma_semaphore, #tpu.memory_space<semaphore_mem>>)
    %dma_wait3A_221 = arith.constant 640 : i32
    %dma_wait3A_222 = tpu.memref_slice %arg15[%dma_wait3A_221] : memref<10000xf32, #tpu.memory_space<vmem>> -> memref<128xf32, #tpu.memory_space<vmem>>
    %dma_wait3A_223 = arith.constant 640 : i32
    %dma_wait3A_224 = tpu.memref_slice %arg14[%dma_wait3A_223] : memref<10000xi32, #tpu.memory_space<vmem>> -> memref<128xi32, #tpu.memory_space<vmem>>
    %dma_wait3A_225 = arith.constant 0 : i32
    %dma_wait3A_226 = tpu.memref_slice %arg3[%dma_wait3A_225] : memref<400000xf32, #tpu.memory_space<hbm>> -> memref<400000xf32, #tpu.memory_space<hbm>>
    tpu.wait_indirect_dma semaphore(%arg18 : memref<!tpu.dma_semaphore, #tpu.memory_space<semaphore_mem>>) src(%dma_wait3A_226 : memref<400000xf32, #tpu.memory_space<hbm>>) dst(%dma_wait3A_222 : memref<128xf32, #tpu.memory_space<vmem>>)
    %dma_start3A_227 = arith.constant 2432 : i32
    %dma_start3A_228 = tpu.memref_slice %arg15[%dma_start3A_227] : memref<10000xf32, #tpu.memory_space<vmem>> -> memref<128xf32, #tpu.memory_space<vmem>>
    %dma_start3A_229 = arith.constant 2432 : i32
    %dma_start3A_230 = tpu.memref_slice %arg14[%dma_start3A_229] : memref<10000xi32, #tpu.memory_space<vmem>> -> memref<128xi32, #tpu.memory_space<vmem>>
    %dma_start3A_231 = arith.constant 0 : i32
    %dma_start3A_232 = tpu.memref_slice %arg3[%dma_start3A_231] : memref<400000xf32, #tpu.memory_space<hbm>> -> memref<400000xf32, #tpu.memory_space<hbm>>
    tpu.enqueue_indirect_dma source(%dma_start3A_232 : memref<400000xf32, #tpu.memory_space<hbm>>) target(%dma_start3A_228 : memref<128xf32, #tpu.memory_space<vmem>>) offsets(%dma_start3A_230 : memref<128xi32, #tpu.memory_space<vmem>>) semaphore(%arg18 : memref<!tpu.dma_semaphore, #tpu.memory_space<semaphore_mem>>)
    %dma_wait3A_233 = arith.constant 768 : i32
    %dma_wait3A_234 = tpu.memref_slice %arg15[%dma_wait3A_233] : memref<10000xf32, #tpu.memory_space<vmem>> -> memref<128xf32, #tpu.memory_space<vmem>>
    %dma_wait3A_235 = arith.constant 768 : i32
    %dma_wait3A_236 = tpu.memref_slice %arg14[%dma_wait3A_235] : memref<10000xi32, #tpu.memory_space<vmem>> -> memref<128xi32, #tpu.memory_space<vmem>>
    %dma_wait3A_237 = arith.constant 0 : i32
    %dma_wait3A_238 = tpu.memref_slice %arg3[%dma_wait3A_237] : memref<400000xf32, #tpu.memory_space<hbm>> -> memref<400000xf32, #tpu.memory_space<hbm>>
    tpu.wait_indirect_dma semaphore(%arg18 : memref<!tpu.dma_semaphore, #tpu.memory_space<semaphore_mem>>) src(%dma_wait3A_238 : memref<400000xf32, #tpu.memory_space<hbm>>) dst(%dma_wait3A_234 : memref<128xf32, #tpu.memory_space<vmem>>)
    %dma_start3A_239 = arith.constant 2560 : i32
    %dma_start3A_240 = tpu.memref_slice %arg15[%dma_start3A_239] : memref<10000xf32, #tpu.memory_space<vmem>> -> memref<128xf32, #tpu.memory_space<vmem>>
    %dma_start3A_241 = arith.constant 2560 : i32
    %dma_start3A_242 = tpu.memref_slice %arg14[%dma_start3A_241] : memref<10000xi32, #tpu.memory_space<vmem>> -> memref<128xi32, #tpu.memory_space<vmem>>
    %dma_start3A_243 = arith.constant 0 : i32
    %dma_start3A_244 = tpu.memref_slice %arg3[%dma_start3A_243] : memref<400000xf32, #tpu.memory_space<hbm>> -> memref<400000xf32, #tpu.memory_space<hbm>>
    tpu.enqueue_indirect_dma source(%dma_start3A_244 : memref<400000xf32, #tpu.memory_space<hbm>>) target(%dma_start3A_240 : memref<128xf32, #tpu.memory_space<vmem>>) offsets(%dma_start3A_242 : memref<128xi32, #tpu.memory_space<vmem>>) semaphore(%arg18 : memref<!tpu.dma_semaphore, #tpu.memory_space<semaphore_mem>>)
    %dma_wait3A_245 = arith.constant 896 : i32
    %dma_wait3A_246 = tpu.memref_slice %arg15[%dma_wait3A_245] : memref<10000xf32, #tpu.memory_space<vmem>> -> memref<128xf32, #tpu.memory_space<vmem>>
    %dma_wait3A_247 = arith.constant 896 : i32
    %dma_wait3A_248 = tpu.memref_slice %arg14[%dma_wait3A_247] : memref<10000xi32, #tpu.memory_space<vmem>> -> memref<128xi32, #tpu.memory_space<vmem>>
    %dma_wait3A_249 = arith.constant 0 : i32
    %dma_wait3A_250 = tpu.memref_slice %arg3[%dma_wait3A_249] : memref<400000xf32, #tpu.memory_space<hbm>> -> memref<400000xf32, #tpu.memory_space<hbm>>
    tpu.wait_indirect_dma semaphore(%arg18 : memref<!tpu.dma_semaphore, #tpu.memory_space<semaphore_mem>>) src(%dma_wait3A_250 : memref<400000xf32, #tpu.memory_space<hbm>>) dst(%dma_wait3A_246 : memref<128xf32, #tpu.memory_space<vmem>>)
    %dma_start3A_251 = arith.constant 2688 : i32
    %dma_start3A_252 = tpu.memref_slice %arg15[%dma_start3A_251] : memref<10000xf32, #tpu.memory_space<vmem>> -> memref<128xf32, #tpu.memory_space<vmem>>
    %dma_start3A_253 = arith.constant 2688 : i32
    %dma_start3A_254 = tpu.memref_slice %arg14[%dma_start3A_253] : memref<10000xi32, #tpu.memory_space<vmem>> -> memref<128xi32, #tpu.memory_space<vmem>>
    %dma_start3A_255 = arith.constant 0 : i32
    %dma_start3A_256 = tpu.memref_slice %arg3[%dma_start3A_255] : memref<400000xf32, #tpu.memory_space<hbm>> -> memref<400000xf32, #tpu.memory_space<hbm>>
    tpu.enqueue_indirect_dma source(%dma_start3A_256 : memref<400000xf32, #tpu.memory_space<hbm>>) target(%dma_start3A_252 : memref<128xf32, #tpu.memory_space<vmem>>) offsets(%dma_start3A_254 : memref<128xi32, #tpu.memory_space<vmem>>) semaphore(%arg18 : memref<!tpu.dma_semaphore, #tpu.memory_space<semaphore_mem>>)
    %dma_wait3A_257 = arith.constant 1024 : i32
    %dma_wait3A_258 = tpu.memref_slice %arg15[%dma_wait3A_257] : memref<10000xf32, #tpu.memory_space<vmem>> -> memref<128xf32, #tpu.memory_space<vmem>>
    %dma_wait3A_259 = arith.constant 1024 : i32
    %dma_wait3A_260 = tpu.memref_slice %arg14[%dma_wait3A_259] : memref<10000xi32, #tpu.memory_space<vmem>> -> memref<128xi32, #tpu.memory_space<vmem>>
    %dma_wait3A_261 = arith.constant 0 : i32
    %dma_wait3A_262 = tpu.memref_slice %arg3[%dma_wait3A_261] : memref<400000xf32, #tpu.memory_space<hbm>> -> memref<400000xf32, #tpu.memory_space<hbm>>
    tpu.wait_indirect_dma semaphore(%arg18 : memref<!tpu.dma_semaphore, #tpu.memory_space<semaphore_mem>>) src(%dma_wait3A_262 : memref<400000xf32, #tpu.memory_space<hbm>>) dst(%dma_wait3A_258 : memref<128xf32, #tpu.memory_space<vmem>>)
    %dma_start3A_263 = arith.constant 2816 : i32
    %dma_start3A_264 = tpu.memref_slice %arg15[%dma_start3A_263] : memref<10000xf32, #tpu.memory_space<vmem>> -> memref<128xf32, #tpu.memory_space<vmem>>
    %dma_start3A_265 = arith.constant 2816 : i32
    %dma_start3A_266 = tpu.memref_slice %arg14[%dma_start3A_265] : memref<10000xi32, #tpu.memory_space<vmem>> -> memref<128xi32, #tpu.memory_space<vmem>>
    %dma_start3A_267 = arith.constant 0 : i32
    %dma_start3A_268 = tpu.memref_slice %arg3[%dma_start3A_267] : memref<400000xf32, #tpu.memory_space<hbm>> -> memref<400000xf32, #tpu.memory_space<hbm>>
    tpu.enqueue_indirect_dma source(%dma_start3A_268 : memref<400000xf32, #tpu.memory_space<hbm>>) target(%dma_start3A_264 : memref<128xf32, #tpu.memory_space<vmem>>) offsets(%dma_start3A_266 : memref<128xi32, #tpu.memory_space<vmem>>) semaphore(%arg18 : memref<!tpu.dma_semaphore, #tpu.memory_space<semaphore_mem>>)
    %dma_wait3A_269 = arith.constant 1152 : i32
    %dma_wait3A_270 = tpu.memref_slice %arg15[%dma_wait3A_269] : memref<10000xf32, #tpu.memory_space<vmem>> -> memref<128xf32, #tpu.memory_space<vmem>>
    %dma_wait3A_271 = arith.constant 1152 : i32
    %dma_wait3A_272 = tpu.memref_slice %arg14[%dma_wait3A_271] : memref<10000xi32, #tpu.memory_space<vmem>> -> memref<128xi32, #tpu.memory_space<vmem>>
    %dma_wait3A_273 = arith.constant 0 : i32
    %dma_wait3A_274 = tpu.memref_slice %arg3[%dma_wait3A_273] : memref<400000xf32, #tpu.memory_space<hbm>> -> memref<400000xf32, #tpu.memory_space<hbm>>
    tpu.wait_indirect_dma semaphore(%arg18 : memref<!tpu.dma_semaphore, #tpu.memory_space<semaphore_mem>>) src(%dma_wait3A_274 : memref<400000xf32, #tpu.memory_space<hbm>>) dst(%dma_wait3A_270 : memref<128xf32, #tpu.memory_space<vmem>>)
    %dma_start3A_275 = arith.constant 2944 : i32
    %dma_start3A_276 = tpu.memref_slice %arg15[%dma_start3A_275] : memref<10000xf32, #tpu.memory_space<vmem>> -> memref<128xf32, #tpu.memory_space<vmem>>
    %dma_start3A_277 = arith.constant 2944 : i32
    %dma_start3A_278 = tpu.memref_slice %arg14[%dma_start3A_277] : memref<10000xi32, #tpu.memory_space<vmem>> -> memref<128xi32, #tpu.memory_space<vmem>>
    %dma_start3A_279 = arith.constant 0 : i32
    %dma_start3A_280 = tpu.memref_slice %arg3[%dma_start3A_279] : memref<400000xf32, #tpu.memory_space<hbm>> -> memref<400000xf32, #tpu.memory_space<hbm>>
    tpu.enqueue_indirect_dma source(%dma_start3A_280 : memref<400000xf32, #tpu.memory_space<hbm>>) target(%dma_start3A_276 : memref<128xf32, #tpu.memory_space<vmem>>) offsets(%dma_start3A_278 : memref<128xi32, #tpu.memory_space<vmem>>) semaphore(%arg18 : memref<!tpu.dma_semaphore, #tpu.memory_space<semaphore_mem>>)
    %dma_wait3A_281 = arith.constant 1280 : i32
    %dma_wait3A_282 = tpu.memref_slice %arg15[%dma_wait3A_281] : memref<10000xf32, #tpu.memory_space<vmem>> -> memref<128xf32, #tpu.memory_space<vmem>>
    %dma_wait3A_283 = arith.constant 1280 : i32
    %dma_wait3A_284 = tpu.memref_slice %arg14[%dma_wait3A_283] : memref<10000xi32, #tpu.memory_space<vmem>> -> memref<128xi32, #tpu.memory_space<vmem>>
    %dma_wait3A_285 = arith.constant 0 : i32
    %dma_wait3A_286 = tpu.memref_slice %arg3[%dma_wait3A_285] : memref<400000xf32, #tpu.memory_space<hbm>> -> memref<400000xf32, #tpu.memory_space<hbm>>
    tpu.wait_indirect_dma semaphore(%arg18 : memref<!tpu.dma_semaphore, #tpu.memory_space<semaphore_mem>>) src(%dma_wait3A_286 : memref<400000xf32, #tpu.memory_space<hbm>>) dst(%dma_wait3A_282 : memref<128xf32, #tpu.memory_space<vmem>>)
    %dma_start3A_287 = arith.constant 3072 : i32
    %dma_start3A_288 = tpu.memref_slice %arg15[%dma_start3A_287] : memref<10000xf32, #tpu.memory_space<vmem>> -> memref<128xf32, #tpu.memory_space<vmem>>
    %dma_start3A_289 = arith.constant 3072 : i32
    %dma_start3A_290 = tpu.memref_slice %arg14[%dma_start3A_289] : memref<10000xi32, #tpu.memory_space<vmem>> -> memref<128xi32, #tpu.memory_space<vmem>>
    %dma_start3A_291 = arith.constant 0 : i32
    %dma_start3A_292 = tpu.memref_slice %arg3[%dma_start3A_291] : memref<400000xf32, #tpu.memory_space<hbm>> -> memref<400000xf32, #tpu.memory_space<hbm>>
    tpu.enqueue_indirect_dma source(%dma_start3A_292 : memref<400000xf32, #tpu.memory_space<hbm>>) target(%dma_start3A_288 : memref<128xf32, #tpu.memory_space<vmem>>) offsets(%dma_start3A_290 : memref<128xi32, #tpu.memory_space<vmem>>) semaphore(%arg18 : memref<!tpu.dma_semaphore, #tpu.memory_space<semaphore_mem>>)
    %dma_wait3A_293 = arith.constant 1408 : i32
    %dma_wait3A_294 = tpu.memref_slice %arg15[%dma_wait3A_293] : memref<10000xf32, #tpu.memory_space<vmem>> -> memref<128xf32, #tpu.memory_space<vmem>>
    %dma_wait3A_295 = arith.constant 1408 : i32
    %dma_wait3A_296 = tpu.memref_slice %arg14[%dma_wait3A_295] : memref<10000xi32, #tpu.memory_space<vmem>> -> memref<128xi32, #tpu.memory_space<vmem>>
    %dma_wait3A_297 = arith.constant 0 : i32
    %dma_wait3A_298 = tpu.memref_slice %arg3[%dma_wait3A_297] : memref<400000xf32, #tpu.memory_space<hbm>> -> memref<400000xf32, #tpu.memory_space<hbm>>
    tpu.wait_indirect_dma semaphore(%arg18 : memref<!tpu.dma_semaphore, #tpu.memory_space<semaphore_mem>>) src(%dma_wait3A_298 : memref<400000xf32, #tpu.memory_space<hbm>>) dst(%dma_wait3A_294 : memref<128xf32, #tpu.memory_space<vmem>>)
    %dma_start3A_299 = arith.constant 3200 : i32
    %dma_start3A_300 = tpu.memref_slice %arg15[%dma_start3A_299] : memref<10000xf32, #tpu.memory_space<vmem>> -> memref<128xf32, #tpu.memory_space<vmem>>
    %dma_start3A_301 = arith.constant 3200 : i32
    %dma_start3A_302 = tpu.memref_slice %arg14[%dma_start3A_301] : memref<10000xi32, #tpu.memory_space<vmem>> -> memref<128xi32, #tpu.memory_space<vmem>>
    %dma_start3A_303 = arith.constant 0 : i32
    %dma_start3A_304 = tpu.memref_slice %arg3[%dma_start3A_303] : memref<400000xf32, #tpu.memory_space<hbm>> -> memref<400000xf32, #tpu.memory_space<hbm>>
    tpu.enqueue_indirect_dma source(%dma_start3A_304 : memref<400000xf32, #tpu.memory_space<hbm>>) target(%dma_start3A_300 : memref<128xf32, #tpu.memory_space<vmem>>) offsets(%dma_start3A_302 : memref<128xi32, #tpu.memory_space<vmem>>) semaphore(%arg18 : memref<!tpu.dma_semaphore, #tpu.memory_space<semaphore_mem>>)
    %dma_wait3A_305 = arith.constant 1536 : i32
    %dma_wait3A_306 = tpu.memref_slice %arg15[%dma_wait3A_305] : memref<10000xf32, #tpu.memory_space<vmem>> -> memref<128xf32, #tpu.memory_space<vmem>>
    %dma_wait3A_307 = arith.constant 1536 : i32
    %dma_wait3A_308 = tpu.memref_slice %arg14[%dma_wait3A_307] : memref<10000xi32, #tpu.memory_space<vmem>> -> memref<128xi32, #tpu.memory_space<vmem>>
    %dma_wait3A_309 = arith.constant 0 : i32
    %dma_wait3A_310 = tpu.memref_slice %arg3[%dma_wait3A_309] : memref<400000xf32, #tpu.memory_space<hbm>> -> memref<400000xf32, #tpu.memory_space<hbm>>
    tpu.wait_indirect_dma semaphore(%arg18 : memref<!tpu.dma_semaphore, #tpu.memory_space<semaphore_mem>>) src(%dma_wait3A_310 : memref<400000xf32, #tpu.memory_space<hbm>>) dst(%dma_wait3A_306 : memref<128xf32, #tpu.memory_space<vmem>>)
    %dma_start3A_311 = arith.constant 3328 : i32
    %dma_start3A_312 = tpu.memref_slice %arg15[%dma_start3A_311] : memref<10000xf32, #tpu.memory_space<vmem>> -> memref<128xf32, #tpu.memory_space<vmem>>
    %dma_start3A_313 = arith.constant 3328 : i32
    %dma_start3A_314 = tpu.memref_slice %arg14[%dma_start3A_313] : memref<10000xi32, #tpu.memory_space<vmem>> -> memref<128xi32, #tpu.memory_space<vmem>>
    %dma_start3A_315 = arith.constant 0 : i32
    %dma_start3A_316 = tpu.memref_slice %arg3[%dma_start3A_315] : memref<400000xf32, #tpu.memory_space<hbm>> -> memref<400000xf32, #tpu.memory_space<hbm>>
    tpu.enqueue_indirect_dma source(%dma_start3A_316 : memref<400000xf32, #tpu.memory_space<hbm>>) target(%dma_start3A_312 : memref<128xf32, #tpu.memory_space<vmem>>) offsets(%dma_start3A_314 : memref<128xi32, #tpu.memory_space<vmem>>) semaphore(%arg18 : memref<!tpu.dma_semaphore, #tpu.memory_space<semaphore_mem>>)
    %dma_wait3A_317 = arith.constant 1664 : i32
    %dma_wait3A_318 = tpu.memref_slice %arg15[%dma_wait3A_317] : memref<10000xf32, #tpu.memory_space<vmem>> -> memref<128xf32, #tpu.memory_space<vmem>>
    %dma_wait3A_319 = arith.constant 1664 : i32
    %dma_wait3A_320 = tpu.memref_slice %arg14[%dma_wait3A_319] : memref<10000xi32, #tpu.memory_space<vmem>> -> memref<128xi32, #tpu.memory_space<vmem>>
    %dma_wait3A_321 = arith.constant 0 : i32
    %dma_wait3A_322 = tpu.memref_slice %arg3[%dma_wait3A_321] : memref<400000xf32, #tpu.memory_space<hbm>> -> memref<400000xf32, #tpu.memory_space<hbm>>
    tpu.wait_indirect_dma semaphore(%arg18 : memref<!tpu.dma_semaphore, #tpu.memory_space<semaphore_mem>>) src(%dma_wait3A_322 : memref<400000xf32, #tpu.memory_space<hbm>>) dst(%dma_wait3A_318 : memref<128xf32, #tpu.memory_space<vmem>>)
    %dma_start3A_323 = arith.constant 3456 : i32
    %dma_start3A_324 = tpu.memref_slice %arg15[%dma_start3A_323] : memref<10000xf32, #tpu.memory_space<vmem>> -> memref<128xf32, #tpu.memory_space<vmem>>
    %dma_start3A_325 = arith.constant 3456 : i32
    %dma_start3A_326 = tpu.memref_slice %arg14[%dma_start3A_325] : memref<10000xi32, #tpu.memory_space<vmem>> -> memref<128xi32, #tpu.memory_space<vmem>>
    %dma_start3A_327 = arith.constant 0 : i32
    %dma_start3A_328 = tpu.memref_slice %arg3[%dma_start3A_327] : memref<400000xf32, #tpu.memory_space<hbm>> -> memref<400000xf32, #tpu.memory_space<hbm>>
    tpu.enqueue_indirect_dma source(%dma_start3A_328 : memref<400000xf32, #tpu.memory_space<hbm>>) target(%dma_start3A_324 : memref<128xf32, #tpu.memory_space<vmem>>) offsets(%dma_start3A_326 : memref<128xi32, #tpu.memory_space<vmem>>) semaphore(%arg18 : memref<!tpu.dma_semaphore, #tpu.memory_space<semaphore_mem>>)
    %dma_wait3A_329 = arith.constant 1792 : i32
    %dma_wait3A_330 = tpu.memref_slice %arg15[%dma_wait3A_329] : memref<10000xf32, #tpu.memory_space<vmem>> -> memref<128xf32, #tpu.memory_space<vmem>>
    %dma_wait3A_331 = arith.constant 1792 : i32
    %dma_wait3A_332 = tpu.memref_slice %arg14[%dma_wait3A_331] : memref<10000xi32, #tpu.memory_space<vmem>> -> memref<128xi32, #tpu.memory_space<vmem>>
    %dma_wait3A_333 = arith.constant 0 : i32
    %dma_wait3A_334 = tpu.memref_slice %arg3[%dma_wait3A_333] : memref<400000xf32, #tpu.memory_space<hbm>> -> memref<400000xf32, #tpu.memory_space<hbm>>
    tpu.wait_indirect_dma semaphore(%arg18 : memref<!tpu.dma_semaphore, #tpu.memory_space<semaphore_mem>>) src(%dma_wait3A_334 : memref<400000xf32, #tpu.memory_space<hbm>>) dst(%dma_wait3A_330 : memref<128xf32, #tpu.memory_space<vmem>>)
    %dma_start3A_335 = arith.constant 3584 : i32
    %dma_start3A_336 = tpu.memref_slice %arg15[%dma_start3A_335] : memref<10000xf32, #tpu.memory_space<vmem>> -> memref<128xf32, #tpu.memory_space<vmem>>
    %dma_start3A_337 = arith.constant 3584 : i32
    %dma_start3A_338 = tpu.memref_slice %arg14[%dma_start3A_337] : memref<10000xi32, #tpu.memory_space<vmem>> -> memref<128xi32, #tpu.memory_space<vmem>>
    %dma_start3A_339 = arith.constant 0 : i32
    %dma_start3A_340 = tpu.memref_slice %arg3[%dma_start3A_339] : memref<400000xf32, #tpu.memory_space<hbm>> -> memref<400000xf32, #tpu.memory_space<hbm>>
    tpu.enqueue_indirect_dma source(%dma_start3A_340 : memref<400000xf32, #tpu.memory_space<hbm>>) target(%dma_start3A_336 : memref<128xf32, #tpu.memory_space<vmem>>) offsets(%dma_start3A_338 : memref<128xi32, #tpu.memory_space<vmem>>) semaphore(%arg18 : memref<!tpu.dma_semaphore, #tpu.memory_space<semaphore_mem>>)
    %dma_wait3A_341 = arith.constant 1920 : i32
    %dma_wait3A_342 = tpu.memref_slice %arg15[%dma_wait3A_341] : memref<10000xf32, #tpu.memory_space<vmem>> -> memref<128xf32, #tpu.memory_space<vmem>>
    %dma_wait3A_343 = arith.constant 1920 : i32
    %dma_wait3A_344 = tpu.memref_slice %arg14[%dma_wait3A_343] : memref<10000xi32, #tpu.memory_space<vmem>> -> memref<128xi32, #tpu.memory_space<vmem>>
    %dma_wait3A_345 = arith.constant 0 : i32
    %dma_wait3A_346 = tpu.memref_slice %arg3[%dma_wait3A_345] : memref<400000xf32, #tpu.memory_space<hbm>> -> memref<400000xf32, #tpu.memory_space<hbm>>
    tpu.wait_indirect_dma semaphore(%arg18 : memref<!tpu.dma_semaphore, #tpu.memory_space<semaphore_mem>>) src(%dma_wait3A_346 : memref<400000xf32, #tpu.memory_space<hbm>>) dst(%dma_wait3A_342 : memref<128xf32, #tpu.memory_space<vmem>>)
    %dma_start3A_347 = arith.constant 3712 : i32
    %dma_start3A_348 = tpu.memref_slice %arg15[%dma_start3A_347] : memref<10000xf32, #tpu.memory_space<vmem>> -> memref<128xf32, #tpu.memory_space<vmem>>
    %dma_start3A_349 = arith.constant 3712 : i32
    %dma_start3A_350 = tpu.memref_slice %arg14[%dma_start3A_349] : memref<10000xi32, #tpu.memory_space<vmem>> -> memref<128xi32, #tpu.memory_space<vmem>>
    %dma_start3A_351 = arith.constant 0 : i32
    %dma_start3A_352 = tpu.memref_slice %arg3[%dma_start3A_351] : memref<400000xf32, #tpu.memory_space<hbm>> -> memref<400000xf32, #tpu.memory_space<hbm>>
    tpu.enqueue_indirect_dma source(%dma_start3A_352 : memref<400000xf32, #tpu.memory_space<hbm>>) target(%dma_start3A_348 : memref<128xf32, #tpu.memory_space<vmem>>) offsets(%dma_start3A_350 : memref<128xi32, #tpu.memory_space<vmem>>) semaphore(%arg18 : memref<!tpu.dma_semaphore, #tpu.memory_space<semaphore_mem>>)
    %dma_wait3A_353 = arith.constant 2048 : i32
    %dma_wait3A_354 = tpu.memref_slice %arg15[%dma_wait3A_353] : memref<10000xf32, #tpu.memory_space<vmem>> -> memref<128xf32, #tpu.memory_space<vmem>>
    %dma_wait3A_355 = arith.constant 2048 : i32
    %dma_wait3A_356 = tpu.memref_slice %arg14[%dma_wait3A_355] : memref<10000xi32, #tpu.memory_space<vmem>> -> memref<128xi32, #tpu.memory_space<vmem>>
    %dma_wait3A_357 = arith.constant 0 : i32
    %dma_wait3A_358 = tpu.memref_slice %arg3[%dma_wait3A_357] : memref<400000xf32, #tpu.memory_space<hbm>> -> memref<400000xf32, #tpu.memory_space<hbm>>
    tpu.wait_indirect_dma semaphore(%arg18 : memref<!tpu.dma_semaphore, #tpu.memory_space<semaphore_mem>>) src(%dma_wait3A_358 : memref<400000xf32, #tpu.memory_space<hbm>>) dst(%dma_wait3A_354 : memref<128xf32, #tpu.memory_space<vmem>>)
    %dma_start3A_359 = arith.constant 3840 : i32
    %dma_start3A_360 = tpu.memref_slice %arg15[%dma_start3A_359] : memref<10000xf32, #tpu.memory_space<vmem>> -> memref<128xf32, #tpu.memory_space<vmem>>
    %dma_start3A_361 = arith.constant 3840 : i32
    %dma_start3A_362 = tpu.memref_slice %arg14[%dma_start3A_361] : memref<10000xi32, #tpu.memory_space<vmem>> -> memref<128xi32, #tpu.memory_space<vmem>>
    %dma_start3A_363 = arith.constant 0 : i32
    %dma_start3A_364 = tpu.memref_slice %arg3[%dma_start3A_363] : memref<400000xf32, #tpu.memory_space<hbm>> -> memref<400000xf32, #tpu.memory_space<hbm>>
    tpu.enqueue_indirect_dma source(%dma_start3A_364 : memref<400000xf32, #tpu.memory_space<hbm>>) target(%dma_start3A_360 : memref<128xf32, #tpu.memory_space<vmem>>) offsets(%dma_start3A_362 : memref<128xi32, #tpu.memory_space<vmem>>) semaphore(%arg18 : memref<!tpu.dma_semaphore, #tpu.memory_space<semaphore_mem>>)
    %dma_wait3A_365 = arith.constant 2176 : i32
    %dma_wait3A_366 = tpu.memref_slice %arg15[%dma_wait3A_365] : memref<10000xf32, #tpu.memory_space<vmem>> -> memref<128xf32, #tpu.memory_space<vmem>>
    %dma_wait3A_367 = arith.constant 2176 : i32
    %dma_wait3A_368 = tpu.memref_slice %arg14[%dma_wait3A_367] : memref<10000xi32, #tpu.memory_space<vmem>> -> memref<128xi32, #tpu.memory_space<vmem>>
    %dma_wait3A_369 = arith.constant 0 : i32
    %dma_wait3A_370 = tpu.memref_slice %arg3[%dma_wait3A_369] : memref<400000xf32, #tpu.memory_space<hbm>> -> memref<400000xf32, #tpu.memory_space<hbm>>
    tpu.wait_indirect_dma semaphore(%arg18 : memref<!tpu.dma_semaphore, #tpu.memory_space<semaphore_mem>>) src(%dma_wait3A_370 : memref<400000xf32, #tpu.memory_space<hbm>>) dst(%dma_wait3A_366 : memref<128xf32, #tpu.memory_space<vmem>>)
    %dma_start3A_371 = arith.constant 3968 : i32
    %dma_start3A_372 = tpu.memref_slice %arg15[%dma_start3A_371] : memref<10000xf32, #tpu.memory_space<vmem>> -> memref<128xf32, #tpu.memory_space<vmem>>
    %dma_start3A_373 = arith.constant 3968 : i32
    %dma_start3A_374 = tpu.memref_slice %arg14[%dma_start3A_373] : memref<10000xi32, #tpu.memory_space<vmem>> -> memref<128xi32, #tpu.memory_space<vmem>>
    %dma_start3A_375 = arith.constant 0 : i32
    %dma_start3A_376 = tpu.memref_slice %arg3[%dma_start3A_375] : memref<400000xf32, #tpu.memory_space<hbm>> -> memref<400000xf32, #tpu.memory_space<hbm>>
    tpu.enqueue_indirect_dma source(%dma_start3A_376 : memref<400000xf32, #tpu.memory_space<hbm>>) target(%dma_start3A_372 : memref<128xf32, #tpu.memory_space<vmem>>) offsets(%dma_start3A_374 : memref<128xi32, #tpu.memory_space<vmem>>) semaphore(%arg18 : memref<!tpu.dma_semaphore, #tpu.memory_space<semaphore_mem>>)
    %dma_wait3A_377 = arith.constant 2304 : i32
    %dma_wait3A_378 = tpu.memref_slice %arg15[%dma_wait3A_377] : memref<10000xf32, #tpu.memory_space<vmem>> -> memref<128xf32, #tpu.memory_space<vmem>>
    %dma_wait3A_379 = arith.constant 2304 : i32
    %dma_wait3A_380 = tpu.memref_slice %arg14[%dma_wait3A_379] : memref<10000xi32, #tpu.memory_space<vmem>> -> memref<128xi32, #tpu.memory_space<vmem>>
    %dma_wait3A_381 = arith.constant 0 : i32
    %dma_wait3A_382 = tpu.memref_slice %arg3[%dma_wait3A_381] : memref<400000xf32, #tpu.memory_space<hbm>> -> memref<400000xf32, #tpu.memory_space<hbm>>
    tpu.wait_indirect_dma semaphore(%arg18 : memref<!tpu.dma_semaphore, #tpu.memory_space<semaphore_mem>>) src(%dma_wait3A_382 : memref<400000xf32, #tpu.memory_space<hbm>>) dst(%dma_wait3A_378 : memref<128xf32, #tpu.memory_space<vmem>>)
    %dma_start3A_383 = arith.constant 4096 : i32
    %dma_start3A_384 = tpu.memref_slice %arg15[%dma_start3A_383] : memref<10000xf32, #tpu.memory_space<vmem>> -> memref<128xf32, #tpu.memory_space<vmem>>
    %dma_start3A_385 = arith.constant 4096 : i32
    %dma_start3A_386 = tpu.memref_slice %arg14[%dma_start3A_385] : memref<10000xi32, #tpu.memory_space<vmem>> -> memref<128xi32, #tpu.memory_space<vmem>>
    %dma_start3A_387 = arith.constant 0 : i32
    %dma_start3A_388 = tpu.memref_slice %arg3[%dma_start3A_387] : memref<400000xf32, #tpu.memory_space<hbm>> -> memref<400000xf32, #tpu.memory_space<hbm>>
    tpu.enqueue_indirect_dma source(%dma_start3A_388 : memref<400000xf32, #tpu.memory_space<hbm>>) target(%dma_start3A_384 : memref<128xf32, #tpu.memory_space<vmem>>) offsets(%dma_start3A_386 : memref<128xi32, #tpu.memory_space<vmem>>) semaphore(%arg18 : memref<!tpu.dma_semaphore, #tpu.memory_space<semaphore_mem>>)
    %dma_wait3A_389 = arith.constant 2432 : i32
    %dma_wait3A_390 = tpu.memref_slice %arg15[%dma_wait3A_389] : memref<10000xf32, #tpu.memory_space<vmem>> -> memref<128xf32, #tpu.memory_space<vmem>>
    %dma_wait3A_391 = arith.constant 2432 : i32
    %dma_wait3A_392 = tpu.memref_slice %arg14[%dma_wait3A_391] : memref<10000xi32, #tpu.memory_space<vmem>> -> memref<128xi32, #tpu.memory_space<vmem>>
    %dma_wait3A_393 = arith.constant 0 : i32
    %dma_wait3A_394 = tpu.memref_slice %arg3[%dma_wait3A_393] : memref<400000xf32, #tpu.memory_space<hbm>> -> memref<400000xf32, #tpu.memory_space<hbm>>
    tpu.wait_indirect_dma semaphore(%arg18 : memref<!tpu.dma_semaphore, #tpu.memory_space<semaphore_mem>>) src(%dma_wait3A_394 : memref<400000xf32, #tpu.memory_space<hbm>>) dst(%dma_wait3A_390 : memref<128xf32, #tpu.memory_space<vmem>>)
    %dma_start3A_395 = arith.constant 4224 : i32
    %dma_start3A_396 = tpu.memref_slice %arg15[%dma_start3A_395] : memref<10000xf32, #tpu.memory_space<vmem>> -> memref<128xf32, #tpu.memory_space<vmem>>
    %dma_start3A_397 = arith.constant 4224 : i32
    %dma_start3A_398 = tpu.memref_slice %arg14[%dma_start3A_397] : memref<10000xi32, #tpu.memory_space<vmem>> -> memref<128xi32, #tpu.memory_space<vmem>>
    %dma_start3A_399 = arith.constant 0 : i32
    %dma_start3A_400 = tpu.memref_slice %arg3[%dma_start3A_399] : memref<400000xf32, #tpu.memory_space<hbm>> -> memref<400000xf32, #tpu.memory_space<hbm>>
    tpu.enqueue_indirect_dma source(%dma_start3A_400 : memref<400000xf32, #tpu.memory_space<hbm>>) target(%dma_start3A_396 : memref<128xf32, #tpu.memory_space<vmem>>) offsets(%dma_start3A_398 : memref<128xi32, #tpu.memory_space<vmem>>) semaphore(%arg18 : memref<!tpu.dma_semaphore, #tpu.memory_space<semaphore_mem>>)
    %dma_wait3A_401 = arith.constant 2560 : i32
    %dma_wait3A_402 = tpu.memref_slice %arg15[%dma_wait3A_401] : memref<10000xf32, #tpu.memory_space<vmem>> -> memref<128xf32, #tpu.memory_space<vmem>>
    %dma_wait3A_403 = arith.constant 2560 : i32
    %dma_wait3A_404 = tpu.memref_slice %arg14[%dma_wait3A_403] : memref<10000xi32, #tpu.memory_space<vmem>> -> memref<128xi32, #tpu.memory_space<vmem>>
    %dma_wait3A_405 = arith.constant 0 : i32
    %dma_wait3A_406 = tpu.memref_slice %arg3[%dma_wait3A_405] : memref<400000xf32, #tpu.memory_space<hbm>> -> memref<400000xf32, #tpu.memory_space<hbm>>
    tpu.wait_indirect_dma semaphore(%arg18 : memref<!tpu.dma_semaphore, #tpu.memory_space<semaphore_mem>>) src(%dma_wait3A_406 : memref<400000xf32, #tpu.memory_space<hbm>>) dst(%dma_wait3A_402 : memref<128xf32, #tpu.memory_space<vmem>>)
    %dma_start3A_407 = arith.constant 4352 : i32
    %dma_start3A_408 = tpu.memref_slice %arg15[%dma_start3A_407] : memref<10000xf32, #tpu.memory_space<vmem>> -> memref<128xf32, #tpu.memory_space<vmem>>
    %dma_start3A_409 = arith.constant 4352 : i32
    %dma_start3A_410 = tpu.memref_slice %arg14[%dma_start3A_409] : memref<10000xi32, #tpu.memory_space<vmem>> -> memref<128xi32, #tpu.memory_space<vmem>>
    %dma_start3A_411 = arith.constant 0 : i32
    %dma_start3A_412 = tpu.memref_slice %arg3[%dma_start3A_411] : memref<400000xf32, #tpu.memory_space<hbm>> -> memref<400000xf32, #tpu.memory_space<hbm>>
    tpu.enqueue_indirect_dma source(%dma_start3A_412 : memref<400000xf32, #tpu.memory_space<hbm>>) target(%dma_start3A_408 : memref<128xf32, #tpu.memory_space<vmem>>) offsets(%dma_start3A_410 : memref<128xi32, #tpu.memory_space<vmem>>) semaphore(%arg18 : memref<!tpu.dma_semaphore, #tpu.memory_space<semaphore_mem>>)
    %dma_wait3A_413 = arith.constant 2688 : i32
    %dma_wait3A_414 = tpu.memref_slice %arg15[%dma_wait3A_413] : memref<10000xf32, #tpu.memory_space<vmem>> -> memref<128xf32, #tpu.memory_space<vmem>>
    %dma_wait3A_415 = arith.constant 2688 : i32
    %dma_wait3A_416 = tpu.memref_slice %arg14[%dma_wait3A_415] : memref<10000xi32, #tpu.memory_space<vmem>> -> memref<128xi32, #tpu.memory_space<vmem>>
    %dma_wait3A_417 = arith.constant 0 : i32
    %dma_wait3A_418 = tpu.memref_slice %arg3[%dma_wait3A_417] : memref<400000xf32, #tpu.memory_space<hbm>> -> memref<400000xf32, #tpu.memory_space<hbm>>
    tpu.wait_indirect_dma semaphore(%arg18 : memref<!tpu.dma_semaphore, #tpu.memory_space<semaphore_mem>>) src(%dma_wait3A_418 : memref<400000xf32, #tpu.memory_space<hbm>>) dst(%dma_wait3A_414 : memref<128xf32, #tpu.memory_space<vmem>>)
    %dma_start3A_419 = arith.constant 4480 : i32
    %dma_start3A_420 = tpu.memref_slice %arg15[%dma_start3A_419] : memref<10000xf32, #tpu.memory_space<vmem>> -> memref<128xf32, #tpu.memory_space<vmem>>
    %dma_start3A_421 = arith.constant 4480 : i32
    %dma_start3A_422 = tpu.memref_slice %arg14[%dma_start3A_421] : memref<10000xi32, #tpu.memory_space<vmem>> -> memref<128xi32, #tpu.memory_space<vmem>>
    %dma_start3A_423 = arith.constant 0 : i32
    %dma_start3A_424 = tpu.memref_slice %arg3[%dma_start3A_423] : memref<400000xf32, #tpu.memory_space<hbm>> -> memref<400000xf32, #tpu.memory_space<hbm>>
    tpu.enqueue_indirect_dma source(%dma_start3A_424 : memref<400000xf32, #tpu.memory_space<hbm>>) target(%dma_start3A_420 : memref<128xf32, #tpu.memory_space<vmem>>) offsets(%dma_start3A_422 : memref<128xi32, #tpu.memory_space<vmem>>) semaphore(%arg18 : memref<!tpu.dma_semaphore, #tpu.memory_space<semaphore_mem>>)
    %dma_wait3A_425 = arith.constant 2816 : i32
    %dma_wait3A_426 = tpu.memref_slice %arg15[%dma_wait3A_425] : memref<10000xf32, #tpu.memory_space<vmem>> -> memref<128xf32, #tpu.memory_space<vmem>>
    %dma_wait3A_427 = arith.constant 2816 : i32
    %dma_wait3A_428 = tpu.memref_slice %arg14[%dma_wait3A_427] : memref<10000xi32, #tpu.memory_space<vmem>> -> memref<128xi32, #tpu.memory_space<vmem>>
    %dma_wait3A_429 = arith.constant 0 : i32
    %dma_wait3A_430 = tpu.memref_slice %arg3[%dma_wait3A_429] : memref<400000xf32, #tpu.memory_space<hbm>> -> memref<400000xf32, #tpu.memory_space<hbm>>
    tpu.wait_indirect_dma semaphore(%arg18 : memref<!tpu.dma_semaphore, #tpu.memory_space<semaphore_mem>>) src(%dma_wait3A_430 : memref<400000xf32, #tpu.memory_space<hbm>>) dst(%dma_wait3A_426 : memref<128xf32, #tpu.memory_space<vmem>>)
    %dma_start3A_431 = arith.constant 4608 : i32
    %dma_start3A_432 = tpu.memref_slice %arg15[%dma_start3A_431] : memref<10000xf32, #tpu.memory_space<vmem>> -> memref<128xf32, #tpu.memory_space<vmem>>
    %dma_start3A_433 = arith.constant 4608 : i32
    %dma_start3A_434 = tpu.memref_slice %arg14[%dma_start3A_433] : memref<10000xi32, #tpu.memory_space<vmem>> -> memref<128xi32, #tpu.memory_space<vmem>>
    %dma_start3A_435 = arith.constant 0 : i32
    %dma_start3A_436 = tpu.memref_slice %arg3[%dma_start3A_435] : memref<400000xf32, #tpu.memory_space<hbm>> -> memref<400000xf32, #tpu.memory_space<hbm>>
    tpu.enqueue_indirect_dma source(%dma_start3A_436 : memref<400000xf32, #tpu.memory_space<hbm>>) target(%dma_start3A_432 : memref<128xf32, #tpu.memory_space<vmem>>) offsets(%dma_start3A_434 : memref<128xi32, #tpu.memory_space<vmem>>) semaphore(%arg18 : memref<!tpu.dma_semaphore, #tpu.memory_space<semaphore_mem>>)
    %dma_wait3A_437 = arith.constant 2944 : i32
    %dma_wait3A_438 = tpu.memref_slice %arg15[%dma_wait3A_437] : memref<10000xf32, #tpu.memory_space<vmem>> -> memref<128xf32, #tpu.memory_space<vmem>>
    %dma_wait3A_439 = arith.constant 2944 : i32
    %dma_wait3A_440 = tpu.memref_slice %arg14[%dma_wait3A_439] : memref<10000xi32, #tpu.memory_space<vmem>> -> memref<128xi32, #tpu.memory_space<vmem>>
    %dma_wait3A_441 = arith.constant 0 : i32
    %dma_wait3A_442 = tpu.memref_slice %arg3[%dma_wait3A_441] : memref<400000xf32, #tpu.memory_space<hbm>> -> memref<400000xf32, #tpu.memory_space<hbm>>
    tpu.wait_indirect_dma semaphore(%arg18 : memref<!tpu.dma_semaphore, #tpu.memory_space<semaphore_mem>>) src(%dma_wait3A_442 : memref<400000xf32, #tpu.memory_space<hbm>>) dst(%dma_wait3A_438 : memref<128xf32, #tpu.memory_space<vmem>>)
    %dma_start3A_443 = arith.constant 4736 : i32
    %dma_start3A_444 = tpu.memref_slice %arg15[%dma_start3A_443] : memref<10000xf32, #tpu.memory_space<vmem>> -> memref<128xf32, #tpu.memory_space<vmem>>
    %dma_start3A_445 = arith.constant 4736 : i32
    %dma_start3A_446 = tpu.memref_slice %arg14[%dma_start3A_445] : memref<10000xi32, #tpu.memory_space<vmem>> -> memref<128xi32, #tpu.memory_space<vmem>>
    %dma_start3A_447 = arith.constant 0 : i32
    %dma_start3A_448 = tpu.memref_slice %arg3[%dma_start3A_447] : memref<400000xf32, #tpu.memory_space<hbm>> -> memref<400000xf32, #tpu.memory_space<hbm>>
    tpu.enqueue_indirect_dma source(%dma_start3A_448 : memref<400000xf32, #tpu.memory_space<hbm>>) target(%dma_start3A_444 : memref<128xf32, #tpu.memory_space<vmem>>) offsets(%dma_start3A_446 : memref<128xi32, #tpu.memory_space<vmem>>) semaphore(%arg18 : memref<!tpu.dma_semaphore, #tpu.memory_space<semaphore_mem>>)
    %dma_wait3A_449 = arith.constant 3072 : i32
    %dma_wait3A_450 = tpu.memref_slice %arg15[%dma_wait3A_449] : memref<10000xf32, #tpu.memory_space<vmem>> -> memref<128xf32, #tpu.memory_space<vmem>>
    %dma_wait3A_451 = arith.constant 3072 : i32
    %dma_wait3A_452 = tpu.memref_slice %arg14[%dma_wait3A_451] : memref<10000xi32, #tpu.memory_space<vmem>> -> memref<128xi32, #tpu.memory_space<vmem>>
    %dma_wait3A_453 = arith.constant 0 : i32
    %dma_wait3A_454 = tpu.memref_slice %arg3[%dma_wait3A_453] : memref<400000xf32, #tpu.memory_space<hbm>> -> memref<400000xf32, #tpu.memory_space<hbm>>
    tpu.wait_indirect_dma semaphore(%arg18 : memref<!tpu.dma_semaphore, #tpu.memory_space<semaphore_mem>>) src(%dma_wait3A_454 : memref<400000xf32, #tpu.memory_space<hbm>>) dst(%dma_wait3A_450 : memref<128xf32, #tpu.memory_space<vmem>>)
    %dma_start3A_455 = arith.constant 4864 : i32
    %dma_start3A_456 = tpu.memref_slice %arg15[%dma_start3A_455] : memref<10000xf32, #tpu.memory_space<vmem>> -> memref<128xf32, #tpu.memory_space<vmem>>
    %dma_start3A_457 = arith.constant 4864 : i32
    %dma_start3A_458 = tpu.memref_slice %arg14[%dma_start3A_457] : memref<10000xi32, #tpu.memory_space<vmem>> -> memref<128xi32, #tpu.memory_space<vmem>>
    %dma_start3A_459 = arith.constant 0 : i32
    %dma_start3A_460 = tpu.memref_slice %arg3[%dma_start3A_459] : memref<400000xf32, #tpu.memory_space<hbm>> -> memref<400000xf32, #tpu.memory_space<hbm>>
    tpu.enqueue_indirect_dma source(%dma_start3A_460 : memref<400000xf32, #tpu.memory_space<hbm>>) target(%dma_start3A_456 : memref<128xf32, #tpu.memory_space<vmem>>) offsets(%dma_start3A_458 : memref<128xi32, #tpu.memory_space<vmem>>) semaphore(%arg18 : memref<!tpu.dma_semaphore, #tpu.memory_space<semaphore_mem>>)
    %dma_wait3A_461 = arith.constant 3200 : i32
    %dma_wait3A_462 = tpu.memref_slice %arg15[%dma_wait3A_461] : memref<10000xf32, #tpu.memory_space<vmem>> -> memref<128xf32, #tpu.memory_space<vmem>>
    %dma_wait3A_463 = arith.constant 3200 : i32
    %dma_wait3A_464 = tpu.memref_slice %arg14[%dma_wait3A_463] : memref<10000xi32, #tpu.memory_space<vmem>> -> memref<128xi32, #tpu.memory_space<vmem>>
    %dma_wait3A_465 = arith.constant 0 : i32
    %dma_wait3A_466 = tpu.memref_slice %arg3[%dma_wait3A_465] : memref<400000xf32, #tpu.memory_space<hbm>> -> memref<400000xf32, #tpu.memory_space<hbm>>
    tpu.wait_indirect_dma semaphore(%arg18 : memref<!tpu.dma_semaphore, #tpu.memory_space<semaphore_mem>>) src(%dma_wait3A_466 : memref<400000xf32, #tpu.memory_space<hbm>>) dst(%dma_wait3A_462 : memref<128xf32, #tpu.memory_space<vmem>>)
    %dma_start3A_467 = arith.constant 4992 : i32
    %dma_start3A_468 = tpu.memref_slice %arg15[%dma_start3A_467] : memref<10000xf32, #tpu.memory_space<vmem>> -> memref<128xf32, #tpu.memory_space<vmem>>
    %dma_start3A_469 = arith.constant 4992 : i32
    %dma_start3A_470 = tpu.memref_slice %arg14[%dma_start3A_469] : memref<10000xi32, #tpu.memory_space<vmem>> -> memref<128xi32, #tpu.memory_space<vmem>>
    %dma_start3A_471 = arith.constant 0 : i32
    %dma_start3A_472 = tpu.memref_slice %arg3[%dma_start3A_471] : memref<400000xf32, #tpu.memory_space<hbm>> -> memref<400000xf32, #tpu.memory_space<hbm>>
    tpu.enqueue_indirect_dma source(%dma_start3A_472 : memref<400000xf32, #tpu.memory_space<hbm>>) target(%dma_start3A_468 : memref<128xf32, #tpu.memory_space<vmem>>) offsets(%dma_start3A_470 : memref<128xi32, #tpu.memory_space<vmem>>) semaphore(%arg18 : memref<!tpu.dma_semaphore, #tpu.memory_space<semaphore_mem>>)
    %dma_wait3A_473 = arith.constant 3328 : i32
    %dma_wait3A_474 = tpu.memref_slice %arg15[%dma_wait3A_473] : memref<10000xf32, #tpu.memory_space<vmem>> -> memref<128xf32, #tpu.memory_space<vmem>>
    %dma_wait3A_475 = arith.constant 3328 : i32
    %dma_wait3A_476 = tpu.memref_slice %arg14[%dma_wait3A_475] : memref<10000xi32, #tpu.memory_space<vmem>> -> memref<128xi32, #tpu.memory_space<vmem>>
    %dma_wait3A_477 = arith.constant 0 : i32
    %dma_wait3A_478 = tpu.memref_slice %arg3[%dma_wait3A_477] : memref<400000xf32, #tpu.memory_space<hbm>> -> memref<400000xf32, #tpu.memory_space<hbm>>
    tpu.wait_indirect_dma semaphore(%arg18 : memref<!tpu.dma_semaphore, #tpu.memory_space<semaphore_mem>>) src(%dma_wait3A_478 : memref<400000xf32, #tpu.memory_space<hbm>>) dst(%dma_wait3A_474 : memref<128xf32, #tpu.memory_space<vmem>>)
    %dma_start3A_479 = arith.constant 5120 : i32
    %dma_start3A_480 = tpu.memref_slice %arg15[%dma_start3A_479] : memref<10000xf32, #tpu.memory_space<vmem>> -> memref<128xf32, #tpu.memory_space<vmem>>
    %dma_start3A_481 = arith.constant 5120 : i32
    %dma_start3A_482 = tpu.memref_slice %arg14[%dma_start3A_481] : memref<10000xi32, #tpu.memory_space<vmem>> -> memref<128xi32, #tpu.memory_space<vmem>>
    %dma_start3A_483 = arith.constant 0 : i32
    %dma_start3A_484 = tpu.memref_slice %arg3[%dma_start3A_483] : memref<400000xf32, #tpu.memory_space<hbm>> -> memref<400000xf32, #tpu.memory_space<hbm>>
    tpu.enqueue_indirect_dma source(%dma_start3A_484 : memref<400000xf32, #tpu.memory_space<hbm>>) target(%dma_start3A_480 : memref<128xf32, #tpu.memory_space<vmem>>) offsets(%dma_start3A_482 : memref<128xi32, #tpu.memory_space<vmem>>) semaphore(%arg18 : memref<!tpu.dma_semaphore, #tpu.memory_space<semaphore_mem>>)
    %dma_wait3A_485 = arith.constant 3456 : i32
    %dma_wait3A_486 = tpu.memref_slice %arg15[%dma_wait3A_485] : memref<10000xf32, #tpu.memory_space<vmem>> -> memref<128xf32, #tpu.memory_space<vmem>>
    %dma_wait3A_487 = arith.constant 3456 : i32
    %dma_wait3A_488 = tpu.memref_slice %arg14[%dma_wait3A_487] : memref<10000xi32, #tpu.memory_space<vmem>> -> memref<128xi32, #tpu.memory_space<vmem>>
    %dma_wait3A_489 = arith.constant 0 : i32
    %dma_wait3A_490 = tpu.memref_slice %arg3[%dma_wait3A_489] : memref<400000xf32, #tpu.memory_space<hbm>> -> memref<400000xf32, #tpu.memory_space<hbm>>
    tpu.wait_indirect_dma semaphore(%arg18 : memref<!tpu.dma_semaphore, #tpu.memory_space<semaphore_mem>>) src(%dma_wait3A_490 : memref<400000xf32, #tpu.memory_space<hbm>>) dst(%dma_wait3A_486 : memref<128xf32, #tpu.memory_space<vmem>>)
    %dma_start3A_491 = arith.constant 5248 : i32
    %dma_start3A_492 = tpu.memref_slice %arg15[%dma_start3A_491] : memref<10000xf32, #tpu.memory_space<vmem>> -> memref<128xf32, #tpu.memory_space<vmem>>
    %dma_start3A_493 = arith.constant 5248 : i32
    %dma_start3A_494 = tpu.memref_slice %arg14[%dma_start3A_493] : memref<10000xi32, #tpu.memory_space<vmem>> -> memref<128xi32, #tpu.memory_space<vmem>>
    %dma_start3A_495 = arith.constant 0 : i32
    %dma_start3A_496 = tpu.memref_slice %arg3[%dma_start3A_495] : memref<400000xf32, #tpu.memory_space<hbm>> -> memref<400000xf32, #tpu.memory_space<hbm>>
    tpu.enqueue_indirect_dma source(%dma_start3A_496 : memref<400000xf32, #tpu.memory_space<hbm>>) target(%dma_start3A_492 : memref<128xf32, #tpu.memory_space<vmem>>) offsets(%dma_start3A_494 : memref<128xi32, #tpu.memory_space<vmem>>) semaphore(%arg18 : memref<!tpu.dma_semaphore, #tpu.memory_space<semaphore_mem>>)
    %dma_wait3A_497 = arith.constant 3584 : i32
    %dma_wait3A_498 = tpu.memref_slice %arg15[%dma_wait3A_497] : memref<10000xf32, #tpu.memory_space<vmem>> -> memref<128xf32, #tpu.memory_space<vmem>>
    %dma_wait3A_499 = arith.constant 3584 : i32
    %dma_wait3A_500 = tpu.memref_slice %arg14[%dma_wait3A_499] : memref<10000xi32, #tpu.memory_space<vmem>> -> memref<128xi32, #tpu.memory_space<vmem>>
    %dma_wait3A_501 = arith.constant 0 : i32
    %dma_wait3A_502 = tpu.memref_slice %arg3[%dma_wait3A_501] : memref<400000xf32, #tpu.memory_space<hbm>> -> memref<400000xf32, #tpu.memory_space<hbm>>
    tpu.wait_indirect_dma semaphore(%arg18 : memref<!tpu.dma_semaphore, #tpu.memory_space<semaphore_mem>>) src(%dma_wait3A_502 : memref<400000xf32, #tpu.memory_space<hbm>>) dst(%dma_wait3A_498 : memref<128xf32, #tpu.memory_space<vmem>>)
    %dma_start3A_503 = arith.constant 5376 : i32
    %dma_start3A_504 = tpu.memref_slice %arg15[%dma_start3A_503] : memref<10000xf32, #tpu.memory_space<vmem>> -> memref<128xf32, #tpu.memory_space<vmem>>
    %dma_start3A_505 = arith.constant 5376 : i32
    %dma_start3A_506 = tpu.memref_slice %arg14[%dma_start3A_505] : memref<10000xi32, #tpu.memory_space<vmem>> -> memref<128xi32, #tpu.memory_space<vmem>>
    %dma_start3A_507 = arith.constant 0 : i32
    %dma_start3A_508 = tpu.memref_slice %arg3[%dma_start3A_507] : memref<400000xf32, #tpu.memory_space<hbm>> -> memref<400000xf32, #tpu.memory_space<hbm>>
    tpu.enqueue_indirect_dma source(%dma_start3A_508 : memref<400000xf32, #tpu.memory_space<hbm>>) target(%dma_start3A_504 : memref<128xf32, #tpu.memory_space<vmem>>) offsets(%dma_start3A_506 : memref<128xi32, #tpu.memory_space<vmem>>) semaphore(%arg18 : memref<!tpu.dma_semaphore, #tpu.memory_space<semaphore_mem>>)
    %dma_wait3A_509 = arith.constant 3712 : i32
    %dma_wait3A_510 = tpu.memref_slice %arg15[%dma_wait3A_509] : memref<10000xf32, #tpu.memory_space<vmem>> -> memref<128xf32, #tpu.memory_space<vmem>>
    %dma_wait3A_511 = arith.constant 3712 : i32
    %dma_wait3A_512 = tpu.memref_slice %arg14[%dma_wait3A_511] : memref<10000xi32, #tpu.memory_space<vmem>> -> memref<128xi32, #tpu.memory_space<vmem>>
    %dma_wait3A_513 = arith.constant 0 : i32
    %dma_wait3A_514 = tpu.memref_slice %arg3[%dma_wait3A_513] : memref<400000xf32, #tpu.memory_space<hbm>> -> memref<400000xf32, #tpu.memory_space<hbm>>
    tpu.wait_indirect_dma semaphore(%arg18 : memref<!tpu.dma_semaphore, #tpu.memory_space<semaphore_mem>>) src(%dma_wait3A_514 : memref<400000xf32, #tpu.memory_space<hbm>>) dst(%dma_wait3A_510 : memref<128xf32, #tpu.memory_space<vmem>>)
    %dma_start3A_515 = arith.constant 5504 : i32
    %dma_start3A_516 = tpu.memref_slice %arg15[%dma_start3A_515] : memref<10000xf32, #tpu.memory_space<vmem>> -> memref<128xf32, #tpu.memory_space<vmem>>
    %dma_start3A_517 = arith.constant 5504 : i32
    %dma_start3A_518 = tpu.memref_slice %arg14[%dma_start3A_517] : memref<10000xi32, #tpu.memory_space<vmem>> -> memref<128xi32, #tpu.memory_space<vmem>>
    %dma_start3A_519 = arith.constant 0 : i32
    %dma_start3A_520 = tpu.memref_slice %arg3[%dma_start3A_519] : memref<400000xf32, #tpu.memory_space<hbm>> -> memref<400000xf32, #tpu.memory_space<hbm>>
    tpu.enqueue_indirect_dma source(%dma_start3A_520 : memref<400000xf32, #tpu.memory_space<hbm>>) target(%dma_start3A_516 : memref<128xf32, #tpu.memory_space<vmem>>) offsets(%dma_start3A_518 : memref<128xi32, #tpu.memory_space<vmem>>) semaphore(%arg18 : memref<!tpu.dma_semaphore, #tpu.memory_space<semaphore_mem>>)
    %dma_wait3A_521 = arith.constant 3840 : i32
    %dma_wait3A_522 = tpu.memref_slice %arg15[%dma_wait3A_521] : memref<10000xf32, #tpu.memory_space<vmem>> -> memref<128xf32, #tpu.memory_space<vmem>>
    %dma_wait3A_523 = arith.constant 3840 : i32
    %dma_wait3A_524 = tpu.memref_slice %arg14[%dma_wait3A_523] : memref<10000xi32, #tpu.memory_space<vmem>> -> memref<128xi32, #tpu.memory_space<vmem>>
    %dma_wait3A_525 = arith.constant 0 : i32
    %dma_wait3A_526 = tpu.memref_slice %arg3[%dma_wait3A_525] : memref<400000xf32, #tpu.memory_space<hbm>> -> memref<400000xf32, #tpu.memory_space<hbm>>
    tpu.wait_indirect_dma semaphore(%arg18 : memref<!tpu.dma_semaphore, #tpu.memory_space<semaphore_mem>>) src(%dma_wait3A_526 : memref<400000xf32, #tpu.memory_space<hbm>>) dst(%dma_wait3A_522 : memref<128xf32, #tpu.memory_space<vmem>>)
    %dma_start3A_527 = arith.constant 5632 : i32
    %dma_start3A_528 = tpu.memref_slice %arg15[%dma_start3A_527] : memref<10000xf32, #tpu.memory_space<vmem>> -> memref<128xf32, #tpu.memory_space<vmem>>
    %dma_start3A_529 = arith.constant 5632 : i32
    %dma_start3A_530 = tpu.memref_slice %arg14[%dma_start3A_529] : memref<10000xi32, #tpu.memory_space<vmem>> -> memref<128xi32, #tpu.memory_space<vmem>>
    %dma_start3A_531 = arith.constant 0 : i32
    %dma_start3A_532 = tpu.memref_slice %arg3[%dma_start3A_531] : memref<400000xf32, #tpu.memory_space<hbm>> -> memref<400000xf32, #tpu.memory_space<hbm>>
    tpu.enqueue_indirect_dma source(%dma_start3A_532 : memref<400000xf32, #tpu.memory_space<hbm>>) target(%dma_start3A_528 : memref<128xf32, #tpu.memory_space<vmem>>) offsets(%dma_start3A_530 : memref<128xi32, #tpu.memory_space<vmem>>) semaphore(%arg18 : memref<!tpu.dma_semaphore, #tpu.memory_space<semaphore_mem>>)
    %dma_wait3A_533 = arith.constant 3968 : i32
    %dma_wait3A_534 = tpu.memref_slice %arg15[%dma_wait3A_533] : memref<10000xf32, #tpu.memory_space<vmem>> -> memref<128xf32, #tpu.memory_space<vmem>>
    %dma_wait3A_535 = arith.constant 3968 : i32
    %dma_wait3A_536 = tpu.memref_slice %arg14[%dma_wait3A_535] : memref<10000xi32, #tpu.memory_space<vmem>> -> memref<128xi32, #tpu.memory_space<vmem>>
    %dma_wait3A_537 = arith.constant 0 : i32
    %dma_wait3A_538 = tpu.memref_slice %arg3[%dma_wait3A_537] : memref<400000xf32, #tpu.memory_space<hbm>> -> memref<400000xf32, #tpu.memory_space<hbm>>
    tpu.wait_indirect_dma semaphore(%arg18 : memref<!tpu.dma_semaphore, #tpu.memory_space<semaphore_mem>>) src(%dma_wait3A_538 : memref<400000xf32, #tpu.memory_space<hbm>>) dst(%dma_wait3A_534 : memref<128xf32, #tpu.memory_space<vmem>>)
    %dma_start3A_539 = arith.constant 5760 : i32
    %dma_start3A_540 = tpu.memref_slice %arg15[%dma_start3A_539] : memref<10000xf32, #tpu.memory_space<vmem>> -> memref<128xf32, #tpu.memory_space<vmem>>
    %dma_start3A_541 = arith.constant 5760 : i32
    %dma_start3A_542 = tpu.memref_slice %arg14[%dma_start3A_541] : memref<10000xi32, #tpu.memory_space<vmem>> -> memref<128xi32, #tpu.memory_space<vmem>>
    %dma_start3A_543 = arith.constant 0 : i32
    %dma_start3A_544 = tpu.memref_slice %arg3[%dma_start3A_543] : memref<400000xf32, #tpu.memory_space<hbm>> -> memref<400000xf32, #tpu.memory_space<hbm>>
    tpu.enqueue_indirect_dma source(%dma_start3A_544 : memref<400000xf32, #tpu.memory_space<hbm>>) target(%dma_start3A_540 : memref<128xf32, #tpu.memory_space<vmem>>) offsets(%dma_start3A_542 : memref<128xi32, #tpu.memory_space<vmem>>) semaphore(%arg18 : memref<!tpu.dma_semaphore, #tpu.memory_space<semaphore_mem>>)
    %dma_wait3A_545 = arith.constant 4096 : i32
    %dma_wait3A_546 = tpu.memref_slice %arg15[%dma_wait3A_545] : memref<10000xf32, #tpu.memory_space<vmem>> -> memref<128xf32, #tpu.memory_space<vmem>>
    %dma_wait3A_547 = arith.constant 4096 : i32
    %dma_wait3A_548 = tpu.memref_slice %arg14[%dma_wait3A_547] : memref<10000xi32, #tpu.memory_space<vmem>> -> memref<128xi32, #tpu.memory_space<vmem>>
    %dma_wait3A_549 = arith.constant 0 : i32
    %dma_wait3A_550 = tpu.memref_slice %arg3[%dma_wait3A_549] : memref<400000xf32, #tpu.memory_space<hbm>> -> memref<400000xf32, #tpu.memory_space<hbm>>
    tpu.wait_indirect_dma semaphore(%arg18 : memref<!tpu.dma_semaphore, #tpu.memory_space<semaphore_mem>>) src(%dma_wait3A_550 : memref<400000xf32, #tpu.memory_space<hbm>>) dst(%dma_wait3A_546 : memref<128xf32, #tpu.memory_space<vmem>>)
    %dma_start3A_551 = arith.constant 5888 : i32
    %dma_start3A_552 = tpu.memref_slice %arg15[%dma_start3A_551] : memref<10000xf32, #tpu.memory_space<vmem>> -> memref<128xf32, #tpu.memory_space<vmem>>
    %dma_start3A_553 = arith.constant 5888 : i32
    %dma_start3A_554 = tpu.memref_slice %arg14[%dma_start3A_553] : memref<10000xi32, #tpu.memory_space<vmem>> -> memref<128xi32, #tpu.memory_space<vmem>>
    %dma_start3A_555 = arith.constant 0 : i32
    %dma_start3A_556 = tpu.memref_slice %arg3[%dma_start3A_555] : memref<400000xf32, #tpu.memory_space<hbm>> -> memref<400000xf32, #tpu.memory_space<hbm>>
    tpu.enqueue_indirect_dma source(%dma_start3A_556 : memref<400000xf32, #tpu.memory_space<hbm>>) target(%dma_start3A_552 : memref<128xf32, #tpu.memory_space<vmem>>) offsets(%dma_start3A_554 : memref<128xi32, #tpu.memory_space<vmem>>) semaphore(%arg18 : memref<!tpu.dma_semaphore, #tpu.memory_space<semaphore_mem>>)
    %dma_wait3A_557 = arith.constant 4224 : i32
    %dma_wait3A_558 = tpu.memref_slice %arg15[%dma_wait3A_557] : memref<10000xf32, #tpu.memory_space<vmem>> -> memref<128xf32, #tpu.memory_space<vmem>>
    %dma_wait3A_559 = arith.constant 4224 : i32
    %dma_wait3A_560 = tpu.memref_slice %arg14[%dma_wait3A_559] : memref<10000xi32, #tpu.memory_space<vmem>> -> memref<128xi32, #tpu.memory_space<vmem>>
    %dma_wait3A_561 = arith.constant 0 : i32
    %dma_wait3A_562 = tpu.memref_slice %arg3[%dma_wait3A_561] : memref<400000xf32, #tpu.memory_space<hbm>> -> memref<400000xf32, #tpu.memory_space<hbm>>
    tpu.wait_indirect_dma semaphore(%arg18 : memref<!tpu.dma_semaphore, #tpu.memory_space<semaphore_mem>>) src(%dma_wait3A_562 : memref<400000xf32, #tpu.memory_space<hbm>>) dst(%dma_wait3A_558 : memref<128xf32, #tpu.memory_space<vmem>>)
    %dma_start3A_563 = arith.constant 6016 : i32
    %dma_start3A_564 = tpu.memref_slice %arg15[%dma_start3A_563] : memref<10000xf32, #tpu.memory_space<vmem>> -> memref<128xf32, #tpu.memory_space<vmem>>
    %dma_start3A_565 = arith.constant 6016 : i32
    %dma_start3A_566 = tpu.memref_slice %arg14[%dma_start3A_565] : memref<10000xi32, #tpu.memory_space<vmem>> -> memref<128xi32, #tpu.memory_space<vmem>>
    %dma_start3A_567 = arith.constant 0 : i32
    %dma_start3A_568 = tpu.memref_slice %arg3[%dma_start3A_567] : memref<400000xf32, #tpu.memory_space<hbm>> -> memref<400000xf32, #tpu.memory_space<hbm>>
    tpu.enqueue_indirect_dma source(%dma_start3A_568 : memref<400000xf32, #tpu.memory_space<hbm>>) target(%dma_start3A_564 : memref<128xf32, #tpu.memory_space<vmem>>) offsets(%dma_start3A_566 : memref<128xi32, #tpu.memory_space<vmem>>) semaphore(%arg18 : memref<!tpu.dma_semaphore, #tpu.memory_space<semaphore_mem>>)
    %dma_wait3A_569 = arith.constant 4352 : i32
    %dma_wait3A_570 = tpu.memref_slice %arg15[%dma_wait3A_569] : memref<10000xf32, #tpu.memory_space<vmem>> -> memref<128xf32, #tpu.memory_space<vmem>>
    %dma_wait3A_571 = arith.constant 4352 : i32
    %dma_wait3A_572 = tpu.memref_slice %arg14[%dma_wait3A_571] : memref<10000xi32, #tpu.memory_space<vmem>> -> memref<128xi32, #tpu.memory_space<vmem>>
    %dma_wait3A_573 = arith.constant 0 : i32
    %dma_wait3A_574 = tpu.memref_slice %arg3[%dma_wait3A_573] : memref<400000xf32, #tpu.memory_space<hbm>> -> memref<400000xf32, #tpu.memory_space<hbm>>
    tpu.wait_indirect_dma semaphore(%arg18 : memref<!tpu.dma_semaphore, #tpu.memory_space<semaphore_mem>>) src(%dma_wait3A_574 : memref<400000xf32, #tpu.memory_space<hbm>>) dst(%dma_wait3A_570 : memref<128xf32, #tpu.memory_space<vmem>>)
    %dma_start3A_575 = arith.constant 6144 : i32
    %dma_start3A_576 = tpu.memref_slice %arg15[%dma_start3A_575] : memref<10000xf32, #tpu.memory_space<vmem>> -> memref<128xf32, #tpu.memory_space<vmem>>
    %dma_start3A_577 = arith.constant 6144 : i32
    %dma_start3A_578 = tpu.memref_slice %arg14[%dma_start3A_577] : memref<10000xi32, #tpu.memory_space<vmem>> -> memref<128xi32, #tpu.memory_space<vmem>>
    %dma_start3A_579 = arith.constant 0 : i32
    %dma_start3A_580 = tpu.memref_slice %arg3[%dma_start3A_579] : memref<400000xf32, #tpu.memory_space<hbm>> -> memref<400000xf32, #tpu.memory_space<hbm>>
    tpu.enqueue_indirect_dma source(%dma_start3A_580 : memref<400000xf32, #tpu.memory_space<hbm>>) target(%dma_start3A_576 : memref<128xf32, #tpu.memory_space<vmem>>) offsets(%dma_start3A_578 : memref<128xi32, #tpu.memory_space<vmem>>) semaphore(%arg18 : memref<!tpu.dma_semaphore, #tpu.memory_space<semaphore_mem>>)
    %dma_wait3A_581 = arith.constant 4480 : i32
    %dma_wait3A_582 = tpu.memref_slice %arg15[%dma_wait3A_581] : memref<10000xf32, #tpu.memory_space<vmem>> -> memref<128xf32, #tpu.memory_space<vmem>>
    %dma_wait3A_583 = arith.constant 4480 : i32
    %dma_wait3A_584 = tpu.memref_slice %arg14[%dma_wait3A_583] : memref<10000xi32, #tpu.memory_space<vmem>> -> memref<128xi32, #tpu.memory_space<vmem>>
    %dma_wait3A_585 = arith.constant 0 : i32
    %dma_wait3A_586 = tpu.memref_slice %arg3[%dma_wait3A_585] : memref<400000xf32, #tpu.memory_space<hbm>> -> memref<400000xf32, #tpu.memory_space<hbm>>
    tpu.wait_indirect_dma semaphore(%arg18 : memref<!tpu.dma_semaphore, #tpu.memory_space<semaphore_mem>>) src(%dma_wait3A_586 : memref<400000xf32, #tpu.memory_space<hbm>>) dst(%dma_wait3A_582 : memref<128xf32, #tpu.memory_space<vmem>>)
    %dma_start3A_587 = arith.constant 6272 : i32
    %dma_start3A_588 = tpu.memref_slice %arg15[%dma_start3A_587] : memref<10000xf32, #tpu.memory_space<vmem>> -> memref<128xf32, #tpu.memory_space<vmem>>
    %dma_start3A_589 = arith.constant 6272 : i32
    %dma_start3A_590 = tpu.memref_slice %arg14[%dma_start3A_589] : memref<10000xi32, #tpu.memory_space<vmem>> -> memref<128xi32, #tpu.memory_space<vmem>>
    %dma_start3A_591 = arith.constant 0 : i32
    %dma_start3A_592 = tpu.memref_slice %arg3[%dma_start3A_591] : memref<400000xf32, #tpu.memory_space<hbm>> -> memref<400000xf32, #tpu.memory_space<hbm>>
    tpu.enqueue_indirect_dma source(%dma_start3A_592 : memref<400000xf32, #tpu.memory_space<hbm>>) target(%dma_start3A_588 : memref<128xf32, #tpu.memory_space<vmem>>) offsets(%dma_start3A_590 : memref<128xi32, #tpu.memory_space<vmem>>) semaphore(%arg18 : memref<!tpu.dma_semaphore, #tpu.memory_space<semaphore_mem>>)
    %dma_wait3A_593 = arith.constant 4608 : i32
    %dma_wait3A_594 = tpu.memref_slice %arg15[%dma_wait3A_593] : memref<10000xf32, #tpu.memory_space<vmem>> -> memref<128xf32, #tpu.memory_space<vmem>>
    %dma_wait3A_595 = arith.constant 4608 : i32
    %dma_wait3A_596 = tpu.memref_slice %arg14[%dma_wait3A_595] : memref<10000xi32, #tpu.memory_space<vmem>> -> memref<128xi32, #tpu.memory_space<vmem>>
    %dma_wait3A_597 = arith.constant 0 : i32
    %dma_wait3A_598 = tpu.memref_slice %arg3[%dma_wait3A_597] : memref<400000xf32, #tpu.memory_space<hbm>> -> memref<400000xf32, #tpu.memory_space<hbm>>
    tpu.wait_indirect_dma semaphore(%arg18 : memref<!tpu.dma_semaphore, #tpu.memory_space<semaphore_mem>>) src(%dma_wait3A_598 : memref<400000xf32, #tpu.memory_space<hbm>>) dst(%dma_wait3A_594 : memref<128xf32, #tpu.memory_space<vmem>>)
    %dma_start3A_599 = arith.constant 6400 : i32
    %dma_start3A_600 = tpu.memref_slice %arg15[%dma_start3A_599] : memref<10000xf32, #tpu.memory_space<vmem>> -> memref<128xf32, #tpu.memory_space<vmem>>
    %dma_start3A_601 = arith.constant 6400 : i32
    %dma_start3A_602 = tpu.memref_slice %arg14[%dma_start3A_601] : memref<10000xi32, #tpu.memory_space<vmem>> -> memref<128xi32, #tpu.memory_space<vmem>>
    %dma_start3A_603 = arith.constant 0 : i32
    %dma_start3A_604 = tpu.memref_slice %arg3[%dma_start3A_603] : memref<400000xf32, #tpu.memory_space<hbm>> -> memref<400000xf32, #tpu.memory_space<hbm>>
    tpu.enqueue_indirect_dma source(%dma_start3A_604 : memref<400000xf32, #tpu.memory_space<hbm>>) target(%dma_start3A_600 : memref<128xf32, #tpu.memory_space<vmem>>) offsets(%dma_start3A_602 : memref<128xi32, #tpu.memory_space<vmem>>) semaphore(%arg18 : memref<!tpu.dma_semaphore, #tpu.memory_space<semaphore_mem>>)
    %dma_wait3A_605 = arith.constant 4736 : i32
    %dma_wait3A_606 = tpu.memref_slice %arg15[%dma_wait3A_605] : memref<10000xf32, #tpu.memory_space<vmem>> -> memref<128xf32, #tpu.memory_space<vmem>>
    %dma_wait3A_607 = arith.constant 4736 : i32
    %dma_wait3A_608 = tpu.memref_slice %arg14[%dma_wait3A_607] : memref<10000xi32, #tpu.memory_space<vmem>> -> memref<128xi32, #tpu.memory_space<vmem>>
    %dma_wait3A_609 = arith.constant 0 : i32
    %dma_wait3A_610 = tpu.memref_slice %arg3[%dma_wait3A_609] : memref<400000xf32, #tpu.memory_space<hbm>> -> memref<400000xf32, #tpu.memory_space<hbm>>
    tpu.wait_indirect_dma semaphore(%arg18 : memref<!tpu.dma_semaphore, #tpu.memory_space<semaphore_mem>>) src(%dma_wait3A_610 : memref<400000xf32, #tpu.memory_space<hbm>>) dst(%dma_wait3A_606 : memref<128xf32, #tpu.memory_space<vmem>>)
    %dma_start3A_611 = arith.constant 6528 : i32
    %dma_start3A_612 = tpu.memref_slice %arg15[%dma_start3A_611] : memref<10000xf32, #tpu.memory_space<vmem>> -> memref<128xf32, #tpu.memory_space<vmem>>
    %dma_start3A_613 = arith.constant 6528 : i32
    %dma_start3A_614 = tpu.memref_slice %arg14[%dma_start3A_613] : memref<10000xi32, #tpu.memory_space<vmem>> -> memref<128xi32, #tpu.memory_space<vmem>>
    %dma_start3A_615 = arith.constant 0 : i32
    %dma_start3A_616 = tpu.memref_slice %arg3[%dma_start3A_615] : memref<400000xf32, #tpu.memory_space<hbm>> -> memref<400000xf32, #tpu.memory_space<hbm>>
    tpu.enqueue_indirect_dma source(%dma_start3A_616 : memref<400000xf32, #tpu.memory_space<hbm>>) target(%dma_start3A_612 : memref<128xf32, #tpu.memory_space<vmem>>) offsets(%dma_start3A_614 : memref<128xi32, #tpu.memory_space<vmem>>) semaphore(%arg18 : memref<!tpu.dma_semaphore, #tpu.memory_space<semaphore_mem>>)
    %dma_wait3A_617 = arith.constant 4864 : i32
    %dma_wait3A_618 = tpu.memref_slice %arg15[%dma_wait3A_617] : memref<10000xf32, #tpu.memory_space<vmem>> -> memref<128xf32, #tpu.memory_space<vmem>>
    %dma_wait3A_619 = arith.constant 4864 : i32
    %dma_wait3A_620 = tpu.memref_slice %arg14[%dma_wait3A_619] : memref<10000xi32, #tpu.memory_space<vmem>> -> memref<128xi32, #tpu.memory_space<vmem>>
    %dma_wait3A_621 = arith.constant 0 : i32
    %dma_wait3A_622 = tpu.memref_slice %arg3[%dma_wait3A_621] : memref<400000xf32, #tpu.memory_space<hbm>> -> memref<400000xf32, #tpu.memory_space<hbm>>
    tpu.wait_indirect_dma semaphore(%arg18 : memref<!tpu.dma_semaphore, #tpu.memory_space<semaphore_mem>>) src(%dma_wait3A_622 : memref<400000xf32, #tpu.memory_space<hbm>>) dst(%dma_wait3A_618 : memref<128xf32, #tpu.memory_space<vmem>>)
    %dma_start3A_623 = arith.constant 6656 : i32
    %dma_start3A_624 = tpu.memref_slice %arg15[%dma_start3A_623] : memref<10000xf32, #tpu.memory_space<vmem>> -> memref<128xf32, #tpu.memory_space<vmem>>
    %dma_start3A_625 = arith.constant 6656 : i32
    %dma_start3A_626 = tpu.memref_slice %arg14[%dma_start3A_625] : memref<10000xi32, #tpu.memory_space<vmem>> -> memref<128xi32, #tpu.memory_space<vmem>>
    %dma_start3A_627 = arith.constant 0 : i32
    %dma_start3A_628 = tpu.memref_slice %arg3[%dma_start3A_627] : memref<400000xf32, #tpu.memory_space<hbm>> -> memref<400000xf32, #tpu.memory_space<hbm>>
    tpu.enqueue_indirect_dma source(%dma_start3A_628 : memref<400000xf32, #tpu.memory_space<hbm>>) target(%dma_start3A_624 : memref<128xf32, #tpu.memory_space<vmem>>) offsets(%dma_start3A_626 : memref<128xi32, #tpu.memory_space<vmem>>) semaphore(%arg18 : memref<!tpu.dma_semaphore, #tpu.memory_space<semaphore_mem>>)
    %dma_wait3A_629 = arith.constant 4992 : i32
    %dma_wait3A_630 = tpu.memref_slice %arg15[%dma_wait3A_629] : memref<10000xf32, #tpu.memory_space<vmem>> -> memref<128xf32, #tpu.memory_space<vmem>>
    %dma_wait3A_631 = arith.constant 4992 : i32
    %dma_wait3A_632 = tpu.memref_slice %arg14[%dma_wait3A_631] : memref<10000xi32, #tpu.memory_space<vmem>> -> memref<128xi32, #tpu.memory_space<vmem>>
    %dma_wait3A_633 = arith.constant 0 : i32
    %dma_wait3A_634 = tpu.memref_slice %arg3[%dma_wait3A_633] : memref<400000xf32, #tpu.memory_space<hbm>> -> memref<400000xf32, #tpu.memory_space<hbm>>
    tpu.wait_indirect_dma semaphore(%arg18 : memref<!tpu.dma_semaphore, #tpu.memory_space<semaphore_mem>>) src(%dma_wait3A_634 : memref<400000xf32, #tpu.memory_space<hbm>>) dst(%dma_wait3A_630 : memref<128xf32, #tpu.memory_space<vmem>>)
    %dma_start3A_635 = arith.constant 6784 : i32
    %dma_start3A_636 = tpu.memref_slice %arg15[%dma_start3A_635] : memref<10000xf32, #tpu.memory_space<vmem>> -> memref<128xf32, #tpu.memory_space<vmem>>
    %dma_start3A_637 = arith.constant 6784 : i32
    %dma_start3A_638 = tpu.memref_slice %arg14[%dma_start3A_637] : memref<10000xi32, #tpu.memory_space<vmem>> -> memref<128xi32, #tpu.memory_space<vmem>>
    %dma_start3A_639 = arith.constant 0 : i32
    %dma_start3A_640 = tpu.memref_slice %arg3[%dma_start3A_639] : memref<400000xf32, #tpu.memory_space<hbm>> -> memref<400000xf32, #tpu.memory_space<hbm>>
    tpu.enqueue_indirect_dma source(%dma_start3A_640 : memref<400000xf32, #tpu.memory_space<hbm>>) target(%dma_start3A_636 : memref<128xf32, #tpu.memory_space<vmem>>) offsets(%dma_start3A_638 : memref<128xi32, #tpu.memory_space<vmem>>) semaphore(%arg18 : memref<!tpu.dma_semaphore, #tpu.memory_space<semaphore_mem>>)
    %dma_wait3A_641 = arith.constant 5120 : i32
    %dma_wait3A_642 = tpu.memref_slice %arg15[%dma_wait3A_641] : memref<10000xf32, #tpu.memory_space<vmem>> -> memref<128xf32, #tpu.memory_space<vmem>>
    %dma_wait3A_643 = arith.constant 5120 : i32
    %dma_wait3A_644 = tpu.memref_slice %arg14[%dma_wait3A_643] : memref<10000xi32, #tpu.memory_space<vmem>> -> memref<128xi32, #tpu.memory_space<vmem>>
    %dma_wait3A_645 = arith.constant 0 : i32
    %dma_wait3A_646 = tpu.memref_slice %arg3[%dma_wait3A_645] : memref<400000xf32, #tpu.memory_space<hbm>> -> memref<400000xf32, #tpu.memory_space<hbm>>
    tpu.wait_indirect_dma semaphore(%arg18 : memref<!tpu.dma_semaphore, #tpu.memory_space<semaphore_mem>>) src(%dma_wait3A_646 : memref<400000xf32, #tpu.memory_space<hbm>>) dst(%dma_wait3A_642 : memref<128xf32, #tpu.memory_space<vmem>>)
    %dma_start3A_647 = arith.constant 6912 : i32
    %dma_start3A_648 = tpu.memref_slice %arg15[%dma_start3A_647] : memref<10000xf32, #tpu.memory_space<vmem>> -> memref<128xf32, #tpu.memory_space<vmem>>
    %dma_start3A_649 = arith.constant 6912 : i32
    %dma_start3A_650 = tpu.memref_slice %arg14[%dma_start3A_649] : memref<10000xi32, #tpu.memory_space<vmem>> -> memref<128xi32, #tpu.memory_space<vmem>>
    %dma_start3A_651 = arith.constant 0 : i32
    %dma_start3A_652 = tpu.memref_slice %arg3[%dma_start3A_651] : memref<400000xf32, #tpu.memory_space<hbm>> -> memref<400000xf32, #tpu.memory_space<hbm>>
    tpu.enqueue_indirect_dma source(%dma_start3A_652 : memref<400000xf32, #tpu.memory_space<hbm>>) target(%dma_start3A_648 : memref<128xf32, #tpu.memory_space<vmem>>) offsets(%dma_start3A_650 : memref<128xi32, #tpu.memory_space<vmem>>) semaphore(%arg18 : memref<!tpu.dma_semaphore, #tpu.memory_space<semaphore_mem>>)
    %dma_wait3A_653 = arith.constant 5248 : i32
    %dma_wait3A_654 = tpu.memref_slice %arg15[%dma_wait3A_653] : memref<10000xf32, #tpu.memory_space<vmem>> -> memref<128xf32, #tpu.memory_space<vmem>>
    %dma_wait3A_655 = arith.constant 5248 : i32
    %dma_wait3A_656 = tpu.memref_slice %arg14[%dma_wait3A_655] : memref<10000xi32, #tpu.memory_space<vmem>> -> memref<128xi32, #tpu.memory_space<vmem>>
    %dma_wait3A_657 = arith.constant 0 : i32
    %dma_wait3A_658 = tpu.memref_slice %arg3[%dma_wait3A_657] : memref<400000xf32, #tpu.memory_space<hbm>> -> memref<400000xf32, #tpu.memory_space<hbm>>
    tpu.wait_indirect_dma semaphore(%arg18 : memref<!tpu.dma_semaphore, #tpu.memory_space<semaphore_mem>>) src(%dma_wait3A_658 : memref<400000xf32, #tpu.memory_space<hbm>>) dst(%dma_wait3A_654 : memref<128xf32, #tpu.memory_space<vmem>>)
    %dma_start3A_659 = arith.constant 7040 : i32
    %dma_start3A_660 = tpu.memref_slice %arg15[%dma_start3A_659] : memref<10000xf32, #tpu.memory_space<vmem>> -> memref<128xf32, #tpu.memory_space<vmem>>
    %dma_start3A_661 = arith.constant 7040 : i32
    %dma_start3A_662 = tpu.memref_slice %arg14[%dma_start3A_661] : memref<10000xi32, #tpu.memory_space<vmem>> -> memref<128xi32, #tpu.memory_space<vmem>>
    %dma_start3A_663 = arith.constant 0 : i32
    %dma_start3A_664 = tpu.memref_slice %arg3[%dma_start3A_663] : memref<400000xf32, #tpu.memory_space<hbm>> -> memref<400000xf32, #tpu.memory_space<hbm>>
    tpu.enqueue_indirect_dma source(%dma_start3A_664 : memref<400000xf32, #tpu.memory_space<hbm>>) target(%dma_start3A_660 : memref<128xf32, #tpu.memory_space<vmem>>) offsets(%dma_start3A_662 : memref<128xi32, #tpu.memory_space<vmem>>) semaphore(%arg18 : memref<!tpu.dma_semaphore, #tpu.memory_space<semaphore_mem>>)
    %dma_wait3A_665 = arith.constant 5376 : i32
    %dma_wait3A_666 = tpu.memref_slice %arg15[%dma_wait3A_665] : memref<10000xf32, #tpu.memory_space<vmem>> -> memref<128xf32, #tpu.memory_space<vmem>>
    %dma_wait3A_667 = arith.constant 5376 : i32
    %dma_wait3A_668 = tpu.memref_slice %arg14[%dma_wait3A_667] : memref<10000xi32, #tpu.memory_space<vmem>> -> memref<128xi32, #tpu.memory_space<vmem>>
    %dma_wait3A_669 = arith.constant 0 : i32
    %dma_wait3A_670 = tpu.memref_slice %arg3[%dma_wait3A_669] : memref<400000xf32, #tpu.memory_space<hbm>> -> memref<400000xf32, #tpu.memory_space<hbm>>
    tpu.wait_indirect_dma semaphore(%arg18 : memref<!tpu.dma_semaphore, #tpu.memory_space<semaphore_mem>>) src(%dma_wait3A_670 : memref<400000xf32, #tpu.memory_space<hbm>>) dst(%dma_wait3A_666 : memref<128xf32, #tpu.memory_space<vmem>>)
    %dma_start3A_671 = arith.constant 7168 : i32
    %dma_start3A_672 = tpu.memref_slice %arg15[%dma_start3A_671] : memref<10000xf32, #tpu.memory_space<vmem>> -> memref<128xf32, #tpu.memory_space<vmem>>
    %dma_start3A_673 = arith.constant 7168 : i32
    %dma_start3A_674 = tpu.memref_slice %arg14[%dma_start3A_673] : memref<10000xi32, #tpu.memory_space<vmem>> -> memref<128xi32, #tpu.memory_space<vmem>>
    %dma_start3A_675 = arith.constant 0 : i32
    %dma_start3A_676 = tpu.memref_slice %arg3[%dma_start3A_675] : memref<400000xf32, #tpu.memory_space<hbm>> -> memref<400000xf32, #tpu.memory_space<hbm>>
    tpu.enqueue_indirect_dma source(%dma_start3A_676 : memref<400000xf32, #tpu.memory_space<hbm>>) target(%dma_start3A_672 : memref<128xf32, #tpu.memory_space<vmem>>) offsets(%dma_start3A_674 : memref<128xi32, #tpu.memory_space<vmem>>) semaphore(%arg18 : memref<!tpu.dma_semaphore, #tpu.memory_space<semaphore_mem>>)
    %dma_wait3A_677 = arith.constant 5504 : i32
    %dma_wait3A_678 = tpu.memref_slice %arg15[%dma_wait3A_677] : memref<10000xf32, #tpu.memory_space<vmem>> -> memref<128xf32, #tpu.memory_space<vmem>>
    %dma_wait3A_679 = arith.constant 5504 : i32
    %dma_wait3A_680 = tpu.memref_slice %arg14[%dma_wait3A_679] : memref<10000xi32, #tpu.memory_space<vmem>> -> memref<128xi32, #tpu.memory_space<vmem>>
    %dma_wait3A_681 = arith.constant 0 : i32
    %dma_wait3A_682 = tpu.memref_slice %arg3[%dma_wait3A_681] : memref<400000xf32, #tpu.memory_space<hbm>> -> memref<400000xf32, #tpu.memory_space<hbm>>
    tpu.wait_indirect_dma semaphore(%arg18 : memref<!tpu.dma_semaphore, #tpu.memory_space<semaphore_mem>>) src(%dma_wait3A_682 : memref<400000xf32, #tpu.memory_space<hbm>>) dst(%dma_wait3A_678 : memref<128xf32, #tpu.memory_space<vmem>>)
    %dma_start3A_683 = arith.constant 7296 : i32
    %dma_start3A_684 = tpu.memref_slice %arg15[%dma_start3A_683] : memref<10000xf32, #tpu.memory_space<vmem>> -> memref<128xf32, #tpu.memory_space<vmem>>
    %dma_start3A_685 = arith.constant 7296 : i32
    %dma_start3A_686 = tpu.memref_slice %arg14[%dma_start3A_685] : memref<10000xi32, #tpu.memory_space<vmem>> -> memref<128xi32, #tpu.memory_space<vmem>>
    %dma_start3A_687 = arith.constant 0 : i32
    %dma_start3A_688 = tpu.memref_slice %arg3[%dma_start3A_687] : memref<400000xf32, #tpu.memory_space<hbm>> -> memref<400000xf32, #tpu.memory_space<hbm>>
    tpu.enqueue_indirect_dma source(%dma_start3A_688 : memref<400000xf32, #tpu.memory_space<hbm>>) target(%dma_start3A_684 : memref<128xf32, #tpu.memory_space<vmem>>) offsets(%dma_start3A_686 : memref<128xi32, #tpu.memory_space<vmem>>) semaphore(%arg18 : memref<!tpu.dma_semaphore, #tpu.memory_space<semaphore_mem>>)
    %dma_wait3A_689 = arith.constant 5632 : i32
    %dma_wait3A_690 = tpu.memref_slice %arg15[%dma_wait3A_689] : memref<10000xf32, #tpu.memory_space<vmem>> -> memref<128xf32, #tpu.memory_space<vmem>>
    %dma_wait3A_691 = arith.constant 5632 : i32
    %dma_wait3A_692 = tpu.memref_slice %arg14[%dma_wait3A_691] : memref<10000xi32, #tpu.memory_space<vmem>> -> memref<128xi32, #tpu.memory_space<vmem>>
    %dma_wait3A_693 = arith.constant 0 : i32
    %dma_wait3A_694 = tpu.memref_slice %arg3[%dma_wait3A_693] : memref<400000xf32, #tpu.memory_space<hbm>> -> memref<400000xf32, #tpu.memory_space<hbm>>
    tpu.wait_indirect_dma semaphore(%arg18 : memref<!tpu.dma_semaphore, #tpu.memory_space<semaphore_mem>>) src(%dma_wait3A_694 : memref<400000xf32, #tpu.memory_space<hbm>>) dst(%dma_wait3A_690 : memref<128xf32, #tpu.memory_space<vmem>>)
    %dma_start3A_695 = arith.constant 7424 : i32
    %dma_start3A_696 = tpu.memref_slice %arg15[%dma_start3A_695] : memref<10000xf32, #tpu.memory_space<vmem>> -> memref<128xf32, #tpu.memory_space<vmem>>
    %dma_start3A_697 = arith.constant 7424 : i32
    %dma_start3A_698 = tpu.memref_slice %arg14[%dma_start3A_697] : memref<10000xi32, #tpu.memory_space<vmem>> -> memref<128xi32, #tpu.memory_space<vmem>>
    %dma_start3A_699 = arith.constant 0 : i32
    %dma_start3A_700 = tpu.memref_slice %arg3[%dma_start3A_699] : memref<400000xf32, #tpu.memory_space<hbm>> -> memref<400000xf32, #tpu.memory_space<hbm>>
    tpu.enqueue_indirect_dma source(%dma_start3A_700 : memref<400000xf32, #tpu.memory_space<hbm>>) target(%dma_start3A_696 : memref<128xf32, #tpu.memory_space<vmem>>) offsets(%dma_start3A_698 : memref<128xi32, #tpu.memory_space<vmem>>) semaphore(%arg18 : memref<!tpu.dma_semaphore, #tpu.memory_space<semaphore_mem>>)
    %dma_wait3A_701 = arith.constant 5760 : i32
    %dma_wait3A_702 = tpu.memref_slice %arg15[%dma_wait3A_701] : memref<10000xf32, #tpu.memory_space<vmem>> -> memref<128xf32, #tpu.memory_space<vmem>>
    %dma_wait3A_703 = arith.constant 5760 : i32
    %dma_wait3A_704 = tpu.memref_slice %arg14[%dma_wait3A_703] : memref<10000xi32, #tpu.memory_space<vmem>> -> memref<128xi32, #tpu.memory_space<vmem>>
    %dma_wait3A_705 = arith.constant 0 : i32
    %dma_wait3A_706 = tpu.memref_slice %arg3[%dma_wait3A_705] : memref<400000xf32, #tpu.memory_space<hbm>> -> memref<400000xf32, #tpu.memory_space<hbm>>
    tpu.wait_indirect_dma semaphore(%arg18 : memref<!tpu.dma_semaphore, #tpu.memory_space<semaphore_mem>>) src(%dma_wait3A_706 : memref<400000xf32, #tpu.memory_space<hbm>>) dst(%dma_wait3A_702 : memref<128xf32, #tpu.memory_space<vmem>>)
    %dma_start3A_707 = arith.constant 7552 : i32
    %dma_start3A_708 = tpu.memref_slice %arg15[%dma_start3A_707] : memref<10000xf32, #tpu.memory_space<vmem>> -> memref<128xf32, #tpu.memory_space<vmem>>
    %dma_start3A_709 = arith.constant 7552 : i32
    %dma_start3A_710 = tpu.memref_slice %arg14[%dma_start3A_709] : memref<10000xi32, #tpu.memory_space<vmem>> -> memref<128xi32, #tpu.memory_space<vmem>>
    %dma_start3A_711 = arith.constant 0 : i32
    %dma_start3A_712 = tpu.memref_slice %arg3[%dma_start3A_711] : memref<400000xf32, #tpu.memory_space<hbm>> -> memref<400000xf32, #tpu.memory_space<hbm>>
    tpu.enqueue_indirect_dma source(%dma_start3A_712 : memref<400000xf32, #tpu.memory_space<hbm>>) target(%dma_start3A_708 : memref<128xf32, #tpu.memory_space<vmem>>) offsets(%dma_start3A_710 : memref<128xi32, #tpu.memory_space<vmem>>) semaphore(%arg18 : memref<!tpu.dma_semaphore, #tpu.memory_space<semaphore_mem>>)
    %dma_wait3A_713 = arith.constant 5888 : i32
    %dma_wait3A_714 = tpu.memref_slice %arg15[%dma_wait3A_713] : memref<10000xf32, #tpu.memory_space<vmem>> -> memref<128xf32, #tpu.memory_space<vmem>>
    %dma_wait3A_715 = arith.constant 5888 : i32
    %dma_wait3A_716 = tpu.memref_slice %arg14[%dma_wait3A_715] : memref<10000xi32, #tpu.memory_space<vmem>> -> memref<128xi32, #tpu.memory_space<vmem>>
    %dma_wait3A_717 = arith.constant 0 : i32
    %dma_wait3A_718 = tpu.memref_slice %arg3[%dma_wait3A_717] : memref<400000xf32, #tpu.memory_space<hbm>> -> memref<400000xf32, #tpu.memory_space<hbm>>
    tpu.wait_indirect_dma semaphore(%arg18 : memref<!tpu.dma_semaphore, #tpu.memory_space<semaphore_mem>>) src(%dma_wait3A_718 : memref<400000xf32, #tpu.memory_space<hbm>>) dst(%dma_wait3A_714 : memref<128xf32, #tpu.memory_space<vmem>>)
    %dma_start3A_719 = arith.constant 7680 : i32
    %dma_start3A_720 = tpu.memref_slice %arg15[%dma_start3A_719] : memref<10000xf32, #tpu.memory_space<vmem>> -> memref<128xf32, #tpu.memory_space<vmem>>
    %dma_start3A_721 = arith.constant 7680 : i32
    %dma_start3A_722 = tpu.memref_slice %arg14[%dma_start3A_721] : memref<10000xi32, #tpu.memory_space<vmem>> -> memref<128xi32, #tpu.memory_space<vmem>>
    %dma_start3A_723 = arith.constant 0 : i32
    %dma_start3A_724 = tpu.memref_slice %arg3[%dma_start3A_723] : memref<400000xf32, #tpu.memory_space<hbm>> -> memref<400000xf32, #tpu.memory_space<hbm>>
    tpu.enqueue_indirect_dma source(%dma_start3A_724 : memref<400000xf32, #tpu.memory_space<hbm>>) target(%dma_start3A_720 : memref<128xf32, #tpu.memory_space<vmem>>) offsets(%dma_start3A_722 : memref<128xi32, #tpu.memory_space<vmem>>) semaphore(%arg18 : memref<!tpu.dma_semaphore, #tpu.memory_space<semaphore_mem>>)
    %dma_wait3A_725 = arith.constant 6016 : i32
    %dma_wait3A_726 = tpu.memref_slice %arg15[%dma_wait3A_725] : memref<10000xf32, #tpu.memory_space<vmem>> -> memref<128xf32, #tpu.memory_space<vmem>>
    %dma_wait3A_727 = arith.constant 6016 : i32
    %dma_wait3A_728 = tpu.memref_slice %arg14[%dma_wait3A_727] : memref<10000xi32, #tpu.memory_space<vmem>> -> memref<128xi32, #tpu.memory_space<vmem>>
    %dma_wait3A_729 = arith.constant 0 : i32
    %dma_wait3A_730 = tpu.memref_slice %arg3[%dma_wait3A_729] : memref<400000xf32, #tpu.memory_space<hbm>> -> memref<400000xf32, #tpu.memory_space<hbm>>
    tpu.wait_indirect_dma semaphore(%arg18 : memref<!tpu.dma_semaphore, #tpu.memory_space<semaphore_mem>>) src(%dma_wait3A_730 : memref<400000xf32, #tpu.memory_space<hbm>>) dst(%dma_wait3A_726 : memref<128xf32, #tpu.memory_space<vmem>>)
    %dma_start3A_731 = arith.constant 7808 : i32
    %dma_start3A_732 = tpu.memref_slice %arg15[%dma_start3A_731] : memref<10000xf32, #tpu.memory_space<vmem>> -> memref<128xf32, #tpu.memory_space<vmem>>
    %dma_start3A_733 = arith.constant 7808 : i32
    %dma_start3A_734 = tpu.memref_slice %arg14[%dma_start3A_733] : memref<10000xi32, #tpu.memory_space<vmem>> -> memref<128xi32, #tpu.memory_space<vmem>>
    %dma_start3A_735 = arith.constant 0 : i32
    %dma_start3A_736 = tpu.memref_slice %arg3[%dma_start3A_735] : memref<400000xf32, #tpu.memory_space<hbm>> -> memref<400000xf32, #tpu.memory_space<hbm>>
    tpu.enqueue_indirect_dma source(%dma_start3A_736 : memref<400000xf32, #tpu.memory_space<hbm>>) target(%dma_start3A_732 : memref<128xf32, #tpu.memory_space<vmem>>) offsets(%dma_start3A_734 : memref<128xi32, #tpu.memory_space<vmem>>) semaphore(%arg18 : memref<!tpu.dma_semaphore, #tpu.memory_space<semaphore_mem>>)
    %dma_wait3A_737 = arith.constant 6144 : i32
    %dma_wait3A_738 = tpu.memref_slice %arg15[%dma_wait3A_737] : memref<10000xf32, #tpu.memory_space<vmem>> -> memref<128xf32, #tpu.memory_space<vmem>>
    %dma_wait3A_739 = arith.constant 6144 : i32
    %dma_wait3A_740 = tpu.memref_slice %arg14[%dma_wait3A_739] : memref<10000xi32, #tpu.memory_space<vmem>> -> memref<128xi32, #tpu.memory_space<vmem>>
    %dma_wait3A_741 = arith.constant 0 : i32
    %dma_wait3A_742 = tpu.memref_slice %arg3[%dma_wait3A_741] : memref<400000xf32, #tpu.memory_space<hbm>> -> memref<400000xf32, #tpu.memory_space<hbm>>
    tpu.wait_indirect_dma semaphore(%arg18 : memref<!tpu.dma_semaphore, #tpu.memory_space<semaphore_mem>>) src(%dma_wait3A_742 : memref<400000xf32, #tpu.memory_space<hbm>>) dst(%dma_wait3A_738 : memref<128xf32, #tpu.memory_space<vmem>>)
    %dma_start3A_743 = arith.constant 7936 : i32
    %dma_start3A_744 = tpu.memref_slice %arg15[%dma_start3A_743] : memref<10000xf32, #tpu.memory_space<vmem>> -> memref<128xf32, #tpu.memory_space<vmem>>
    %dma_start3A_745 = arith.constant 7936 : i32
    %dma_start3A_746 = tpu.memref_slice %arg14[%dma_start3A_745] : memref<10000xi32, #tpu.memory_space<vmem>> -> memref<128xi32, #tpu.memory_space<vmem>>
    %dma_start3A_747 = arith.constant 0 : i32
    %dma_start3A_748 = tpu.memref_slice %arg3[%dma_start3A_747] : memref<400000xf32, #tpu.memory_space<hbm>> -> memref<400000xf32, #tpu.memory_space<hbm>>
    tpu.enqueue_indirect_dma source(%dma_start3A_748 : memref<400000xf32, #tpu.memory_space<hbm>>) target(%dma_start3A_744 : memref<128xf32, #tpu.memory_space<vmem>>) offsets(%dma_start3A_746 : memref<128xi32, #tpu.memory_space<vmem>>) semaphore(%arg18 : memref<!tpu.dma_semaphore, #tpu.memory_space<semaphore_mem>>)
    %dma_wait3A_749 = arith.constant 6272 : i32
    %dma_wait3A_750 = tpu.memref_slice %arg15[%dma_wait3A_749] : memref<10000xf32, #tpu.memory_space<vmem>> -> memref<128xf32, #tpu.memory_space<vmem>>
    %dma_wait3A_751 = arith.constant 6272 : i32
    %dma_wait3A_752 = tpu.memref_slice %arg14[%dma_wait3A_751] : memref<10000xi32, #tpu.memory_space<vmem>> -> memref<128xi32, #tpu.memory_space<vmem>>
    %dma_wait3A_753 = arith.constant 0 : i32
    %dma_wait3A_754 = tpu.memref_slice %arg3[%dma_wait3A_753] : memref<400000xf32, #tpu.memory_space<hbm>> -> memref<400000xf32, #tpu.memory_space<hbm>>
    tpu.wait_indirect_dma semaphore(%arg18 : memref<!tpu.dma_semaphore, #tpu.memory_space<semaphore_mem>>) src(%dma_wait3A_754 : memref<400000xf32, #tpu.memory_space<hbm>>) dst(%dma_wait3A_750 : memref<128xf32, #tpu.memory_space<vmem>>)
    %dma_start3A_755 = arith.constant 8064 : i32
    %dma_start3A_756 = tpu.memref_slice %arg15[%dma_start3A_755] : memref<10000xf32, #tpu.memory_space<vmem>> -> memref<128xf32, #tpu.memory_space<vmem>>
    %dma_start3A_757 = arith.constant 8064 : i32
    %dma_start3A_758 = tpu.memref_slice %arg14[%dma_start3A_757] : memref<10000xi32, #tpu.memory_space<vmem>> -> memref<128xi32, #tpu.memory_space<vmem>>
    %dma_start3A_759 = arith.constant 0 : i32
    %dma_start3A_760 = tpu.memref_slice %arg3[%dma_start3A_759] : memref<400000xf32, #tpu.memory_space<hbm>> -> memref<400000xf32, #tpu.memory_space<hbm>>
    tpu.enqueue_indirect_dma source(%dma_start3A_760 : memref<400000xf32, #tpu.memory_space<hbm>>) target(%dma_start3A_756 : memref<128xf32, #tpu.memory_space<vmem>>) offsets(%dma_start3A_758 : memref<128xi32, #tpu.memory_space<vmem>>) semaphore(%arg18 : memref<!tpu.dma_semaphore, #tpu.memory_space<semaphore_mem>>)
    %dma_wait3A_761 = arith.constant 6400 : i32
    %dma_wait3A_762 = tpu.memref_slice %arg15[%dma_wait3A_761] : memref<10000xf32, #tpu.memory_space<vmem>> -> memref<128xf32, #tpu.memory_space<vmem>>
    %dma_wait3A_763 = arith.constant 6400 : i32
    %dma_wait3A_764 = tpu.memref_slice %arg14[%dma_wait3A_763] : memref<10000xi32, #tpu.memory_space<vmem>> -> memref<128xi32, #tpu.memory_space<vmem>>
    %dma_wait3A_765 = arith.constant 0 : i32
    %dma_wait3A_766 = tpu.memref_slice %arg3[%dma_wait3A_765] : memref<400000xf32, #tpu.memory_space<hbm>> -> memref<400000xf32, #tpu.memory_space<hbm>>
    tpu.wait_indirect_dma semaphore(%arg18 : memref<!tpu.dma_semaphore, #tpu.memory_space<semaphore_mem>>) src(%dma_wait3A_766 : memref<400000xf32, #tpu.memory_space<hbm>>) dst(%dma_wait3A_762 : memref<128xf32, #tpu.memory_space<vmem>>)
    %dma_start3A_767 = arith.constant 8192 : i32
    %dma_start3A_768 = tpu.memref_slice %arg15[%dma_start3A_767] : memref<10000xf32, #tpu.memory_space<vmem>> -> memref<128xf32, #tpu.memory_space<vmem>>
    %dma_start3A_769 = arith.constant 8192 : i32
    %dma_start3A_770 = tpu.memref_slice %arg14[%dma_start3A_769] : memref<10000xi32, #tpu.memory_space<vmem>> -> memref<128xi32, #tpu.memory_space<vmem>>
    %dma_start3A_771 = arith.constant 0 : i32
    %dma_start3A_772 = tpu.memref_slice %arg3[%dma_start3A_771] : memref<400000xf32, #tpu.memory_space<hbm>> -> memref<400000xf32, #tpu.memory_space<hbm>>
    tpu.enqueue_indirect_dma source(%dma_start3A_772 : memref<400000xf32, #tpu.memory_space<hbm>>) target(%dma_start3A_768 : memref<128xf32, #tpu.memory_space<vmem>>) offsets(%dma_start3A_770 : memref<128xi32, #tpu.memory_space<vmem>>) semaphore(%arg18 : memref<!tpu.dma_semaphore, #tpu.memory_space<semaphore_mem>>)
    %dma_wait3A_773 = arith.constant 6528 : i32
    %dma_wait3A_774 = tpu.memref_slice %arg15[%dma_wait3A_773] : memref<10000xf32, #tpu.memory_space<vmem>> -> memref<128xf32, #tpu.memory_space<vmem>>
    %dma_wait3A_775 = arith.constant 6528 : i32
    %dma_wait3A_776 = tpu.memref_slice %arg14[%dma_wait3A_775] : memref<10000xi32, #tpu.memory_space<vmem>> -> memref<128xi32, #tpu.memory_space<vmem>>
    %dma_wait3A_777 = arith.constant 0 : i32
    %dma_wait3A_778 = tpu.memref_slice %arg3[%dma_wait3A_777] : memref<400000xf32, #tpu.memory_space<hbm>> -> memref<400000xf32, #tpu.memory_space<hbm>>
    tpu.wait_indirect_dma semaphore(%arg18 : memref<!tpu.dma_semaphore, #tpu.memory_space<semaphore_mem>>) src(%dma_wait3A_778 : memref<400000xf32, #tpu.memory_space<hbm>>) dst(%dma_wait3A_774 : memref<128xf32, #tpu.memory_space<vmem>>)
    %dma_start3A_779 = arith.constant 8320 : i32
    %dma_start3A_780 = tpu.memref_slice %arg15[%dma_start3A_779] : memref<10000xf32, #tpu.memory_space<vmem>> -> memref<128xf32, #tpu.memory_space<vmem>>
    %dma_start3A_781 = arith.constant 8320 : i32
    %dma_start3A_782 = tpu.memref_slice %arg14[%dma_start3A_781] : memref<10000xi32, #tpu.memory_space<vmem>> -> memref<128xi32, #tpu.memory_space<vmem>>
    %dma_start3A_783 = arith.constant 0 : i32
    %dma_start3A_784 = tpu.memref_slice %arg3[%dma_start3A_783] : memref<400000xf32, #tpu.memory_space<hbm>> -> memref<400000xf32, #tpu.memory_space<hbm>>
    tpu.enqueue_indirect_dma source(%dma_start3A_784 : memref<400000xf32, #tpu.memory_space<hbm>>) target(%dma_start3A_780 : memref<128xf32, #tpu.memory_space<vmem>>) offsets(%dma_start3A_782 : memref<128xi32, #tpu.memory_space<vmem>>) semaphore(%arg18 : memref<!tpu.dma_semaphore, #tpu.memory_space<semaphore_mem>>)
    %dma_wait3A_785 = arith.constant 6656 : i32
    %dma_wait3A_786 = tpu.memref_slice %arg15[%dma_wait3A_785] : memref<10000xf32, #tpu.memory_space<vmem>> -> memref<128xf32, #tpu.memory_space<vmem>>
    %dma_wait3A_787 = arith.constant 6656 : i32
    %dma_wait3A_788 = tpu.memref_slice %arg14[%dma_wait3A_787] : memref<10000xi32, #tpu.memory_space<vmem>> -> memref<128xi32, #tpu.memory_space<vmem>>
    %dma_wait3A_789 = arith.constant 0 : i32
    %dma_wait3A_790 = tpu.memref_slice %arg3[%dma_wait3A_789] : memref<400000xf32, #tpu.memory_space<hbm>> -> memref<400000xf32, #tpu.memory_space<hbm>>
    tpu.wait_indirect_dma semaphore(%arg18 : memref<!tpu.dma_semaphore, #tpu.memory_space<semaphore_mem>>) src(%dma_wait3A_790 : memref<400000xf32, #tpu.memory_space<hbm>>) dst(%dma_wait3A_786 : memref<128xf32, #tpu.memory_space<vmem>>)
    %dma_start3A_791 = arith.constant 8448 : i32
    %dma_start3A_792 = tpu.memref_slice %arg15[%dma_start3A_791] : memref<10000xf32, #tpu.memory_space<vmem>> -> memref<128xf32, #tpu.memory_space<vmem>>
    %dma_start3A_793 = arith.constant 8448 : i32
    %dma_start3A_794 = tpu.memref_slice %arg14[%dma_start3A_793] : memref<10000xi32, #tpu.memory_space<vmem>> -> memref<128xi32, #tpu.memory_space<vmem>>
    %dma_start3A_795 = arith.constant 0 : i32
    %dma_start3A_796 = tpu.memref_slice %arg3[%dma_start3A_795] : memref<400000xf32, #tpu.memory_space<hbm>> -> memref<400000xf32, #tpu.memory_space<hbm>>
    tpu.enqueue_indirect_dma source(%dma_start3A_796 : memref<400000xf32, #tpu.memory_space<hbm>>) target(%dma_start3A_792 : memref<128xf32, #tpu.memory_space<vmem>>) offsets(%dma_start3A_794 : memref<128xi32, #tpu.memory_space<vmem>>) semaphore(%arg18 : memref<!tpu.dma_semaphore, #tpu.memory_space<semaphore_mem>>)
    %dma_wait3A_797 = arith.constant 6784 : i32
    %dma_wait3A_798 = tpu.memref_slice %arg15[%dma_wait3A_797] : memref<10000xf32, #tpu.memory_space<vmem>> -> memref<128xf32, #tpu.memory_space<vmem>>
    %dma_wait3A_799 = arith.constant 6784 : i32
    %dma_wait3A_800 = tpu.memref_slice %arg14[%dma_wait3A_799] : memref<10000xi32, #tpu.memory_space<vmem>> -> memref<128xi32, #tpu.memory_space<vmem>>
    %dma_wait3A_801 = arith.constant 0 : i32
    %dma_wait3A_802 = tpu.memref_slice %arg3[%dma_wait3A_801] : memref<400000xf32, #tpu.memory_space<hbm>> -> memref<400000xf32, #tpu.memory_space<hbm>>
    tpu.wait_indirect_dma semaphore(%arg18 : memref<!tpu.dma_semaphore, #tpu.memory_space<semaphore_mem>>) src(%dma_wait3A_802 : memref<400000xf32, #tpu.memory_space<hbm>>) dst(%dma_wait3A_798 : memref<128xf32, #tpu.memory_space<vmem>>)
    %dma_start3A_803 = arith.constant 8576 : i32
    %dma_start3A_804 = tpu.memref_slice %arg15[%dma_start3A_803] : memref<10000xf32, #tpu.memory_space<vmem>> -> memref<128xf32, #tpu.memory_space<vmem>>
    %dma_start3A_805 = arith.constant 8576 : i32
    %dma_start3A_806 = tpu.memref_slice %arg14[%dma_start3A_805] : memref<10000xi32, #tpu.memory_space<vmem>> -> memref<128xi32, #tpu.memory_space<vmem>>
    %dma_start3A_807 = arith.constant 0 : i32
    %dma_start3A_808 = tpu.memref_slice %arg3[%dma_start3A_807] : memref<400000xf32, #tpu.memory_space<hbm>> -> memref<400000xf32, #tpu.memory_space<hbm>>
    tpu.enqueue_indirect_dma source(%dma_start3A_808 : memref<400000xf32, #tpu.memory_space<hbm>>) target(%dma_start3A_804 : memref<128xf32, #tpu.memory_space<vmem>>) offsets(%dma_start3A_806 : memref<128xi32, #tpu.memory_space<vmem>>) semaphore(%arg18 : memref<!tpu.dma_semaphore, #tpu.memory_space<semaphore_mem>>)
    %dma_wait3A_809 = arith.constant 6912 : i32
    %dma_wait3A_810 = tpu.memref_slice %arg15[%dma_wait3A_809] : memref<10000xf32, #tpu.memory_space<vmem>> -> memref<128xf32, #tpu.memory_space<vmem>>
    %dma_wait3A_811 = arith.constant 6912 : i32
    %dma_wait3A_812 = tpu.memref_slice %arg14[%dma_wait3A_811] : memref<10000xi32, #tpu.memory_space<vmem>> -> memref<128xi32, #tpu.memory_space<vmem>>
    %dma_wait3A_813 = arith.constant 0 : i32
    %dma_wait3A_814 = tpu.memref_slice %arg3[%dma_wait3A_813] : memref<400000xf32, #tpu.memory_space<hbm>> -> memref<400000xf32, #tpu.memory_space<hbm>>
    tpu.wait_indirect_dma semaphore(%arg18 : memref<!tpu.dma_semaphore, #tpu.memory_space<semaphore_mem>>) src(%dma_wait3A_814 : memref<400000xf32, #tpu.memory_space<hbm>>) dst(%dma_wait3A_810 : memref<128xf32, #tpu.memory_space<vmem>>)
    %dma_start3A_815 = arith.constant 8704 : i32
    %dma_start3A_816 = tpu.memref_slice %arg15[%dma_start3A_815] : memref<10000xf32, #tpu.memory_space<vmem>> -> memref<128xf32, #tpu.memory_space<vmem>>
    %dma_start3A_817 = arith.constant 8704 : i32
    %dma_start3A_818 = tpu.memref_slice %arg14[%dma_start3A_817] : memref<10000xi32, #tpu.memory_space<vmem>> -> memref<128xi32, #tpu.memory_space<vmem>>
    %dma_start3A_819 = arith.constant 0 : i32
    %dma_start3A_820 = tpu.memref_slice %arg3[%dma_start3A_819] : memref<400000xf32, #tpu.memory_space<hbm>> -> memref<400000xf32, #tpu.memory_space<hbm>>
    tpu.enqueue_indirect_dma source(%dma_start3A_820 : memref<400000xf32, #tpu.memory_space<hbm>>) target(%dma_start3A_816 : memref<128xf32, #tpu.memory_space<vmem>>) offsets(%dma_start3A_818 : memref<128xi32, #tpu.memory_space<vmem>>) semaphore(%arg18 : memref<!tpu.dma_semaphore, #tpu.memory_space<semaphore_mem>>)
    %dma_wait3A_821 = arith.constant 7040 : i32
    %dma_wait3A_822 = tpu.memref_slice %arg15[%dma_wait3A_821] : memref<10000xf32, #tpu.memory_space<vmem>> -> memref<128xf32, #tpu.memory_space<vmem>>
    %dma_wait3A_823 = arith.constant 7040 : i32
    %dma_wait3A_824 = tpu.memref_slice %arg14[%dma_wait3A_823] : memref<10000xi32, #tpu.memory_space<vmem>> -> memref<128xi32, #tpu.memory_space<vmem>>
    %dma_wait3A_825 = arith.constant 0 : i32
    %dma_wait3A_826 = tpu.memref_slice %arg3[%dma_wait3A_825] : memref<400000xf32, #tpu.memory_space<hbm>> -> memref<400000xf32, #tpu.memory_space<hbm>>
    tpu.wait_indirect_dma semaphore(%arg18 : memref<!tpu.dma_semaphore, #tpu.memory_space<semaphore_mem>>) src(%dma_wait3A_826 : memref<400000xf32, #tpu.memory_space<hbm>>) dst(%dma_wait3A_822 : memref<128xf32, #tpu.memory_space<vmem>>)
    %dma_start3A_827 = arith.constant 8832 : i32
    %dma_start3A_828 = tpu.memref_slice %arg15[%dma_start3A_827] : memref<10000xf32, #tpu.memory_space<vmem>> -> memref<128xf32, #tpu.memory_space<vmem>>
    %dma_start3A_829 = arith.constant 8832 : i32
    %dma_start3A_830 = tpu.memref_slice %arg14[%dma_start3A_829] : memref<10000xi32, #tpu.memory_space<vmem>> -> memref<128xi32, #tpu.memory_space<vmem>>
    %dma_start3A_831 = arith.constant 0 : i32
    %dma_start3A_832 = tpu.memref_slice %arg3[%dma_start3A_831] : memref<400000xf32, #tpu.memory_space<hbm>> -> memref<400000xf32, #tpu.memory_space<hbm>>
    tpu.enqueue_indirect_dma source(%dma_start3A_832 : memref<400000xf32, #tpu.memory_space<hbm>>) target(%dma_start3A_828 : memref<128xf32, #tpu.memory_space<vmem>>) offsets(%dma_start3A_830 : memref<128xi32, #tpu.memory_space<vmem>>) semaphore(%arg18 : memref<!tpu.dma_semaphore, #tpu.memory_space<semaphore_mem>>)
    %dma_wait3A_833 = arith.constant 7168 : i32
    %dma_wait3A_834 = tpu.memref_slice %arg15[%dma_wait3A_833] : memref<10000xf32, #tpu.memory_space<vmem>> -> memref<128xf32, #tpu.memory_space<vmem>>
    %dma_wait3A_835 = arith.constant 7168 : i32
    %dma_wait3A_836 = tpu.memref_slice %arg14[%dma_wait3A_835] : memref<10000xi32, #tpu.memory_space<vmem>> -> memref<128xi32, #tpu.memory_space<vmem>>
    %dma_wait3A_837 = arith.constant 0 : i32
    %dma_wait3A_838 = tpu.memref_slice %arg3[%dma_wait3A_837] : memref<400000xf32, #tpu.memory_space<hbm>> -> memref<400000xf32, #tpu.memory_space<hbm>>
    tpu.wait_indirect_dma semaphore(%arg18 : memref<!tpu.dma_semaphore, #tpu.memory_space<semaphore_mem>>) src(%dma_wait3A_838 : memref<400000xf32, #tpu.memory_space<hbm>>) dst(%dma_wait3A_834 : memref<128xf32, #tpu.memory_space<vmem>>)
    %dma_start3A_839 = arith.constant 8960 : i32
    %dma_start3A_840 = tpu.memref_slice %arg15[%dma_start3A_839] : memref<10000xf32, #tpu.memory_space<vmem>> -> memref<128xf32, #tpu.memory_space<vmem>>
    %dma_start3A_841 = arith.constant 8960 : i32
    %dma_start3A_842 = tpu.memref_slice %arg14[%dma_start3A_841] : memref<10000xi32, #tpu.memory_space<vmem>> -> memref<128xi32, #tpu.memory_space<vmem>>
    %dma_start3A_843 = arith.constant 0 : i32
    %dma_start3A_844 = tpu.memref_slice %arg3[%dma_start3A_843] : memref<400000xf32, #tpu.memory_space<hbm>> -> memref<400000xf32, #tpu.memory_space<hbm>>
    tpu.enqueue_indirect_dma source(%dma_start3A_844 : memref<400000xf32, #tpu.memory_space<hbm>>) target(%dma_start3A_840 : memref<128xf32, #tpu.memory_space<vmem>>) offsets(%dma_start3A_842 : memref<128xi32, #tpu.memory_space<vmem>>) semaphore(%arg18 : memref<!tpu.dma_semaphore, #tpu.memory_space<semaphore_mem>>)
    %dma_wait3A_845 = arith.constant 7296 : i32
    %dma_wait3A_846 = tpu.memref_slice %arg15[%dma_wait3A_845] : memref<10000xf32, #tpu.memory_space<vmem>> -> memref<128xf32, #tpu.memory_space<vmem>>
    %dma_wait3A_847 = arith.constant 7296 : i32
    %dma_wait3A_848 = tpu.memref_slice %arg14[%dma_wait3A_847] : memref<10000xi32, #tpu.memory_space<vmem>> -> memref<128xi32, #tpu.memory_space<vmem>>
    %dma_wait3A_849 = arith.constant 0 : i32
    %dma_wait3A_850 = tpu.memref_slice %arg3[%dma_wait3A_849] : memref<400000xf32, #tpu.memory_space<hbm>> -> memref<400000xf32, #tpu.memory_space<hbm>>
    tpu.wait_indirect_dma semaphore(%arg18 : memref<!tpu.dma_semaphore, #tpu.memory_space<semaphore_mem>>) src(%dma_wait3A_850 : memref<400000xf32, #tpu.memory_space<hbm>>) dst(%dma_wait3A_846 : memref<128xf32, #tpu.memory_space<vmem>>)
    %dma_start3A_851 = arith.constant 9088 : i32
    %dma_start3A_852 = tpu.memref_slice %arg15[%dma_start3A_851] : memref<10000xf32, #tpu.memory_space<vmem>> -> memref<128xf32, #tpu.memory_space<vmem>>
    %dma_start3A_853 = arith.constant 9088 : i32
    %dma_start3A_854 = tpu.memref_slice %arg14[%dma_start3A_853] : memref<10000xi32, #tpu.memory_space<vmem>> -> memref<128xi32, #tpu.memory_space<vmem>>
    %dma_start3A_855 = arith.constant 0 : i32
    %dma_start3A_856 = tpu.memref_slice %arg3[%dma_start3A_855] : memref<400000xf32, #tpu.memory_space<hbm>> -> memref<400000xf32, #tpu.memory_space<hbm>>
    tpu.enqueue_indirect_dma source(%dma_start3A_856 : memref<400000xf32, #tpu.memory_space<hbm>>) target(%dma_start3A_852 : memref<128xf32, #tpu.memory_space<vmem>>) offsets(%dma_start3A_854 : memref<128xi32, #tpu.memory_space<vmem>>) semaphore(%arg18 : memref<!tpu.dma_semaphore, #tpu.memory_space<semaphore_mem>>)
    %dma_wait3A_857 = arith.constant 7424 : i32
    %dma_wait3A_858 = tpu.memref_slice %arg15[%dma_wait3A_857] : memref<10000xf32, #tpu.memory_space<vmem>> -> memref<128xf32, #tpu.memory_space<vmem>>
    %dma_wait3A_859 = arith.constant 7424 : i32
    %dma_wait3A_860 = tpu.memref_slice %arg14[%dma_wait3A_859] : memref<10000xi32, #tpu.memory_space<vmem>> -> memref<128xi32, #tpu.memory_space<vmem>>
    %dma_wait3A_861 = arith.constant 0 : i32
    %dma_wait3A_862 = tpu.memref_slice %arg3[%dma_wait3A_861] : memref<400000xf32, #tpu.memory_space<hbm>> -> memref<400000xf32, #tpu.memory_space<hbm>>
    tpu.wait_indirect_dma semaphore(%arg18 : memref<!tpu.dma_semaphore, #tpu.memory_space<semaphore_mem>>) src(%dma_wait3A_862 : memref<400000xf32, #tpu.memory_space<hbm>>) dst(%dma_wait3A_858 : memref<128xf32, #tpu.memory_space<vmem>>)
    %dma_start3A_863 = arith.constant 9216 : i32
    %dma_start3A_864 = tpu.memref_slice %arg15[%dma_start3A_863] : memref<10000xf32, #tpu.memory_space<vmem>> -> memref<128xf32, #tpu.memory_space<vmem>>
    %dma_start3A_865 = arith.constant 9216 : i32
    %dma_start3A_866 = tpu.memref_slice %arg14[%dma_start3A_865] : memref<10000xi32, #tpu.memory_space<vmem>> -> memref<128xi32, #tpu.memory_space<vmem>>
    %dma_start3A_867 = arith.constant 0 : i32
    %dma_start3A_868 = tpu.memref_slice %arg3[%dma_start3A_867] : memref<400000xf32, #tpu.memory_space<hbm>> -> memref<400000xf32, #tpu.memory_space<hbm>>
    tpu.enqueue_indirect_dma source(%dma_start3A_868 : memref<400000xf32, #tpu.memory_space<hbm>>) target(%dma_start3A_864 : memref<128xf32, #tpu.memory_space<vmem>>) offsets(%dma_start3A_866 : memref<128xi32, #tpu.memory_space<vmem>>) semaphore(%arg18 : memref<!tpu.dma_semaphore, #tpu.memory_space<semaphore_mem>>)
    %dma_wait3A_869 = arith.constant 7552 : i32
    %dma_wait3A_870 = tpu.memref_slice %arg15[%dma_wait3A_869] : memref<10000xf32, #tpu.memory_space<vmem>> -> memref<128xf32, #tpu.memory_space<vmem>>
    %dma_wait3A_871 = arith.constant 7552 : i32
    %dma_wait3A_872 = tpu.memref_slice %arg14[%dma_wait3A_871] : memref<10000xi32, #tpu.memory_space<vmem>> -> memref<128xi32, #tpu.memory_space<vmem>>
    %dma_wait3A_873 = arith.constant 0 : i32
    %dma_wait3A_874 = tpu.memref_slice %arg3[%dma_wait3A_873] : memref<400000xf32, #tpu.memory_space<hbm>> -> memref<400000xf32, #tpu.memory_space<hbm>>
    tpu.wait_indirect_dma semaphore(%arg18 : memref<!tpu.dma_semaphore, #tpu.memory_space<semaphore_mem>>) src(%dma_wait3A_874 : memref<400000xf32, #tpu.memory_space<hbm>>) dst(%dma_wait3A_870 : memref<128xf32, #tpu.memory_space<vmem>>)
    %dma_start3A_875 = arith.constant 9344 : i32
    %dma_start3A_876 = tpu.memref_slice %arg15[%dma_start3A_875] : memref<10000xf32, #tpu.memory_space<vmem>> -> memref<128xf32, #tpu.memory_space<vmem>>
    %dma_start3A_877 = arith.constant 9344 : i32
    %dma_start3A_878 = tpu.memref_slice %arg14[%dma_start3A_877] : memref<10000xi32, #tpu.memory_space<vmem>> -> memref<128xi32, #tpu.memory_space<vmem>>
    %dma_start3A_879 = arith.constant 0 : i32
    %dma_start3A_880 = tpu.memref_slice %arg3[%dma_start3A_879] : memref<400000xf32, #tpu.memory_space<hbm>> -> memref<400000xf32, #tpu.memory_space<hbm>>
    tpu.enqueue_indirect_dma source(%dma_start3A_880 : memref<400000xf32, #tpu.memory_space<hbm>>) target(%dma_start3A_876 : memref<128xf32, #tpu.memory_space<vmem>>) offsets(%dma_start3A_878 : memref<128xi32, #tpu.memory_space<vmem>>) semaphore(%arg18 : memref<!tpu.dma_semaphore, #tpu.memory_space<semaphore_mem>>)
    %dma_wait3A_881 = arith.constant 7680 : i32
    %dma_wait3A_882 = tpu.memref_slice %arg15[%dma_wait3A_881] : memref<10000xf32, #tpu.memory_space<vmem>> -> memref<128xf32, #tpu.memory_space<vmem>>
    %dma_wait3A_883 = arith.constant 7680 : i32
    %dma_wait3A_884 = tpu.memref_slice %arg14[%dma_wait3A_883] : memref<10000xi32, #tpu.memory_space<vmem>> -> memref<128xi32, #tpu.memory_space<vmem>>
    %dma_wait3A_885 = arith.constant 0 : i32
    %dma_wait3A_886 = tpu.memref_slice %arg3[%dma_wait3A_885] : memref<400000xf32, #tpu.memory_space<hbm>> -> memref<400000xf32, #tpu.memory_space<hbm>>
    tpu.wait_indirect_dma semaphore(%arg18 : memref<!tpu.dma_semaphore, #tpu.memory_space<semaphore_mem>>) src(%dma_wait3A_886 : memref<400000xf32, #tpu.memory_space<hbm>>) dst(%dma_wait3A_882 : memref<128xf32, #tpu.memory_space<vmem>>)
    %dma_start3A_887 = arith.constant 9472 : i32
    %dma_start3A_888 = tpu.memref_slice %arg15[%dma_start3A_887] : memref<10000xf32, #tpu.memory_space<vmem>> -> memref<128xf32, #tpu.memory_space<vmem>>
    %dma_start3A_889 = arith.constant 9472 : i32
    %dma_start3A_890 = tpu.memref_slice %arg14[%dma_start3A_889] : memref<10000xi32, #tpu.memory_space<vmem>> -> memref<128xi32, #tpu.memory_space<vmem>>
    %dma_start3A_891 = arith.constant 0 : i32
    %dma_start3A_892 = tpu.memref_slice %arg3[%dma_start3A_891] : memref<400000xf32, #tpu.memory_space<hbm>> -> memref<400000xf32, #tpu.memory_space<hbm>>
    tpu.enqueue_indirect_dma source(%dma_start3A_892 : memref<400000xf32, #tpu.memory_space<hbm>>) target(%dma_start3A_888 : memref<128xf32, #tpu.memory_space<vmem>>) offsets(%dma_start3A_890 : memref<128xi32, #tpu.memory_space<vmem>>) semaphore(%arg18 : memref<!tpu.dma_semaphore, #tpu.memory_space<semaphore_mem>>)
    %dma_wait3A_893 = arith.constant 7808 : i32
    %dma_wait3A_894 = tpu.memref_slice %arg15[%dma_wait3A_893] : memref<10000xf32, #tpu.memory_space<vmem>> -> memref<128xf32, #tpu.memory_space<vmem>>
    %dma_wait3A_895 = arith.constant 7808 : i32
    %dma_wait3A_896 = tpu.memref_slice %arg14[%dma_wait3A_895] : memref<10000xi32, #tpu.memory_space<vmem>> -> memref<128xi32, #tpu.memory_space<vmem>>
    %dma_wait3A_897 = arith.constant 0 : i32
    %dma_wait3A_898 = tpu.memref_slice %arg3[%dma_wait3A_897] : memref<400000xf32, #tpu.memory_space<hbm>> -> memref<400000xf32, #tpu.memory_space<hbm>>
    tpu.wait_indirect_dma semaphore(%arg18 : memref<!tpu.dma_semaphore, #tpu.memory_space<semaphore_mem>>) src(%dma_wait3A_898 : memref<400000xf32, #tpu.memory_space<hbm>>) dst(%dma_wait3A_894 : memref<128xf32, #tpu.memory_space<vmem>>)
    %dma_start3A_899 = arith.constant 9600 : i32
    %dma_start3A_900 = tpu.memref_slice %arg15[%dma_start3A_899] : memref<10000xf32, #tpu.memory_space<vmem>> -> memref<128xf32, #tpu.memory_space<vmem>>
    %dma_start3A_901 = arith.constant 9600 : i32
    %dma_start3A_902 = tpu.memref_slice %arg14[%dma_start3A_901] : memref<10000xi32, #tpu.memory_space<vmem>> -> memref<128xi32, #tpu.memory_space<vmem>>
    %dma_start3A_903 = arith.constant 0 : i32
    %dma_start3A_904 = tpu.memref_slice %arg3[%dma_start3A_903] : memref<400000xf32, #tpu.memory_space<hbm>> -> memref<400000xf32, #tpu.memory_space<hbm>>
    tpu.enqueue_indirect_dma source(%dma_start3A_904 : memref<400000xf32, #tpu.memory_space<hbm>>) target(%dma_start3A_900 : memref<128xf32, #tpu.memory_space<vmem>>) offsets(%dma_start3A_902 : memref<128xi32, #tpu.memory_space<vmem>>) semaphore(%arg18 : memref<!tpu.dma_semaphore, #tpu.memory_space<semaphore_mem>>)
    %dma_wait3A_905 = arith.constant 7936 : i32
    %dma_wait3A_906 = tpu.memref_slice %arg15[%dma_wait3A_905] : memref<10000xf32, #tpu.memory_space<vmem>> -> memref<128xf32, #tpu.memory_space<vmem>>
    %dma_wait3A_907 = arith.constant 7936 : i32
    %dma_wait3A_908 = tpu.memref_slice %arg14[%dma_wait3A_907] : memref<10000xi32, #tpu.memory_space<vmem>> -> memref<128xi32, #tpu.memory_space<vmem>>
    %dma_wait3A_909 = arith.constant 0 : i32
    %dma_wait3A_910 = tpu.memref_slice %arg3[%dma_wait3A_909] : memref<400000xf32, #tpu.memory_space<hbm>> -> memref<400000xf32, #tpu.memory_space<hbm>>
    tpu.wait_indirect_dma semaphore(%arg18 : memref<!tpu.dma_semaphore, #tpu.memory_space<semaphore_mem>>) src(%dma_wait3A_910 : memref<400000xf32, #tpu.memory_space<hbm>>) dst(%dma_wait3A_906 : memref<128xf32, #tpu.memory_space<vmem>>)
    %dma_start3A_911 = arith.constant 9728 : i32
    %dma_start3A_912 = tpu.memref_slice %arg15[%dma_start3A_911] : memref<10000xf32, #tpu.memory_space<vmem>> -> memref<128xf32, #tpu.memory_space<vmem>>
    %dma_start3A_913 = arith.constant 9728 : i32
    %dma_start3A_914 = tpu.memref_slice %arg14[%dma_start3A_913] : memref<10000xi32, #tpu.memory_space<vmem>> -> memref<128xi32, #tpu.memory_space<vmem>>
    %dma_start3A_915 = arith.constant 0 : i32
    %dma_start3A_916 = tpu.memref_slice %arg3[%dma_start3A_915] : memref<400000xf32, #tpu.memory_space<hbm>> -> memref<400000xf32, #tpu.memory_space<hbm>>
    tpu.enqueue_indirect_dma source(%dma_start3A_916 : memref<400000xf32, #tpu.memory_space<hbm>>) target(%dma_start3A_912 : memref<128xf32, #tpu.memory_space<vmem>>) offsets(%dma_start3A_914 : memref<128xi32, #tpu.memory_space<vmem>>) semaphore(%arg18 : memref<!tpu.dma_semaphore, #tpu.memory_space<semaphore_mem>>)
    %dma_wait3A_917 = arith.constant 8064 : i32
    %dma_wait3A_918 = tpu.memref_slice %arg15[%dma_wait3A_917] : memref<10000xf32, #tpu.memory_space<vmem>> -> memref<128xf32, #tpu.memory_space<vmem>>
    %dma_wait3A_919 = arith.constant 8064 : i32
    %dma_wait3A_920 = tpu.memref_slice %arg14[%dma_wait3A_919] : memref<10000xi32, #tpu.memory_space<vmem>> -> memref<128xi32, #tpu.memory_space<vmem>>
    %dma_wait3A_921 = arith.constant 0 : i32
    %dma_wait3A_922 = tpu.memref_slice %arg3[%dma_wait3A_921] : memref<400000xf32, #tpu.memory_space<hbm>> -> memref<400000xf32, #tpu.memory_space<hbm>>
    tpu.wait_indirect_dma semaphore(%arg18 : memref<!tpu.dma_semaphore, #tpu.memory_space<semaphore_mem>>) src(%dma_wait3A_922 : memref<400000xf32, #tpu.memory_space<hbm>>) dst(%dma_wait3A_918 : memref<128xf32, #tpu.memory_space<vmem>>)
    %dma_start3A_923 = arith.constant 9856 : i32
    %dma_start3A_924 = tpu.memref_slice %arg15[%dma_start3A_923] : memref<10000xf32, #tpu.memory_space<vmem>> -> memref<128xf32, #tpu.memory_space<vmem>>
    %dma_start3A_925 = arith.constant 9856 : i32
    %dma_start3A_926 = tpu.memref_slice %arg14[%dma_start3A_925] : memref<10000xi32, #tpu.memory_space<vmem>> -> memref<128xi32, #tpu.memory_space<vmem>>
    %dma_start3A_927 = arith.constant 0 : i32
    %dma_start3A_928 = tpu.memref_slice %arg3[%dma_start3A_927] : memref<400000xf32, #tpu.memory_space<hbm>> -> memref<400000xf32, #tpu.memory_space<hbm>>
    tpu.enqueue_indirect_dma source(%dma_start3A_928 : memref<400000xf32, #tpu.memory_space<hbm>>) target(%dma_start3A_924 : memref<128xf32, #tpu.memory_space<vmem>>) offsets(%dma_start3A_926 : memref<128xi32, #tpu.memory_space<vmem>>) semaphore(%arg18 : memref<!tpu.dma_semaphore, #tpu.memory_space<semaphore_mem>>)
    %dma_wait3A_929 = arith.constant 8192 : i32
    %dma_wait3A_930 = tpu.memref_slice %arg15[%dma_wait3A_929] : memref<10000xf32, #tpu.memory_space<vmem>> -> memref<128xf32, #tpu.memory_space<vmem>>
    %dma_wait3A_931 = arith.constant 8192 : i32
    %dma_wait3A_932 = tpu.memref_slice %arg14[%dma_wait3A_931] : memref<10000xi32, #tpu.memory_space<vmem>> -> memref<128xi32, #tpu.memory_space<vmem>>
    %dma_wait3A_933 = arith.constant 0 : i32
    %dma_wait3A_934 = tpu.memref_slice %arg3[%dma_wait3A_933] : memref<400000xf32, #tpu.memory_space<hbm>> -> memref<400000xf32, #tpu.memory_space<hbm>>
    tpu.wait_indirect_dma semaphore(%arg18 : memref<!tpu.dma_semaphore, #tpu.memory_space<semaphore_mem>>) src(%dma_wait3A_934 : memref<400000xf32, #tpu.memory_space<hbm>>) dst(%dma_wait3A_930 : memref<128xf32, #tpu.memory_space<vmem>>)
    %dma_start3A_935 = arith.constant 9984 : i32
    %dma_start3A_936 = tpu.memref_slice %arg15[%dma_start3A_935] : memref<10000xf32, #tpu.memory_space<vmem>> -> memref<16xf32, #tpu.memory_space<vmem>>
    %dma_start3A_937 = arith.constant 9984 : i32
    %dma_start3A_938 = tpu.memref_slice %arg14[%dma_start3A_937] : memref<10000xi32, #tpu.memory_space<vmem>> -> memref<16xi32, #tpu.memory_space<vmem>>
    %dma_start3A_939 = arith.constant 0 : i32
    %dma_start3A_940 = tpu.memref_slice %arg3[%dma_start3A_939] : memref<400000xf32, #tpu.memory_space<hbm>> -> memref<400000xf32, #tpu.memory_space<hbm>>
    tpu.enqueue_indirect_dma source(%dma_start3A_940 : memref<400000xf32, #tpu.memory_space<hbm>>) target(%dma_start3A_936 : memref<16xf32, #tpu.memory_space<vmem>>) offsets(%dma_start3A_938 : memref<16xi32, #tpu.memory_space<vmem>>) semaphore(%arg18 : memref<!tpu.dma_semaphore, #tpu.memory_space<semaphore_mem>>)
    %dma_wait3A_941 = tpu.memref_slice %arg5[%multiple_of3A] : memref<640000xi32, #tpu.memory_space<hbm>> -> memref<10000xi32, #tpu.memory_space<hbm>>
    %dma_wait3A_942 = tpu.memref_slice %arg5[%multiple_of3A] : memref<640000xi32, #tpu.memory_space<hbm>> -> memref<10000xi32, #tpu.memory_space<hbm>>
    tpu.wait_dma2 semaphore(%arg19 : memref<!tpu.dma_semaphore, #tpu.memory_space<semaphore_mem>>) src(%dma_wait3A_942 : memref<10000xi32, #tpu.memory_space<hbm>>) dst(%arg12 : memref<10000xi32, #tpu.memory_space<vmem>>)
    %dma_wait3A_943 = tpu.memref_slice %arg5[%multiple_of3A_8] : memref<640000xi32, #tpu.memory_space<hbm>> -> memref<10000xi32, #tpu.memory_space<hbm>>
    %dma_wait3A_944 = tpu.memref_slice %arg5[%multiple_of3A_8] : memref<640000xi32, #tpu.memory_space<hbm>> -> memref<10000xi32, #tpu.memory_space<hbm>>
    tpu.wait_dma2 semaphore(%arg19 : memref<!tpu.dma_semaphore, #tpu.memory_space<semaphore_mem>>) src(%dma_wait3A_944 : memref<10000xi32, #tpu.memory_space<hbm>>) dst(%arg13 : memref<10000xi32, #tpu.memory_space<vmem>>)
    %dma_wait3A_945 = arith.constant 8320 : i32
    %dma_wait3A_946 = tpu.memref_slice %arg15[%dma_wait3A_945] : memref<10000xf32, #tpu.memory_space<vmem>> -> memref<128xf32, #tpu.memory_space<vmem>>
    %dma_wait3A_947 = arith.constant 8320 : i32
    %dma_wait3A_948 = tpu.memref_slice %arg14[%dma_wait3A_947] : memref<10000xi32, #tpu.memory_space<vmem>> -> memref<128xi32, #tpu.memory_space<vmem>>
    %dma_wait3A_949 = arith.constant 0 : i32
    %dma_wait3A_950 = tpu.memref_slice %arg3[%dma_wait3A_949] : memref<400000xf32, #tpu.memory_space<hbm>> -> memref<400000xf32, #tpu.memory_space<hbm>>
    tpu.wait_indirect_dma semaphore(%arg18 : memref<!tpu.dma_semaphore, #tpu.memory_space<semaphore_mem>>) src(%dma_wait3A_950 : memref<400000xf32, #tpu.memory_space<hbm>>) dst(%dma_wait3A_946 : memref<128xf32, #tpu.memory_space<vmem>>)
    %dma_wait3A_951 = arith.constant 8448 : i32
    %dma_wait3A_952 = tpu.memref_slice %arg15[%dma_wait3A_951] : memref<10000xf32, #tpu.memory_space<vmem>> -> memref<128xf32, #tpu.memory_space<vmem>>
    %dma_wait3A_953 = arith.constant 8448 : i32
    %dma_wait3A_954 = tpu.memref_slice %arg14[%dma_wait3A_953] : memref<10000xi32, #tpu.memory_space<vmem>> -> memref<128xi32, #tpu.memory_space<vmem>>
    %dma_wait3A_955 = arith.constant 0 : i32
    %dma_wait3A_956 = tpu.memref_slice %arg3[%dma_wait3A_955] : memref<400000xf32, #tpu.memory_space<hbm>> -> memref<400000xf32, #tpu.memory_space<hbm>>
    tpu.wait_indirect_dma semaphore(%arg18 : memref<!tpu.dma_semaphore, #tpu.memory_space<semaphore_mem>>) src(%dma_wait3A_956 : memref<400000xf32, #tpu.memory_space<hbm>>) dst(%dma_wait3A_952 : memref<128xf32, #tpu.memory_space<vmem>>)
    %dma_wait3A_957 = arith.constant 8576 : i32
    %dma_wait3A_958 = tpu.memref_slice %arg15[%dma_wait3A_957] : memref<10000xf32, #tpu.memory_space<vmem>> -> memref<128xf32, #tpu.memory_space<vmem>>
    %dma_wait3A_959 = arith.constant 8576 : i32
    %dma_wait3A_960 = tpu.memref_slice %arg14[%dma_wait3A_959] : memref<10000xi32, #tpu.memory_space<vmem>> -> memref<128xi32, #tpu.memory_space<vmem>>
    %dma_wait3A_961 = arith.constant 0 : i32
    %dma_wait3A_962 = tpu.memref_slice %arg3[%dma_wait3A_961] : memref<400000xf32, #tpu.memory_space<hbm>> -> memref<400000xf32, #tpu.memory_space<hbm>>
    tpu.wait_indirect_dma semaphore(%arg18 : memref<!tpu.dma_semaphore, #tpu.memory_space<semaphore_mem>>) src(%dma_wait3A_962 : memref<400000xf32, #tpu.memory_space<hbm>>) dst(%dma_wait3A_958 : memref<128xf32, #tpu.memory_space<vmem>>)
    %dma_wait3A_963 = arith.constant 8704 : i32
    %dma_wait3A_964 = tpu.memref_slice %arg15[%dma_wait3A_963] : memref<10000xf32, #tpu.memory_space<vmem>> -> memref<128xf32, #tpu.memory_space<vmem>>
    %dma_wait3A_965 = arith.constant 8704 : i32
    %dma_wait3A_966 = tpu.memref_slice %arg14[%dma_wait3A_965] : memref<10000xi32, #tpu.memory_space<vmem>> -> memref<128xi32, #tpu.memory_space<vmem>>
    %dma_wait3A_967 = arith.constant 0 : i32
    %dma_wait3A_968 = tpu.memref_slice %arg3[%dma_wait3A_967] : memref<400000xf32, #tpu.memory_space<hbm>> -> memref<400000xf32, #tpu.memory_space<hbm>>
    tpu.wait_indirect_dma semaphore(%arg18 : memref<!tpu.dma_semaphore, #tpu.memory_space<semaphore_mem>>) src(%dma_wait3A_968 : memref<400000xf32, #tpu.memory_space<hbm>>) dst(%dma_wait3A_964 : memref<128xf32, #tpu.memory_space<vmem>>)
    %dma_wait3A_969 = arith.constant 8832 : i32
    %dma_wait3A_970 = tpu.memref_slice %arg15[%dma_wait3A_969] : memref<10000xf32, #tpu.memory_space<vmem>> -> memref<128xf32, #tpu.memory_space<vmem>>
    %dma_wait3A_971 = arith.constant 8832 : i32
    %dma_wait3A_972 = tpu.memref_slice %arg14[%dma_wait3A_971] : memref<10000xi32, #tpu.memory_space<vmem>> -> memref<128xi32, #tpu.memory_space<vmem>>
    %dma_wait3A_973 = arith.constant 0 : i32
    %dma_wait3A_974 = tpu.memref_slice %arg3[%dma_wait3A_973] : memref<400000xf32, #tpu.memory_space<hbm>> -> memref<400000xf32, #tpu.memory_space<hbm>>
    tpu.wait_indirect_dma semaphore(%arg18 : memref<!tpu.dma_semaphore, #tpu.memory_space<semaphore_mem>>) src(%dma_wait3A_974 : memref<400000xf32, #tpu.memory_space<hbm>>) dst(%dma_wait3A_970 : memref<128xf32, #tpu.memory_space<vmem>>)
    %dma_wait3A_975 = arith.constant 8960 : i32
    %dma_wait3A_976 = tpu.memref_slice %arg15[%dma_wait3A_975] : memref<10000xf32, #tpu.memory_space<vmem>> -> memref<128xf32, #tpu.memory_space<vmem>>
    %dma_wait3A_977 = arith.constant 8960 : i32
    %dma_wait3A_978 = tpu.memref_slice %arg14[%dma_wait3A_977] : memref<10000xi32, #tpu.memory_space<vmem>> -> memref<128xi32, #tpu.memory_space<vmem>>
    %dma_wait3A_979 = arith.constant 0 : i32
    %dma_wait3A_980 = tpu.memref_slice %arg3[%dma_wait3A_979] : memref<400000xf32, #tpu.memory_space<hbm>> -> memref<400000xf32, #tpu.memory_space<hbm>>
    tpu.wait_indirect_dma semaphore(%arg18 : memref<!tpu.dma_semaphore, #tpu.memory_space<semaphore_mem>>) src(%dma_wait3A_980 : memref<400000xf32, #tpu.memory_space<hbm>>) dst(%dma_wait3A_976 : memref<128xf32, #tpu.memory_space<vmem>>)
    %dma_wait3A_981 = arith.constant 9088 : i32
    %dma_wait3A_982 = tpu.memref_slice %arg15[%dma_wait3A_981] : memref<10000xf32, #tpu.memory_space<vmem>> -> memref<128xf32, #tpu.memory_space<vmem>>
    %dma_wait3A_983 = arith.constant 9088 : i32
    %dma_wait3A_984 = tpu.memref_slice %arg14[%dma_wait3A_983] : memref<10000xi32, #tpu.memory_space<vmem>> -> memref<128xi32, #tpu.memory_space<vmem>>
    %dma_wait3A_985 = arith.constant 0 : i32
    %dma_wait3A_986 = tpu.memref_slice %arg3[%dma_wait3A_985] : memref<400000xf32, #tpu.memory_space<hbm>> -> memref<400000xf32, #tpu.memory_space<hbm>>
    tpu.wait_indirect_dma semaphore(%arg18 : memref<!tpu.dma_semaphore, #tpu.memory_space<semaphore_mem>>) src(%dma_wait3A_986 : memref<400000xf32, #tpu.memory_space<hbm>>) dst(%dma_wait3A_982 : memref<128xf32, #tpu.memory_space<vmem>>)
    %dma_wait3A_987 = arith.constant 9216 : i32
    %dma_wait3A_988 = tpu.memref_slice %arg15[%dma_wait3A_987] : memref<10000xf32, #tpu.memory_space<vmem>> -> memref<128xf32, #tpu.memory_space<vmem>>
    %dma_wait3A_989 = arith.constant 9216 : i32
    %dma_wait3A_990 = tpu.memref_slice %arg14[%dma_wait3A_989] : memref<10000xi32, #tpu.memory_space<vmem>> -> memref<128xi32, #tpu.memory_space<vmem>>
    %dma_wait3A_991 = arith.constant 0 : i32
    %dma_wait3A_992 = tpu.memref_slice %arg3[%dma_wait3A_991] : memref<400000xf32, #tpu.memory_space<hbm>> -> memref<400000xf32, #tpu.memory_space<hbm>>
    tpu.wait_indirect_dma semaphore(%arg18 : memref<!tpu.dma_semaphore, #tpu.memory_space<semaphore_mem>>) src(%dma_wait3A_992 : memref<400000xf32, #tpu.memory_space<hbm>>) dst(%dma_wait3A_988 : memref<128xf32, #tpu.memory_space<vmem>>)
    %dma_wait3A_993 = arith.constant 9344 : i32
    %dma_wait3A_994 = tpu.memref_slice %arg15[%dma_wait3A_993] : memref<10000xf32, #tpu.memory_space<vmem>> -> memref<128xf32, #tpu.memory_space<vmem>>
    %dma_wait3A_995 = arith.constant 9344 : i32
    %dma_wait3A_996 = tpu.memref_slice %arg14[%dma_wait3A_995] : memref<10000xi32, #tpu.memory_space<vmem>> -> memref<128xi32, #tpu.memory_space<vmem>>
    %dma_wait3A_997 = arith.constant 0 : i32
    %dma_wait3A_998 = tpu.memref_slice %arg3[%dma_wait3A_997] : memref<400000xf32, #tpu.memory_space<hbm>> -> memref<400000xf32, #tpu.memory_space<hbm>>
    tpu.wait_indirect_dma semaphore(%arg18 : memref<!tpu.dma_semaphore, #tpu.memory_space<semaphore_mem>>) src(%dma_wait3A_998 : memref<400000xf32, #tpu.memory_space<hbm>>) dst(%dma_wait3A_994 : memref<128xf32, #tpu.memory_space<vmem>>)
    %dma_wait3A_999 = arith.constant 9472 : i32
    %dma_wait3A_1000 = tpu.memref_slice %arg15[%dma_wait3A_999] : memref<10000xf32, #tpu.memory_space<vmem>> -> memref<128xf32, #tpu.memory_space<vmem>>
    %dma_wait3A_1001 = arith.constant 9472 : i32
    %dma_wait3A_1002 = tpu.memref_slice %arg14[%dma_wait3A_1001] : memref<10000xi32, #tpu.memory_space<vmem>> -> memref<128xi32, #tpu.memory_space<vmem>>
    %dma_wait3A_1003 = arith.constant 0 : i32
    %dma_wait3A_1004 = tpu.memref_slice %arg3[%dma_wait3A_1003] : memref<400000xf32, #tpu.memory_space<hbm>> -> memref<400000xf32, #tpu.memory_space<hbm>>
    tpu.wait_indirect_dma semaphore(%arg18 : memref<!tpu.dma_semaphore, #tpu.memory_space<semaphore_mem>>) src(%dma_wait3A_1004 : memref<400000xf32, #tpu.memory_space<hbm>>) dst(%dma_wait3A_1000 : memref<128xf32, #tpu.memory_space<vmem>>)
    %dma_wait3A_1005 = arith.constant 9600 : i32
    %dma_wait3A_1006 = tpu.memref_slice %arg15[%dma_wait3A_1005] : memref<10000xf32, #tpu.memory_space<vmem>> -> memref<128xf32, #tpu.memory_space<vmem>>
    %dma_wait3A_1007 = arith.constant 9600 : i32
    %dma_wait3A_1008 = tpu.memref_slice %arg14[%dma_wait3A_1007] : memref<10000xi32, #tpu.memory_space<vmem>> -> memref<128xi32, #tpu.memory_space<vmem>>
    %dma_wait3A_1009 = arith.constant 0 : i32
    %dma_wait3A_1010 = tpu.memref_slice %arg3[%dma_wait3A_1009] : memref<400000xf32, #tpu.memory_space<hbm>> -> memref<400000xf32, #tpu.memory_space<hbm>>
    tpu.wait_indirect_dma semaphore(%arg18 : memref<!tpu.dma_semaphore, #tpu.memory_space<semaphore_mem>>) src(%dma_wait3A_1010 : memref<400000xf32, #tpu.memory_space<hbm>>) dst(%dma_wait3A_1006 : memref<128xf32, #tpu.memory_space<vmem>>)
    %dma_wait3A_1011 = arith.constant 9728 : i32
    %dma_wait3A_1012 = tpu.memref_slice %arg15[%dma_wait3A_1011] : memref<10000xf32, #tpu.memory_space<vmem>> -> memref<128xf32, #tpu.memory_space<vmem>>
    %dma_wait3A_1013 = arith.constant 9728 : i32
    %dma_wait3A_1014 = tpu.memref_slice %arg14[%dma_wait3A_1013] : memref<10000xi32, #tpu.memory_space<vmem>> -> memref<128xi32, #tpu.memory_space<vmem>>
    %dma_wait3A_1015 = arith.constant 0 : i32
    %dma_wait3A_1016 = tpu.memref_slice %arg3[%dma_wait3A_1015] : memref<400000xf32, #tpu.memory_space<hbm>> -> memref<400000xf32, #tpu.memory_space<hbm>>
    tpu.wait_indirect_dma semaphore(%arg18 : memref<!tpu.dma_semaphore, #tpu.memory_space<semaphore_mem>>) src(%dma_wait3A_1016 : memref<400000xf32, #tpu.memory_space<hbm>>) dst(%dma_wait3A_1012 : memref<128xf32, #tpu.memory_space<vmem>>)
    %dma_wait3A_1017 = arith.constant 9856 : i32
    %dma_wait3A_1018 = tpu.memref_slice %arg15[%dma_wait3A_1017] : memref<10000xf32, #tpu.memory_space<vmem>> -> memref<128xf32, #tpu.memory_space<vmem>>
    %dma_wait3A_1019 = arith.constant 9856 : i32
    %dma_wait3A_1020 = tpu.memref_slice %arg14[%dma_wait3A_1019] : memref<10000xi32, #tpu.memory_space<vmem>> -> memref<128xi32, #tpu.memory_space<vmem>>
    %dma_wait3A_1021 = arith.constant 0 : i32
    %dma_wait3A_1022 = tpu.memref_slice %arg3[%dma_wait3A_1021] : memref<400000xf32, #tpu.memory_space<hbm>> -> memref<400000xf32, #tpu.memory_space<hbm>>
    tpu.wait_indirect_dma semaphore(%arg18 : memref<!tpu.dma_semaphore, #tpu.memory_space<semaphore_mem>>) src(%dma_wait3A_1022 : memref<400000xf32, #tpu.memory_space<hbm>>) dst(%dma_wait3A_1018 : memref<128xf32, #tpu.memory_space<vmem>>)
    %dma_wait3A_1023 = arith.constant 9984 : i32
    %dma_wait3A_1024 = tpu.memref_slice %arg15[%dma_wait3A_1023] : memref<10000xf32, #tpu.memory_space<vmem>> -> memref<16xf32, #tpu.memory_space<vmem>>
    %dma_wait3A_1025 = arith.constant 9984 : i32
    %dma_wait3A_1026 = tpu.memref_slice %arg14[%dma_wait3A_1025] : memref<10000xi32, #tpu.memory_space<vmem>> -> memref<16xi32, #tpu.memory_space<vmem>>
    %dma_wait3A_1027 = arith.constant 0 : i32
    %dma_wait3A_1028 = tpu.memref_slice %arg3[%dma_wait3A_1027] : memref<400000xf32, #tpu.memory_space<hbm>> -> memref<400000xf32, #tpu.memory_space<hbm>>
    tpu.wait_indirect_dma semaphore(%arg18 : memref<!tpu.dma_semaphore, #tpu.memory_space<semaphore_mem>>) src(%dma_wait3A_1028 : memref<400000xf32, #tpu.memory_space<hbm>>) dst(%dma_wait3A_1024 : memref<16xf32, #tpu.memory_space<vmem>>)
    %parallel_loop3A = arith.constant 0 : i32
    %parallel_loop3A_1029 = arith.constant 10000 : i32
    %parallel_loop3A_1030 = arith.constant 16 : i32
    scf.for %parallel_loop3A_1031 = %parallel_loop3A to %parallel_loop3A_1029 step %parallel_loop3A_1030  : i32 {
      %parallel_loop3A_1032 = arith.index_cast %parallel_loop3A_1031 : i32 to index
      %parallel_loop3A_1033 = tpu.vector_load %arg12[%parallel_loop3A_1032] {strides = array<i32>} : memref<10000xi32, #tpu.memory_space<vmem>>, vector<16xi32>,
      %parallel_loop3A_1034 = arith.index_cast %parallel_loop3A_1031 : i32 to index
      %parallel_loop3A_1035 = tpu.vector_load %arg13[%parallel_loop3A_1034] {strides = array<i32>} : memref<10000xi32, #tpu.memory_space<vmem>>, vector<16xi32>,
      %parallel_loop3A_1036 = tpu.vector_load_idx %arg11[%parallel_loop3A_1033] : memref<10240xf32, #tpu.memory_space<vmem>>[vector<16xi32>], vector<16xf32>,
      %parallel_loop3A_1037 = tpu.vector_load_idx %arg11[%parallel_loop3A_1035] : memref<10240xf32, #tpu.memory_space<vmem>>[vector<16xi32>], vector<16xf32>,
      %parallel_loop3A_1038 = arith.index_cast %parallel_loop3A_1031 : i32 to index
      %parallel_loop3A_1039 = tpu.vector_load %arg15[%parallel_loop3A_1038] {strides = array<i32>} : memref<10000xf32, #tpu.memory_space<vmem>>, vector<16xf32>,
      %parallel_loop3A_1040 = arith.addf %parallel_loop3A_1036, %parallel_loop3A_1039 : vector<16xf32>
      %parallel_loop3A_1041 = arith.subf %parallel_loop3A_1040, %parallel_loop3A_1037 : vector<16xf32>
      %parallel_loop3A_1042 = arith.index_cast %parallel_loop3A_1031 : i32 to index
      %parallel_loop3A_1043 = tpu.vector_load %arg16[%parallel_loop3A_1042] {strides = array<i32>} : memref<10000xf32, #tpu.memory_space<vmem>>, vector<16xf32>,
      tpu.vector_store %arg16[%parallel_loop3A_1042], %parallel_loop3A_1041 {strides = array<i32>} : memref<10000xf32, #tpu.memory_space<vmem>>, vector<16xf32>,
    } {sc.loop_unroll_factor = 4 : i64, sc.parallel_access}
    "tpu.region"() ({
      %run_scoped3A = tpu.sem_alloc : memref<!tpu.dma_semaphore, #tpu.memory_space<semaphore_mem>>
      %dma_start3A_1031 = tpu.memref_slice %arg7[%multiple_of3A] : memref<320000xf32, #tpu.memory_space<hbm>> -> memref<10000xf32, #tpu.memory_space<hbm>>
      %dma_start3A_1032 = tpu.memref_slice %arg7[%multiple_of3A] : memref<320000xf32, #tpu.memory_space<hbm>> -> memref<10000xf32, #tpu.memory_space<hbm>>
      tpu.enqueue_dma source(%arg16 : memref<10000xf32, #tpu.memory_space<vmem>>) target(%dma_start3A_1032 : memref<10000xf32, #tpu.memory_space<hbm>>) target_semaphore(%run_scoped3A : memref<!tpu.dma_semaphore, #tpu.memory_space<semaphore_mem>>)
      %dma_wait3A_1033 = tpu.memref_slice %arg7[%multiple_of3A] : memref<320000xf32, #tpu.memory_space<hbm>> -> memref<10000xf32, #tpu.memory_space<hbm>>
      %dma_wait3A_1034 = tpu.memref_slice %arg7[%multiple_of3A] : memref<320000xf32, #tpu.memory_space<hbm>> -> memref<10000xf32, #tpu.memory_space<hbm>>
      tpu.wait_dma2 semaphore(%run_scoped3A : memref<!tpu.dma_semaphore, #tpu.memory_space<semaphore_mem>>) src(%arg16 : memref<10000xf32, #tpu.memory_space<vmem>>) dst(%dma_wait3A_1034 : memref<10000xf32, #tpu.memory_space<hbm>>)
      tpu.yield
    }) : () -> ()
    return
  }
}

module attributes {stable_mosaic.version = 14 : i64} {
  func.func @_rowsums_body(%arg0: memref<100000x128xf32, #tpu.memory_space<any>>, %arg1: memref<400000x128xf32, #tpu.memory_space<any>>, %arg2: memref<25x4000xf32, #tpu.memory_space<vmem>>, %arg3: memref<100x4000xf32, #tpu.memory_space<vmem>>, %arg4: memref<12x4000x128xf32, #tpu.memory_space<vmem>>, %arg5: memref<12x!tpu.dma_semaphore, #tpu.memory_space<semaphore_mem>>) attributes {dimension_semantics = [], scalar_prefetch = 0 : i64, scratch_operands = 2 : i64, tpu.core_type = #tpu.core_type<tc>} {
    %broadcast_in_dim3A = arith.constant 1.000000e+00 : f32
    %broadcast_in_dim3A_0 = vector.broadcast %broadcast_in_dim3A : f32 to vector<1x128xf32>
    %multiple_of3A = arith.constant 0 : i32
    %multiple_of3A_1 = tpu.assume_multiple %multiple_of3A, 4000 : i32
    %dma_start3A = arith.constant 0 : i32
    %dma_start3A_2 = arith.constant 0 : i32
    %dma_start3A_3 = tpu.memref_slice %arg5[%dma_start3A_2] : memref<12x!tpu.dma_semaphore, #tpu.memory_space<semaphore_mem>> -> memref<1x!tpu.dma_semaphore, #tpu.memory_space<semaphore_mem>>
    %dma_start3A_4 = tpu.memref_squeeze %dma_start3A_3 : memref<1x!tpu.dma_semaphore, #tpu.memory_space<semaphore_mem>> -> memref<!tpu.dma_semaphore, #tpu.memory_space<semaphore_mem>>
    %dma_start3A_5 = arith.constant 0 : i32
    %dma_start3A_6 = arith.constant 0 : i32
    %dma_start3A_7 = tpu.memref_slice %arg4[%dma_start3A, %dma_start3A_5, %dma_start3A_6] : memref<12x4000x128xf32, #tpu.memory_space<vmem>> -> memref<1x4000x128xf32, #tpu.memory_space<vmem>>
    %dma_start3A_8 = tpu.memref_squeeze %dma_start3A_7 : memref<1x4000x128xf32, #tpu.memory_space<vmem>> -> memref<4000x128xf32, #tpu.memory_space<vmem>>
    %dma_start3A_9 = arith.constant 0 : i32
    %dma_start3A_10 = tpu.memref_slice %arg0[%multiple_of3A_1, %dma_start3A_9] : memref<100000x128xf32, #tpu.memory_space<any>> -> memref<4000x128xf32, #tpu.memory_space<any>>
    tpu.enqueue_dma source(%dma_start3A_10 : memref<4000x128xf32, #tpu.memory_space<any>>) target(%dma_start3A_8 : memref<4000x128xf32, #tpu.memory_space<vmem>>) target_semaphore(%dma_start3A_4 : memref<!tpu.dma_semaphore, #tpu.memory_space<semaphore_mem>>)
    %multiple_of3A_11 = arith.constant 4000 : i32
    %multiple_of3A_12 = tpu.assume_multiple %multiple_of3A_11, 4000 : i32
    %dma_start3A_13 = arith.constant 1 : i32
    %dma_start3A_14 = arith.constant 1 : i32
    %dma_start3A_15 = tpu.memref_slice %arg5[%dma_start3A_14] : memref<12x!tpu.dma_semaphore, #tpu.memory_space<semaphore_mem>> -> memref<1x!tpu.dma_semaphore, #tpu.memory_space<semaphore_mem>>
    %dma_start3A_16 = tpu.memref_squeeze %dma_start3A_15 : memref<1x!tpu.dma_semaphore, #tpu.memory_space<semaphore_mem>> -> memref<!tpu.dma_semaphore, #tpu.memory_space<semaphore_mem>>
    %dma_start3A_17 = arith.constant 0 : i32
    %dma_start3A_18 = arith.constant 0 : i32
    %dma_start3A_19 = tpu.memref_slice %arg4[%dma_start3A_13, %dma_start3A_17, %dma_start3A_18] : memref<12x4000x128xf32, #tpu.memory_space<vmem>> -> memref<1x4000x128xf32, #tpu.memory_space<vmem>>
    %dma_start3A_20 = tpu.memref_squeeze %dma_start3A_19 : memref<1x4000x128xf32, #tpu.memory_space<vmem>> -> memref<4000x128xf32, #tpu.memory_space<vmem>>
    %dma_start3A_21 = arith.constant 0 : i32
    %dma_start3A_22 = tpu.memref_slice %arg0[%multiple_of3A_12, %dma_start3A_21] : memref<100000x128xf32, #tpu.memory_space<any>> -> memref<4000x128xf32, #tpu.memory_space<any>>
    tpu.enqueue_dma source(%dma_start3A_22 : memref<4000x128xf32, #tpu.memory_space<any>>) target(%dma_start3A_20 : memref<4000x128xf32, #tpu.memory_space<vmem>>) target_semaphore(%dma_start3A_16 : memref<!tpu.dma_semaphore, #tpu.memory_space<semaphore_mem>>)
    %multiple_of3A_23 = arith.constant 8000 : i32
    %multiple_of3A_24 = tpu.assume_multiple %multiple_of3A_23, 4000 : i32
    %dma_start3A_25 = arith.constant 2 : i32
    %dma_start3A_26 = arith.constant 2 : i32
    %dma_start3A_27 = tpu.memref_slice %arg5[%dma_start3A_26] : memref<12x!tpu.dma_semaphore, #tpu.memory_space<semaphore_mem>> -> memref<1x!tpu.dma_semaphore, #tpu.memory_space<semaphore_mem>>
    %dma_start3A_28 = tpu.memref_squeeze %dma_start3A_27 : memref<1x!tpu.dma_semaphore, #tpu.memory_space<semaphore_mem>> -> memref<!tpu.dma_semaphore, #tpu.memory_space<semaphore_mem>>
    %dma_start3A_29 = arith.constant 0 : i32
    %dma_start3A_30 = arith.constant 0 : i32
    %dma_start3A_31 = tpu.memref_slice %arg4[%dma_start3A_25, %dma_start3A_29, %dma_start3A_30] : memref<12x4000x128xf32, #tpu.memory_space<vmem>> -> memref<1x4000x128xf32, #tpu.memory_space<vmem>>
    %dma_start3A_32 = tpu.memref_squeeze %dma_start3A_31 : memref<1x4000x128xf32, #tpu.memory_space<vmem>> -> memref<4000x128xf32, #tpu.memory_space<vmem>>
    %dma_start3A_33 = arith.constant 0 : i32
    %dma_start3A_34 = tpu.memref_slice %arg0[%multiple_of3A_24, %dma_start3A_33] : memref<100000x128xf32, #tpu.memory_space<any>> -> memref<4000x128xf32, #tpu.memory_space<any>>
    tpu.enqueue_dma source(%dma_start3A_34 : memref<4000x128xf32, #tpu.memory_space<any>>) target(%dma_start3A_32 : memref<4000x128xf32, #tpu.memory_space<vmem>>) target_semaphore(%dma_start3A_28 : memref<!tpu.dma_semaphore, #tpu.memory_space<semaphore_mem>>)
    %multiple_of3A_35 = arith.constant 12000 : i32
    %multiple_of3A_36 = tpu.assume_multiple %multiple_of3A_35, 4000 : i32
    %dma_start3A_37 = arith.constant 3 : i32
    %dma_start3A_38 = arith.constant 3 : i32
    %dma_start3A_39 = tpu.memref_slice %arg5[%dma_start3A_38] : memref<12x!tpu.dma_semaphore, #tpu.memory_space<semaphore_mem>> -> memref<1x!tpu.dma_semaphore, #tpu.memory_space<semaphore_mem>>
    %dma_start3A_40 = tpu.memref_squeeze %dma_start3A_39 : memref<1x!tpu.dma_semaphore, #tpu.memory_space<semaphore_mem>> -> memref<!tpu.dma_semaphore, #tpu.memory_space<semaphore_mem>>
    %dma_start3A_41 = arith.constant 0 : i32
    %dma_start3A_42 = arith.constant 0 : i32
    %dma_start3A_43 = tpu.memref_slice %arg4[%dma_start3A_37, %dma_start3A_41, %dma_start3A_42] : memref<12x4000x128xf32, #tpu.memory_space<vmem>> -> memref<1x4000x128xf32, #tpu.memory_space<vmem>>
    %dma_start3A_44 = tpu.memref_squeeze %dma_start3A_43 : memref<1x4000x128xf32, #tpu.memory_space<vmem>> -> memref<4000x128xf32, #tpu.memory_space<vmem>>
    %dma_start3A_45 = arith.constant 0 : i32
    %dma_start3A_46 = tpu.memref_slice %arg0[%multiple_of3A_36, %dma_start3A_45] : memref<100000x128xf32, #tpu.memory_space<any>> -> memref<4000x128xf32, #tpu.memory_space<any>>
    tpu.enqueue_dma source(%dma_start3A_46 : memref<4000x128xf32, #tpu.memory_space<any>>) target(%dma_start3A_44 : memref<4000x128xf32, #tpu.memory_space<vmem>>) target_semaphore(%dma_start3A_40 : memref<!tpu.dma_semaphore, #tpu.memory_space<semaphore_mem>>)
    %multiple_of3A_47 = arith.constant 16000 : i32
    %multiple_of3A_48 = tpu.assume_multiple %multiple_of3A_47, 4000 : i32
    %dma_start3A_49 = arith.constant 4 : i32
    %dma_start3A_50 = arith.constant 4 : i32
    %dma_start3A_51 = tpu.memref_slice %arg5[%dma_start3A_50] : memref<12x!tpu.dma_semaphore, #tpu.memory_space<semaphore_mem>> -> memref<1x!tpu.dma_semaphore, #tpu.memory_space<semaphore_mem>>
    %dma_start3A_52 = tpu.memref_squeeze %dma_start3A_51 : memref<1x!tpu.dma_semaphore, #tpu.memory_space<semaphore_mem>> -> memref<!tpu.dma_semaphore, #tpu.memory_space<semaphore_mem>>
    %dma_start3A_53 = arith.constant 0 : i32
    %dma_start3A_54 = arith.constant 0 : i32
    %dma_start3A_55 = tpu.memref_slice %arg4[%dma_start3A_49, %dma_start3A_53, %dma_start3A_54] : memref<12x4000x128xf32, #tpu.memory_space<vmem>> -> memref<1x4000x128xf32, #tpu.memory_space<vmem>>
    %dma_start3A_56 = tpu.memref_squeeze %dma_start3A_55 : memref<1x4000x128xf32, #tpu.memory_space<vmem>> -> memref<4000x128xf32, #tpu.memory_space<vmem>>
    %dma_start3A_57 = arith.constant 0 : i32
    %dma_start3A_58 = tpu.memref_slice %arg0[%multiple_of3A_48, %dma_start3A_57] : memref<100000x128xf32, #tpu.memory_space<any>> -> memref<4000x128xf32, #tpu.memory_space<any>>
    tpu.enqueue_dma source(%dma_start3A_58 : memref<4000x128xf32, #tpu.memory_space<any>>) target(%dma_start3A_56 : memref<4000x128xf32, #tpu.memory_space<vmem>>) target_semaphore(%dma_start3A_52 : memref<!tpu.dma_semaphore, #tpu.memory_space<semaphore_mem>>)
    %multiple_of3A_59 = arith.constant 20000 : i32
    %multiple_of3A_60 = tpu.assume_multiple %multiple_of3A_59, 4000 : i32
    %dma_start3A_61 = arith.constant 5 : i32
    %dma_start3A_62 = arith.constant 5 : i32
    %dma_start3A_63 = tpu.memref_slice %arg5[%dma_start3A_62] : memref<12x!tpu.dma_semaphore, #tpu.memory_space<semaphore_mem>> -> memref<1x!tpu.dma_semaphore, #tpu.memory_space<semaphore_mem>>
    %dma_start3A_64 = tpu.memref_squeeze %dma_start3A_63 : memref<1x!tpu.dma_semaphore, #tpu.memory_space<semaphore_mem>> -> memref<!tpu.dma_semaphore, #tpu.memory_space<semaphore_mem>>
    %dma_start3A_65 = arith.constant 0 : i32
    %dma_start3A_66 = arith.constant 0 : i32
    %dma_start3A_67 = tpu.memref_slice %arg4[%dma_start3A_61, %dma_start3A_65, %dma_start3A_66] : memref<12x4000x128xf32, #tpu.memory_space<vmem>> -> memref<1x4000x128xf32, #tpu.memory_space<vmem>>
    %dma_start3A_68 = tpu.memref_squeeze %dma_start3A_67 : memref<1x4000x128xf32, #tpu.memory_space<vmem>> -> memref<4000x128xf32, #tpu.memory_space<vmem>>
    %dma_start3A_69 = arith.constant 0 : i32
    %dma_start3A_70 = tpu.memref_slice %arg0[%multiple_of3A_60, %dma_start3A_69] : memref<100000x128xf32, #tpu.memory_space<any>> -> memref<4000x128xf32, #tpu.memory_space<any>>
    tpu.enqueue_dma source(%dma_start3A_70 : memref<4000x128xf32, #tpu.memory_space<any>>) target(%dma_start3A_68 : memref<4000x128xf32, #tpu.memory_space<vmem>>) target_semaphore(%dma_start3A_64 : memref<!tpu.dma_semaphore, #tpu.memory_space<semaphore_mem>>)
    %multiple_of3A_71 = arith.constant 24000 : i32
    %multiple_of3A_72 = tpu.assume_multiple %multiple_of3A_71, 4000 : i32
    %dma_start3A_73 = arith.constant 6 : i32
    %dma_start3A_74 = arith.constant 6 : i32
    %dma_start3A_75 = tpu.memref_slice %arg5[%dma_start3A_74] : memref<12x!tpu.dma_semaphore, #tpu.memory_space<semaphore_mem>> -> memref<1x!tpu.dma_semaphore, #tpu.memory_space<semaphore_mem>>
    %dma_start3A_76 = tpu.memref_squeeze %dma_start3A_75 : memref<1x!tpu.dma_semaphore, #tpu.memory_space<semaphore_mem>> -> memref<!tpu.dma_semaphore, #tpu.memory_space<semaphore_mem>>
    %dma_start3A_77 = arith.constant 0 : i32
    %dma_start3A_78 = arith.constant 0 : i32
    %dma_start3A_79 = tpu.memref_slice %arg4[%dma_start3A_73, %dma_start3A_77, %dma_start3A_78] : memref<12x4000x128xf32, #tpu.memory_space<vmem>> -> memref<1x4000x128xf32, #tpu.memory_space<vmem>>
    %dma_start3A_80 = tpu.memref_squeeze %dma_start3A_79 : memref<1x4000x128xf32, #tpu.memory_space<vmem>> -> memref<4000x128xf32, #tpu.memory_space<vmem>>
    %dma_start3A_81 = arith.constant 0 : i32
    %dma_start3A_82 = tpu.memref_slice %arg0[%multiple_of3A_72, %dma_start3A_81] : memref<100000x128xf32, #tpu.memory_space<any>> -> memref<4000x128xf32, #tpu.memory_space<any>>
    tpu.enqueue_dma source(%dma_start3A_82 : memref<4000x128xf32, #tpu.memory_space<any>>) target(%dma_start3A_80 : memref<4000x128xf32, #tpu.memory_space<vmem>>) target_semaphore(%dma_start3A_76 : memref<!tpu.dma_semaphore, #tpu.memory_space<semaphore_mem>>)
    %multiple_of3A_83 = arith.constant 28000 : i32
    %multiple_of3A_84 = tpu.assume_multiple %multiple_of3A_83, 4000 : i32
    %dma_start3A_85 = arith.constant 7 : i32
    %dma_start3A_86 = arith.constant 7 : i32
    %dma_start3A_87 = tpu.memref_slice %arg5[%dma_start3A_86] : memref<12x!tpu.dma_semaphore, #tpu.memory_space<semaphore_mem>> -> memref<1x!tpu.dma_semaphore, #tpu.memory_space<semaphore_mem>>
    %dma_start3A_88 = tpu.memref_squeeze %dma_start3A_87 : memref<1x!tpu.dma_semaphore, #tpu.memory_space<semaphore_mem>> -> memref<!tpu.dma_semaphore, #tpu.memory_space<semaphore_mem>>
    %dma_start3A_89 = arith.constant 0 : i32
    %dma_start3A_90 = arith.constant 0 : i32
    %dma_start3A_91 = tpu.memref_slice %arg4[%dma_start3A_85, %dma_start3A_89, %dma_start3A_90] : memref<12x4000x128xf32, #tpu.memory_space<vmem>> -> memref<1x4000x128xf32, #tpu.memory_space<vmem>>
    %dma_start3A_92 = tpu.memref_squeeze %dma_start3A_91 : memref<1x4000x128xf32, #tpu.memory_space<vmem>> -> memref<4000x128xf32, #tpu.memory_space<vmem>>
    %dma_start3A_93 = arith.constant 0 : i32
    %dma_start3A_94 = tpu.memref_slice %arg0[%multiple_of3A_84, %dma_start3A_93] : memref<100000x128xf32, #tpu.memory_space<any>> -> memref<4000x128xf32, #tpu.memory_space<any>>
    tpu.enqueue_dma source(%dma_start3A_94 : memref<4000x128xf32, #tpu.memory_space<any>>) target(%dma_start3A_92 : memref<4000x128xf32, #tpu.memory_space<vmem>>) target_semaphore(%dma_start3A_88 : memref<!tpu.dma_semaphore, #tpu.memory_space<semaphore_mem>>)
    %multiple_of3A_95 = arith.constant 32000 : i32
    %multiple_of3A_96 = tpu.assume_multiple %multiple_of3A_95, 4000 : i32
    %dma_start3A_97 = arith.constant 8 : i32
    %dma_start3A_98 = arith.constant 8 : i32
    %dma_start3A_99 = tpu.memref_slice %arg5[%dma_start3A_98] : memref<12x!tpu.dma_semaphore, #tpu.memory_space<semaphore_mem>> -> memref<1x!tpu.dma_semaphore, #tpu.memory_space<semaphore_mem>>
    %dma_start3A_100 = tpu.memref_squeeze %dma_start3A_99 : memref<1x!tpu.dma_semaphore, #tpu.memory_space<semaphore_mem>> -> memref<!tpu.dma_semaphore, #tpu.memory_space<semaphore_mem>>
    %dma_start3A_101 = arith.constant 0 : i32
    %dma_start3A_102 = arith.constant 0 : i32
    %dma_start3A_103 = tpu.memref_slice %arg4[%dma_start3A_97, %dma_start3A_101, %dma_start3A_102] : memref<12x4000x128xf32, #tpu.memory_space<vmem>> -> memref<1x4000x128xf32, #tpu.memory_space<vmem>>
    %dma_start3A_104 = tpu.memref_squeeze %dma_start3A_103 : memref<1x4000x128xf32, #tpu.memory_space<vmem>> -> memref<4000x128xf32, #tpu.memory_space<vmem>>
    %dma_start3A_105 = arith.constant 0 : i32
    %dma_start3A_106 = tpu.memref_slice %arg0[%multiple_of3A_96, %dma_start3A_105] : memref<100000x128xf32, #tpu.memory_space<any>> -> memref<4000x128xf32, #tpu.memory_space<any>>
    tpu.enqueue_dma source(%dma_start3A_106 : memref<4000x128xf32, #tpu.memory_space<any>>) target(%dma_start3A_104 : memref<4000x128xf32, #tpu.memory_space<vmem>>) target_semaphore(%dma_start3A_100 : memref<!tpu.dma_semaphore, #tpu.memory_space<semaphore_mem>>)
    %multiple_of3A_107 = arith.constant 36000 : i32
    %multiple_of3A_108 = tpu.assume_multiple %multiple_of3A_107, 4000 : i32
    %dma_start3A_109 = arith.constant 9 : i32
    %dma_start3A_110 = arith.constant 9 : i32
    %dma_start3A_111 = tpu.memref_slice %arg5[%dma_start3A_110] : memref<12x!tpu.dma_semaphore, #tpu.memory_space<semaphore_mem>> -> memref<1x!tpu.dma_semaphore, #tpu.memory_space<semaphore_mem>>
    %dma_start3A_112 = tpu.memref_squeeze %dma_start3A_111 : memref<1x!tpu.dma_semaphore, #tpu.memory_space<semaphore_mem>> -> memref<!tpu.dma_semaphore, #tpu.memory_space<semaphore_mem>>
    %dma_start3A_113 = arith.constant 0 : i32
    %dma_start3A_114 = arith.constant 0 : i32
    %dma_start3A_115 = tpu.memref_slice %arg4[%dma_start3A_109, %dma_start3A_113, %dma_start3A_114] : memref<12x4000x128xf32, #tpu.memory_space<vmem>> -> memref<1x4000x128xf32, #tpu.memory_space<vmem>>
    %dma_start3A_116 = tpu.memref_squeeze %dma_start3A_115 : memref<1x4000x128xf32, #tpu.memory_space<vmem>> -> memref<4000x128xf32, #tpu.memory_space<vmem>>
    %dma_start3A_117 = arith.constant 0 : i32
    %dma_start3A_118 = tpu.memref_slice %arg0[%multiple_of3A_108, %dma_start3A_117] : memref<100000x128xf32, #tpu.memory_space<any>> -> memref<4000x128xf32, #tpu.memory_space<any>>
    tpu.enqueue_dma source(%dma_start3A_118 : memref<4000x128xf32, #tpu.memory_space<any>>) target(%dma_start3A_116 : memref<4000x128xf32, #tpu.memory_space<vmem>>) target_semaphore(%dma_start3A_112 : memref<!tpu.dma_semaphore, #tpu.memory_space<semaphore_mem>>)
    %multiple_of3A_119 = arith.constant 40000 : i32
    %multiple_of3A_120 = tpu.assume_multiple %multiple_of3A_119, 4000 : i32
    %dma_start3A_121 = arith.constant 10 : i32
    %dma_start3A_122 = arith.constant 10 : i32
    %dma_start3A_123 = tpu.memref_slice %arg5[%dma_start3A_122] : memref<12x!tpu.dma_semaphore, #tpu.memory_space<semaphore_mem>> -> memref<1x!tpu.dma_semaphore, #tpu.memory_space<semaphore_mem>>
    %dma_start3A_124 = tpu.memref_squeeze %dma_start3A_123 : memref<1x!tpu.dma_semaphore, #tpu.memory_space<semaphore_mem>> -> memref<!tpu.dma_semaphore, #tpu.memory_space<semaphore_mem>>
    %dma_start3A_125 = arith.constant 0 : i32
    %dma_start3A_126 = arith.constant 0 : i32
    %dma_start3A_127 = tpu.memref_slice %arg4[%dma_start3A_121, %dma_start3A_125, %dma_start3A_126] : memref<12x4000x128xf32, #tpu.memory_space<vmem>> -> memref<1x4000x128xf32, #tpu.memory_space<vmem>>
    %dma_start3A_128 = tpu.memref_squeeze %dma_start3A_127 : memref<1x4000x128xf32, #tpu.memory_space<vmem>> -> memref<4000x128xf32, #tpu.memory_space<vmem>>
    %dma_start3A_129 = arith.constant 0 : i32
    %dma_start3A_130 = tpu.memref_slice %arg0[%multiple_of3A_120, %dma_start3A_129] : memref<100000x128xf32, #tpu.memory_space<any>> -> memref<4000x128xf32, #tpu.memory_space<any>>
    tpu.enqueue_dma source(%dma_start3A_130 : memref<4000x128xf32, #tpu.memory_space<any>>) target(%dma_start3A_128 : memref<4000x128xf32, #tpu.memory_space<vmem>>) target_semaphore(%dma_start3A_124 : memref<!tpu.dma_semaphore, #tpu.memory_space<semaphore_mem>>)
    %multiple_of3A_131 = arith.constant 44000 : i32
    %multiple_of3A_132 = tpu.assume_multiple %multiple_of3A_131, 4000 : i32
    %dma_start3A_133 = arith.constant 11 : i32
    %dma_start3A_134 = arith.constant 11 : i32
    %dma_start3A_135 = tpu.memref_slice %arg5[%dma_start3A_134] : memref<12x!tpu.dma_semaphore, #tpu.memory_space<semaphore_mem>> -> memref<1x!tpu.dma_semaphore, #tpu.memory_space<semaphore_mem>>
    %dma_start3A_136 = tpu.memref_squeeze %dma_start3A_135 : memref<1x!tpu.dma_semaphore, #tpu.memory_space<semaphore_mem>> -> memref<!tpu.dma_semaphore, #tpu.memory_space<semaphore_mem>>
    %dma_start3A_137 = arith.constant 0 : i32
    %dma_start3A_138 = arith.constant 0 : i32
    %dma_start3A_139 = tpu.memref_slice %arg4[%dma_start3A_133, %dma_start3A_137, %dma_start3A_138] : memref<12x4000x128xf32, #tpu.memory_space<vmem>> -> memref<1x4000x128xf32, #tpu.memory_space<vmem>>
    %dma_start3A_140 = tpu.memref_squeeze %dma_start3A_139 : memref<1x4000x128xf32, #tpu.memory_space<vmem>> -> memref<4000x128xf32, #tpu.memory_space<vmem>>
    %dma_start3A_141 = arith.constant 0 : i32
    %dma_start3A_142 = tpu.memref_slice %arg0[%multiple_of3A_132, %dma_start3A_141] : memref<100000x128xf32, #tpu.memory_space<any>> -> memref<4000x128xf32, #tpu.memory_space<any>>
    tpu.enqueue_dma source(%dma_start3A_142 : memref<4000x128xf32, #tpu.memory_space<any>>) target(%dma_start3A_140 : memref<4000x128xf32, #tpu.memory_space<vmem>>) target_semaphore(%dma_start3A_136 : memref<!tpu.dma_semaphore, #tpu.memory_space<semaphore_mem>>)
    %scan3A = arith.constant 0 : i32
    %scan3A_143 = arith.constant 25 : i32
    %scan3A_144 = arith.addi %scan3A, %scan3A_143 : i32
    %scan3A_145 = arith.constant 1 : i32
    scf.for %scan3A_296 = %scan3A to %scan3A_144 step %scan3A_145  : i32 {
      %rem3A = arith.constant 12 : i32
      %rem3A_297 = arith.remsi %scan3A_296, %rem3A : i32
      %mul3A = arith.constant 4000 : i32
      %mul3A_298 = arith.muli %scan3A_296, %mul3A : i32
      %multiple_of3A_299 = tpu.assume_multiple %mul3A_298, 4000 : i32
      %dma_wait3A = tpu.memref_slice %arg5[%rem3A_297] : memref<12x!tpu.dma_semaphore, #tpu.memory_space<semaphore_mem>> -> memref<1x!tpu.dma_semaphore, #tpu.memory_space<semaphore_mem>>
      %dma_wait3A_300 = tpu.memref_squeeze %dma_wait3A : memref<1x!tpu.dma_semaphore, #tpu.memory_space<semaphore_mem>> -> memref<!tpu.dma_semaphore, #tpu.memory_space<semaphore_mem>>
      %dma_wait3A_301 = arith.constant 0 : i32
      %dma_wait3A_302 = arith.constant 0 : i32
      %dma_wait3A_303 = tpu.memref_slice %arg4[%rem3A_297, %dma_wait3A_301, %dma_wait3A_302] : memref<12x4000x128xf32, #tpu.memory_space<vmem>> -> memref<1x4000x128xf32, #tpu.memory_space<vmem>>
      %dma_wait3A_304 = tpu.memref_squeeze %dma_wait3A_303 : memref<1x4000x128xf32, #tpu.memory_space<vmem>> -> memref<4000x128xf32, #tpu.memory_space<vmem>>
      %dma_wait3A_305 = arith.constant 0 : i32
      %dma_wait3A_306 = tpu.memref_slice %arg0[%multiple_of3A_299, %dma_wait3A_305] : memref<100000x128xf32, #tpu.memory_space<any>> -> memref<4000x128xf32, #tpu.memory_space<any>>
      tpu.wait_dma2 semaphore(%dma_wait3A_300 : memref<!tpu.dma_semaphore, #tpu.memory_space<semaphore_mem>>) src(%dma_wait3A_306 : memref<4000x128xf32, #tpu.memory_space<any>>) dst(%dma_wait3A_304 : memref<4000x128xf32, #tpu.memory_space<vmem>>)
      %get3A = arith.index_cast %rem3A_297 : i32 to index
      %get3A_307 = arith.constant 0 : index
      %get3A_308 = arith.constant 0 : index
      %get3A_309 = vector.load %arg4[%get3A, %get3A_307, %get3A_308] : memref<12x4000x128xf32, #tpu.memory_space<vmem>>, vector<1x4000x128xf32>
      %get3A_310 = vector.shape_cast %get3A_309 : vector<1x4000x128xf32> to vector<4000x128xf32>
      %dot_general3A = arith.constant dense<0.000000e+00> : vector<1x4000xf32>
      %dot_general3A_311 = tpu.matmul %broadcast_in_dim3A_0, %get3A_310, %dot_general3A {dimension_numbers = #tpu.dot_dimension_numbers<[1], [1], [0], [0], [0, 0, 1, 0], [], []>, transpose_lhs_hint = false} : vector<1x128xf32>, vector<4000x128xf32>, vector<1x4000xf32> -> vector<1x4000xf32>
      %swap3A = arith.index_cast %scan3A_296 : i32 to index
      %swap3A_312 = arith.constant 0 : index
      %swap3A_313 = vector.load %arg2[%swap3A, %swap3A_312] : memref<25x4000xf32, #tpu.memory_space<vmem>>, vector<1x4000xf32>
      tpu.vector_store %arg2[%swap3A, %swap3A_312], %dot_general3A_311 {strides = array<i32>} : memref<25x4000xf32, #tpu.memory_space<vmem>>, vector<1x4000xf32>,
      %add3A = arith.constant 12 : i32
      %add3A_314 = arith.addi %scan3A_296, %add3A : i32
      %lt3A = arith.constant 25 : i32
      %lt3A_315 = arith.cmpi slt, %add3A_314, %lt3A : i32
      %convert_element_type3A = arith.extui %lt3A_315 : i1 to i32
      %cond3A = arith.constant 0 : i32
      %cond3A_316 = arith.cmpi ne, %convert_element_type3A, %cond3A : i32
      scf.if %cond3A_316 {
        %add3A_317 = arith.constant 12 : i32
        %add3A_318 = arith.addi %scan3A_296, %add3A_317 : i32
        %mul3A_319 = arith.constant 4000 : i32
        %mul3A_320 = arith.muli %add3A_318, %mul3A_319 : i32
        %multiple_of3A_321 = tpu.assume_multiple %mul3A_320, 4000 : i32
        %dma_start3A_322 = tpu.memref_slice %arg5[%rem3A_297] : memref<12x!tpu.dma_semaphore, #tpu.memory_space<semaphore_mem>> -> memref<1x!tpu.dma_semaphore, #tpu.memory_space<semaphore_mem>>
        %dma_start3A_323 = tpu.memref_squeeze %dma_start3A_322 : memref<1x!tpu.dma_semaphore, #tpu.memory_space<semaphore_mem>> -> memref<!tpu.dma_semaphore, #tpu.memory_space<semaphore_mem>>
        %dma_start3A_324 = arith.constant 0 : i32
        %dma_start3A_325 = arith.constant 0 : i32
        %dma_start3A_326 = tpu.memref_slice %arg4[%rem3A_297, %dma_start3A_324, %dma_start3A_325] : memref<12x4000x128xf32, #tpu.memory_space<vmem>> -> memref<1x4000x128xf32, #tpu.memory_space<vmem>>
        %dma_start3A_327 = tpu.memref_squeeze %dma_start3A_326 : memref<1x4000x128xf32, #tpu.memory_space<vmem>> -> memref<4000x128xf32, #tpu.memory_space<vmem>>
        %dma_start3A_328 = arith.constant 0 : i32
        %dma_start3A_329 = tpu.memref_slice %arg0[%multiple_of3A_321, %dma_start3A_328] : memref<100000x128xf32, #tpu.memory_space<any>> -> memref<4000x128xf32, #tpu.memory_space<any>>
        tpu.enqueue_dma source(%dma_start3A_329 : memref<4000x128xf32, #tpu.memory_space<any>>) target(%dma_start3A_327 : memref<4000x128xf32, #tpu.memory_space<vmem>>) target_semaphore(%dma_start3A_323 : memref<!tpu.dma_semaphore, #tpu.memory_space<semaphore_mem>>)
      } else {
      }
    }
    %scan3A_146 = arith.constant 25 : i32
    %multiple_of3A_147 = arith.constant 0 : i32
    %multiple_of3A_148 = tpu.assume_multiple %multiple_of3A_147, 4000 : i32
    %dma_start3A_149 = arith.constant 0 : i32
    %dma_start3A_150 = arith.constant 0 : i32
    %dma_start3A_151 = tpu.memref_slice %arg5[%dma_start3A_150] : memref<12x!tpu.dma_semaphore, #tpu.memory_space<semaphore_mem>> -> memref<1x!tpu.dma_semaphore, #tpu.memory_space<semaphore_mem>>
    %dma_start3A_152 = tpu.memref_squeeze %dma_start3A_151 : memref<1x!tpu.dma_semaphore, #tpu.memory_space<semaphore_mem>> -> memref<!tpu.dma_semaphore, #tpu.memory_space<semaphore_mem>>
    %dma_start3A_153 = arith.constant 0 : i32
    %dma_start3A_154 = arith.constant 0 : i32
    %dma_start3A_155 = tpu.memref_slice %arg4[%dma_start3A_149, %dma_start3A_153, %dma_start3A_154] : memref<12x4000x128xf32, #tpu.memory_space<vmem>> -> memref<1x4000x128xf32, #tpu.memory_space<vmem>>
    %dma_start3A_156 = tpu.memref_squeeze %dma_start3A_155 : memref<1x4000x128xf32, #tpu.memory_space<vmem>> -> memref<4000x128xf32, #tpu.memory_space<vmem>>
    %dma_start3A_157 = arith.constant 0 : i32
    %dma_start3A_158 = tpu.memref_slice %arg1[%multiple_of3A_148, %dma_start3A_157] : memref<400000x128xf32, #tpu.memory_space<any>> -> memref<4000x128xf32, #tpu.memory_space<any>>
    tpu.enqueue_dma source(%dma_start3A_158 : memref<4000x128xf32, #tpu.memory_space<any>>) target(%dma_start3A_156 : memref<4000x128xf32, #tpu.memory_space<vmem>>) target_semaphore(%dma_start3A_152 : memref<!tpu.dma_semaphore, #tpu.memory_space<semaphore_mem>>)
    %multiple_of3A_159 = arith.constant 4000 : i32
    %multiple_of3A_160 = tpu.assume_multiple %multiple_of3A_159, 4000 : i32
    %dma_start3A_161 = arith.constant 1 : i32
    %dma_start3A_162 = arith.constant 1 : i32
    %dma_start3A_163 = tpu.memref_slice %arg5[%dma_start3A_162] : memref<12x!tpu.dma_semaphore, #tpu.memory_space<semaphore_mem>> -> memref<1x!tpu.dma_semaphore, #tpu.memory_space<semaphore_mem>>
    %dma_start3A_164 = tpu.memref_squeeze %dma_start3A_163 : memref<1x!tpu.dma_semaphore, #tpu.memory_space<semaphore_mem>> -> memref<!tpu.dma_semaphore, #tpu.memory_space<semaphore_mem>>
    %dma_start3A_165 = arith.constant 0 : i32
    %dma_start3A_166 = arith.constant 0 : i32
    %dma_start3A_167 = tpu.memref_slice %arg4[%dma_start3A_161, %dma_start3A_165, %dma_start3A_166] : memref<12x4000x128xf32, #tpu.memory_space<vmem>> -> memref<1x4000x128xf32, #tpu.memory_space<vmem>>
    %dma_start3A_168 = tpu.memref_squeeze %dma_start3A_167 : memref<1x4000x128xf32, #tpu.memory_space<vmem>> -> memref<4000x128xf32, #tpu.memory_space<vmem>>
    %dma_start3A_169 = arith.constant 0 : i32
    %dma_start3A_170 = tpu.memref_slice %arg1[%multiple_of3A_160, %dma_start3A_169] : memref<400000x128xf32, #tpu.memory_space<any>> -> memref<4000x128xf32, #tpu.memory_space<any>>
    tpu.enqueue_dma source(%dma_start3A_170 : memref<4000x128xf32, #tpu.memory_space<any>>) target(%dma_start3A_168 : memref<4000x128xf32, #tpu.memory_space<vmem>>) target_semaphore(%dma_start3A_164 : memref<!tpu.dma_semaphore, #tpu.memory_space<semaphore_mem>>)
    %multiple_of3A_171 = arith.constant 8000 : i32
    %multiple_of3A_172 = tpu.assume_multiple %multiple_of3A_171, 4000 : i32
    %dma_start3A_173 = arith.constant 2 : i32
    %dma_start3A_174 = arith.constant 2 : i32
    %dma_start3A_175 = tpu.memref_slice %arg5[%dma_start3A_174] : memref<12x!tpu.dma_semaphore, #tpu.memory_space<semaphore_mem>> -> memref<1x!tpu.dma_semaphore, #tpu.memory_space<semaphore_mem>>
    %dma_start3A_176 = tpu.memref_squeeze %dma_start3A_175 : memref<1x!tpu.dma_semaphore, #tpu.memory_space<semaphore_mem>> -> memref<!tpu.dma_semaphore, #tpu.memory_space<semaphore_mem>>
    %dma_start3A_177 = arith.constant 0 : i32
    %dma_start3A_178 = arith.constant 0 : i32
    %dma_start3A_179 = tpu.memref_slice %arg4[%dma_start3A_173, %dma_start3A_177, %dma_start3A_178] : memref<12x4000x128xf32, #tpu.memory_space<vmem>> -> memref<1x4000x128xf32, #tpu.memory_space<vmem>>
    %dma_start3A_180 = tpu.memref_squeeze %dma_start3A_179 : memref<1x4000x128xf32, #tpu.memory_space<vmem>> -> memref<4000x128xf32, #tpu.memory_space<vmem>>
    %dma_start3A_181 = arith.constant 0 : i32
    %dma_start3A_182 = tpu.memref_slice %arg1[%multiple_of3A_172, %dma_start3A_181] : memref<400000x128xf32, #tpu.memory_space<any>> -> memref<4000x128xf32, #tpu.memory_space<any>>
    tpu.enqueue_dma source(%dma_start3A_182 : memref<4000x128xf32, #tpu.memory_space<any>>) target(%dma_start3A_180 : memref<4000x128xf32, #tpu.memory_space<vmem>>) target_semaphore(%dma_start3A_176 : memref<!tpu.dma_semaphore, #tpu.memory_space<semaphore_mem>>)
    %multiple_of3A_183 = arith.constant 12000 : i32
    %multiple_of3A_184 = tpu.assume_multiple %multiple_of3A_183, 4000 : i32
    %dma_start3A_185 = arith.constant 3 : i32
    %dma_start3A_186 = arith.constant 3 : i32
    %dma_start3A_187 = tpu.memref_slice %arg5[%dma_start3A_186] : memref<12x!tpu.dma_semaphore, #tpu.memory_space<semaphore_mem>> -> memref<1x!tpu.dma_semaphore, #tpu.memory_space<semaphore_mem>>
    %dma_start3A_188 = tpu.memref_squeeze %dma_start3A_187 : memref<1x!tpu.dma_semaphore, #tpu.memory_space<semaphore_mem>> -> memref<!tpu.dma_semaphore, #tpu.memory_space<semaphore_mem>>
    %dma_start3A_189 = arith.constant 0 : i32
    %dma_start3A_190 = arith.constant 0 : i32
    %dma_start3A_191 = tpu.memref_slice %arg4[%dma_start3A_185, %dma_start3A_189, %dma_start3A_190] : memref<12x4000x128xf32, #tpu.memory_space<vmem>> -> memref<1x4000x128xf32, #tpu.memory_space<vmem>>
    %dma_start3A_192 = tpu.memref_squeeze %dma_start3A_191 : memref<1x4000x128xf32, #tpu.memory_space<vmem>> -> memref<4000x128xf32, #tpu.memory_space<vmem>>
    %dma_start3A_193 = arith.constant 0 : i32
    %dma_start3A_194 = tpu.memref_slice %arg1[%multiple_of3A_184, %dma_start3A_193] : memref<400000x128xf32, #tpu.memory_space<any>> -> memref<4000x128xf32, #tpu.memory_space<any>>
    tpu.enqueue_dma source(%dma_start3A_194 : memref<4000x128xf32, #tpu.memory_space<any>>) target(%dma_start3A_192 : memref<4000x128xf32, #tpu.memory_space<vmem>>) target_semaphore(%dma_start3A_188 : memref<!tpu.dma_semaphore, #tpu.memory_space<semaphore_mem>>)
    %multiple_of3A_195 = arith.constant 16000 : i32
    %multiple_of3A_196 = tpu.assume_multiple %multiple_of3A_195, 4000 : i32
    %dma_start3A_197 = arith.constant 4 : i32
    %dma_start3A_198 = arith.constant 4 : i32
    %dma_start3A_199 = tpu.memref_slice %arg5[%dma_start3A_198] : memref<12x!tpu.dma_semaphore, #tpu.memory_space<semaphore_mem>> -> memref<1x!tpu.dma_semaphore, #tpu.memory_space<semaphore_mem>>
    %dma_start3A_200 = tpu.memref_squeeze %dma_start3A_199 : memref<1x!tpu.dma_semaphore, #tpu.memory_space<semaphore_mem>> -> memref<!tpu.dma_semaphore, #tpu.memory_space<semaphore_mem>>
    %dma_start3A_201 = arith.constant 0 : i32
    %dma_start3A_202 = arith.constant 0 : i32
    %dma_start3A_203 = tpu.memref_slice %arg4[%dma_start3A_197, %dma_start3A_201, %dma_start3A_202] : memref<12x4000x128xf32, #tpu.memory_space<vmem>> -> memref<1x4000x128xf32, #tpu.memory_space<vmem>>
    %dma_start3A_204 = tpu.memref_squeeze %dma_start3A_203 : memref<1x4000x128xf32, #tpu.memory_space<vmem>> -> memref<4000x128xf32, #tpu.memory_space<vmem>>
    %dma_start3A_205 = arith.constant 0 : i32
    %dma_start3A_206 = tpu.memref_slice %arg1[%multiple_of3A_196, %dma_start3A_205] : memref<400000x128xf32, #tpu.memory_space<any>> -> memref<4000x128xf32, #tpu.memory_space<any>>
    tpu.enqueue_dma source(%dma_start3A_206 : memref<4000x128xf32, #tpu.memory_space<any>>) target(%dma_start3A_204 : memref<4000x128xf32, #tpu.memory_space<vmem>>) target_semaphore(%dma_start3A_200 : memref<!tpu.dma_semaphore, #tpu.memory_space<semaphore_mem>>)
    %multiple_of3A_207 = arith.constant 20000 : i32
    %multiple_of3A_208 = tpu.assume_multiple %multiple_of3A_207, 4000 : i32
    %dma_start3A_209 = arith.constant 5 : i32
    %dma_start3A_210 = arith.constant 5 : i32
    %dma_start3A_211 = tpu.memref_slice %arg5[%dma_start3A_210] : memref<12x!tpu.dma_semaphore, #tpu.memory_space<semaphore_mem>> -> memref<1x!tpu.dma_semaphore, #tpu.memory_space<semaphore_mem>>
    %dma_start3A_212 = tpu.memref_squeeze %dma_start3A_211 : memref<1x!tpu.dma_semaphore, #tpu.memory_space<semaphore_mem>> -> memref<!tpu.dma_semaphore, #tpu.memory_space<semaphore_mem>>
    %dma_start3A_213 = arith.constant 0 : i32
    %dma_start3A_214 = arith.constant 0 : i32
    %dma_start3A_215 = tpu.memref_slice %arg4[%dma_start3A_209, %dma_start3A_213, %dma_start3A_214] : memref<12x4000x128xf32, #tpu.memory_space<vmem>> -> memref<1x4000x128xf32, #tpu.memory_space<vmem>>
    %dma_start3A_216 = tpu.memref_squeeze %dma_start3A_215 : memref<1x4000x128xf32, #tpu.memory_space<vmem>> -> memref<4000x128xf32, #tpu.memory_space<vmem>>
    %dma_start3A_217 = arith.constant 0 : i32
    %dma_start3A_218 = tpu.memref_slice %arg1[%multiple_of3A_208, %dma_start3A_217] : memref<400000x128xf32, #tpu.memory_space<any>> -> memref<4000x128xf32, #tpu.memory_space<any>>
    tpu.enqueue_dma source(%dma_start3A_218 : memref<4000x128xf32, #tpu.memory_space<any>>) target(%dma_start3A_216 : memref<4000x128xf32, #tpu.memory_space<vmem>>) target_semaphore(%dma_start3A_212 : memref<!tpu.dma_semaphore, #tpu.memory_space<semaphore_mem>>)
    %multiple_of3A_219 = arith.constant 24000 : i32
    %multiple_of3A_220 = tpu.assume_multiple %multiple_of3A_219, 4000 : i32
    %dma_start3A_221 = arith.constant 6 : i32
    %dma_start3A_222 = arith.constant 6 : i32
    %dma_start3A_223 = tpu.memref_slice %arg5[%dma_start3A_222] : memref<12x!tpu.dma_semaphore, #tpu.memory_space<semaphore_mem>> -> memref<1x!tpu.dma_semaphore, #tpu.memory_space<semaphore_mem>>
    %dma_start3A_224 = tpu.memref_squeeze %dma_start3A_223 : memref<1x!tpu.dma_semaphore, #tpu.memory_space<semaphore_mem>> -> memref<!tpu.dma_semaphore, #tpu.memory_space<semaphore_mem>>
    %dma_start3A_225 = arith.constant 0 : i32
    %dma_start3A_226 = arith.constant 0 : i32
    %dma_start3A_227 = tpu.memref_slice %arg4[%dma_start3A_221, %dma_start3A_225, %dma_start3A_226] : memref<12x4000x128xf32, #tpu.memory_space<vmem>> -> memref<1x4000x128xf32, #tpu.memory_space<vmem>>
    %dma_start3A_228 = tpu.memref_squeeze %dma_start3A_227 : memref<1x4000x128xf32, #tpu.memory_space<vmem>> -> memref<4000x128xf32, #tpu.memory_space<vmem>>
    %dma_start3A_229 = arith.constant 0 : i32
    %dma_start3A_230 = tpu.memref_slice %arg1[%multiple_of3A_220, %dma_start3A_229] : memref<400000x128xf32, #tpu.memory_space<any>> -> memref<4000x128xf32, #tpu.memory_space<any>>
    tpu.enqueue_dma source(%dma_start3A_230 : memref<4000x128xf32, #tpu.memory_space<any>>) target(%dma_start3A_228 : memref<4000x128xf32, #tpu.memory_space<vmem>>) target_semaphore(%dma_start3A_224 : memref<!tpu.dma_semaphore, #tpu.memory_space<semaphore_mem>>)
    %multiple_of3A_231 = arith.constant 28000 : i32
    %multiple_of3A_232 = tpu.assume_multiple %multiple_of3A_231, 4000 : i32
    %dma_start3A_233 = arith.constant 7 : i32
    %dma_start3A_234 = arith.constant 7 : i32
    %dma_start3A_235 = tpu.memref_slice %arg5[%dma_start3A_234] : memref<12x!tpu.dma_semaphore, #tpu.memory_space<semaphore_mem>> -> memref<1x!tpu.dma_semaphore, #tpu.memory_space<semaphore_mem>>
    %dma_start3A_236 = tpu.memref_squeeze %dma_start3A_235 : memref<1x!tpu.dma_semaphore, #tpu.memory_space<semaphore_mem>> -> memref<!tpu.dma_semaphore, #tpu.memory_space<semaphore_mem>>
    %dma_start3A_237 = arith.constant 0 : i32
    %dma_start3A_238 = arith.constant 0 : i32
    %dma_start3A_239 = tpu.memref_slice %arg4[%dma_start3A_233, %dma_start3A_237, %dma_start3A_238] : memref<12x4000x128xf32, #tpu.memory_space<vmem>> -> memref<1x4000x128xf32, #tpu.memory_space<vmem>>
    %dma_start3A_240 = tpu.memref_squeeze %dma_start3A_239 : memref<1x4000x128xf32, #tpu.memory_space<vmem>> -> memref<4000x128xf32, #tpu.memory_space<vmem>>
    %dma_start3A_241 = arith.constant 0 : i32
    %dma_start3A_242 = tpu.memref_slice %arg1[%multiple_of3A_232, %dma_start3A_241] : memref<400000x128xf32, #tpu.memory_space<any>> -> memref<4000x128xf32, #tpu.memory_space<any>>
    tpu.enqueue_dma source(%dma_start3A_242 : memref<4000x128xf32, #tpu.memory_space<any>>) target(%dma_start3A_240 : memref<4000x128xf32, #tpu.memory_space<vmem>>) target_semaphore(%dma_start3A_236 : memref<!tpu.dma_semaphore, #tpu.memory_space<semaphore_mem>>)
    %multiple_of3A_243 = arith.constant 32000 : i32
    %multiple_of3A_244 = tpu.assume_multiple %multiple_of3A_243, 4000 : i32
    %dma_start3A_245 = arith.constant 8 : i32
    %dma_start3A_246 = arith.constant 8 : i32
    %dma_start3A_247 = tpu.memref_slice %arg5[%dma_start3A_246] : memref<12x!tpu.dma_semaphore, #tpu.memory_space<semaphore_mem>> -> memref<1x!tpu.dma_semaphore, #tpu.memory_space<semaphore_mem>>
    %dma_start3A_248 = tpu.memref_squeeze %dma_start3A_247 : memref<1x!tpu.dma_semaphore, #tpu.memory_space<semaphore_mem>> -> memref<!tpu.dma_semaphore, #tpu.memory_space<semaphore_mem>>
    %dma_start3A_249 = arith.constant 0 : i32
    %dma_start3A_250 = arith.constant 0 : i32
    %dma_start3A_251 = tpu.memref_slice %arg4[%dma_start3A_245, %dma_start3A_249, %dma_start3A_250] : memref<12x4000x128xf32, #tpu.memory_space<vmem>> -> memref<1x4000x128xf32, #tpu.memory_space<vmem>>
    %dma_start3A_252 = tpu.memref_squeeze %dma_start3A_251 : memref<1x4000x128xf32, #tpu.memory_space<vmem>> -> memref<4000x128xf32, #tpu.memory_space<vmem>>
    %dma_start3A_253 = arith.constant 0 : i32
    %dma_start3A_254 = tpu.memref_slice %arg1[%multiple_of3A_244, %dma_start3A_253] : memref<400000x128xf32, #tpu.memory_space<any>> -> memref<4000x128xf32, #tpu.memory_space<any>>
    tpu.enqueue_dma source(%dma_start3A_254 : memref<4000x128xf32, #tpu.memory_space<any>>) target(%dma_start3A_252 : memref<4000x128xf32, #tpu.memory_space<vmem>>) target_semaphore(%dma_start3A_248 : memref<!tpu.dma_semaphore, #tpu.memory_space<semaphore_mem>>)
    %multiple_of3A_255 = arith.constant 36000 : i32
    %multiple_of3A_256 = tpu.assume_multiple %multiple_of3A_255, 4000 : i32
    %dma_start3A_257 = arith.constant 9 : i32
    %dma_start3A_258 = arith.constant 9 : i32
    %dma_start3A_259 = tpu.memref_slice %arg5[%dma_start3A_258] : memref<12x!tpu.dma_semaphore, #tpu.memory_space<semaphore_mem>> -> memref<1x!tpu.dma_semaphore, #tpu.memory_space<semaphore_mem>>
    %dma_start3A_260 = tpu.memref_squeeze %dma_start3A_259 : memref<1x!tpu.dma_semaphore, #tpu.memory_space<semaphore_mem>> -> memref<!tpu.dma_semaphore, #tpu.memory_space<semaphore_mem>>
    %dma_start3A_261 = arith.constant 0 : i32
    %dma_start3A_262 = arith.constant 0 : i32
    %dma_start3A_263 = tpu.memref_slice %arg4[%dma_start3A_257, %dma_start3A_261, %dma_start3A_262] : memref<12x4000x128xf32, #tpu.memory_space<vmem>> -> memref<1x4000x128xf32, #tpu.memory_space<vmem>>
    %dma_start3A_264 = tpu.memref_squeeze %dma_start3A_263 : memref<1x4000x128xf32, #tpu.memory_space<vmem>> -> memref<4000x128xf32, #tpu.memory_space<vmem>>
    %dma_start3A_265 = arith.constant 0 : i32
    %dma_start3A_266 = tpu.memref_slice %arg1[%multiple_of3A_256, %dma_start3A_265] : memref<400000x128xf32, #tpu.memory_space<any>> -> memref<4000x128xf32, #tpu.memory_space<any>>
    tpu.enqueue_dma source(%dma_start3A_266 : memref<4000x128xf32, #tpu.memory_space<any>>) target(%dma_start3A_264 : memref<4000x128xf32, #tpu.memory_space<vmem>>) target_semaphore(%dma_start3A_260 : memref<!tpu.dma_semaphore, #tpu.memory_space<semaphore_mem>>)
    %multiple_of3A_267 = arith.constant 40000 : i32
    %multiple_of3A_268 = tpu.assume_multiple %multiple_of3A_267, 4000 : i32
    %dma_start3A_269 = arith.constant 10 : i32
    %dma_start3A_270 = arith.constant 10 : i32
    %dma_start3A_271 = tpu.memref_slice %arg5[%dma_start3A_270] : memref<12x!tpu.dma_semaphore, #tpu.memory_space<semaphore_mem>> -> memref<1x!tpu.dma_semaphore, #tpu.memory_space<semaphore_mem>>
    %dma_start3A_272 = tpu.memref_squeeze %dma_start3A_271 : memref<1x!tpu.dma_semaphore, #tpu.memory_space<semaphore_mem>> -> memref<!tpu.dma_semaphore, #tpu.memory_space<semaphore_mem>>
    %dma_start3A_273 = arith.constant 0 : i32
    %dma_start3A_274 = arith.constant 0 : i32
    %dma_start3A_275 = tpu.memref_slice %arg4[%dma_start3A_269, %dma_start3A_273, %dma_start3A_274] : memref<12x4000x128xf32, #tpu.memory_space<vmem>> -> memref<1x4000x128xf32, #tpu.memory_space<vmem>>
    %dma_start3A_276 = tpu.memref_squeeze %dma_start3A_275 : memref<1x4000x128xf32, #tpu.memory_space<vmem>> -> memref<4000x128xf32, #tpu.memory_space<vmem>>
    %dma_start3A_277 = arith.constant 0 : i32
    %dma_start3A_278 = tpu.memref_slice %arg1[%multiple_of3A_268, %dma_start3A_277] : memref<400000x128xf32, #tpu.memory_space<any>> -> memref<4000x128xf32, #tpu.memory_space<any>>
    tpu.enqueue_dma source(%dma_start3A_278 : memref<4000x128xf32, #tpu.memory_space<any>>) target(%dma_start3A_276 : memref<4000x128xf32, #tpu.memory_space<vmem>>) target_semaphore(%dma_start3A_272 : memref<!tpu.dma_semaphore, #tpu.memory_space<semaphore_mem>>)
    %multiple_of3A_279 = arith.constant 44000 : i32
    %multiple_of3A_280 = tpu.assume_multiple %multiple_of3A_279, 4000 : i32
    %dma_start3A_281 = arith.constant 11 : i32
    %dma_start3A_282 = arith.constant 11 : i32
    %dma_start3A_283 = tpu.memref_slice %arg5[%dma_start3A_282] : memref<12x!tpu.dma_semaphore, #tpu.memory_space<semaphore_mem>> -> memref<1x!tpu.dma_semaphore, #tpu.memory_space<semaphore_mem>>
    %dma_start3A_284 = tpu.memref_squeeze %dma_start3A_283 : memref<1x!tpu.dma_semaphore, #tpu.memory_space<semaphore_mem>> -> memref<!tpu.dma_semaphore, #tpu.memory_space<semaphore_mem>>
    %dma_start3A_285 = arith.constant 0 : i32
    %dma_start3A_286 = arith.constant 0 : i32
    %dma_start3A_287 = tpu.memref_slice %arg4[%dma_start3A_281, %dma_start3A_285, %dma_start3A_286] : memref<12x4000x128xf32, #tpu.memory_space<vmem>> -> memref<1x4000x128xf32, #tpu.memory_space<vmem>>
    %dma_start3A_288 = tpu.memref_squeeze %dma_start3A_287 : memref<1x4000x128xf32, #tpu.memory_space<vmem>> -> memref<4000x128xf32, #tpu.memory_space<vmem>>
    %dma_start3A_289 = arith.constant 0 : i32
    %dma_start3A_290 = tpu.memref_slice %arg1[%multiple_of3A_280, %dma_start3A_289] : memref<400000x128xf32, #tpu.memory_space<any>> -> memref<4000x128xf32, #tpu.memory_space<any>>
    tpu.enqueue_dma source(%dma_start3A_290 : memref<4000x128xf32, #tpu.memory_space<any>>) target(%dma_start3A_288 : memref<4000x128xf32, #tpu.memory_space<vmem>>) target_semaphore(%dma_start3A_284 : memref<!tpu.dma_semaphore, #tpu.memory_space<semaphore_mem>>)
    %scan3A_291 = arith.constant 0 : i32
    %scan3A_292 = arith.constant 100 : i32
    %scan3A_293 = arith.addi %scan3A_291, %scan3A_292 : i32
    %scan3A_294 = arith.constant 1 : i32
    scf.for %scan3A_296 = %scan3A_291 to %scan3A_293 step %scan3A_294  : i32 {
      %rem3A = arith.constant 12 : i32
      %rem3A_297 = arith.remsi %scan3A_296, %rem3A : i32
      %mul3A = arith.constant 4000 : i32
      %mul3A_298 = arith.muli %scan3A_296, %mul3A : i32
      %multiple_of3A_299 = tpu.assume_multiple %mul3A_298, 4000 : i32
      %dma_wait3A = tpu.memref_slice %arg5[%rem3A_297] : memref<12x!tpu.dma_semaphore, #tpu.memory_space<semaphore_mem>> -> memref<1x!tpu.dma_semaphore, #tpu.memory_space<semaphore_mem>>
      %dma_wait3A_300 = tpu.memref_squeeze %dma_wait3A : memref<1x!tpu.dma_semaphore, #tpu.memory_space<semaphore_mem>> -> memref<!tpu.dma_semaphore, #tpu.memory_space<semaphore_mem>>
      %dma_wait3A_301 = arith.constant 0 : i32
      %dma_wait3A_302 = arith.constant 0 : i32
      %dma_wait3A_303 = tpu.memref_slice %arg4[%rem3A_297, %dma_wait3A_301, %dma_wait3A_302] : memref<12x4000x128xf32, #tpu.memory_space<vmem>> -> memref<1x4000x128xf32, #tpu.memory_space<vmem>>
      %dma_wait3A_304 = tpu.memref_squeeze %dma_wait3A_303 : memref<1x4000x128xf32, #tpu.memory_space<vmem>> -> memref<4000x128xf32, #tpu.memory_space<vmem>>
      %dma_wait3A_305 = arith.constant 0 : i32
      %dma_wait3A_306 = tpu.memref_slice %arg1[%multiple_of3A_299, %dma_wait3A_305] : memref<400000x128xf32, #tpu.memory_space<any>> -> memref<4000x128xf32, #tpu.memory_space<any>>
      tpu.wait_dma2 semaphore(%dma_wait3A_300 : memref<!tpu.dma_semaphore, #tpu.memory_space<semaphore_mem>>) src(%dma_wait3A_306 : memref<4000x128xf32, #tpu.memory_space<any>>) dst(%dma_wait3A_304 : memref<4000x128xf32, #tpu.memory_space<vmem>>)
      %get3A = arith.index_cast %rem3A_297 : i32 to index
      %get3A_307 = arith.constant 0 : index
      %get3A_308 = arith.constant 0 : index
      %get3A_309 = vector.load %arg4[%get3A, %get3A_307, %get3A_308] : memref<12x4000x128xf32, #tpu.memory_space<vmem>>, vector<1x4000x128xf32>
      %get3A_310 = vector.shape_cast %get3A_309 : vector<1x4000x128xf32> to vector<4000x128xf32>
      %dot_general3A = arith.constant dense<0.000000e+00> : vector<1x4000xf32>
      %dot_general3A_311 = tpu.matmul %broadcast_in_dim3A_0, %get3A_310, %dot_general3A {dimension_numbers = #tpu.dot_dimension_numbers<[1], [1], [0], [0], [0, 0, 1, 0], [], []>, transpose_lhs_hint = false} : vector<1x128xf32>, vector<4000x128xf32>, vector<1x4000xf32> -> vector<1x4000xf32>
      %swap3A = arith.index_cast %scan3A_296 : i32 to index
      %swap3A_312 = arith.constant 0 : index
      %swap3A_313 = vector.load %arg3[%swap3A, %swap3A_312] : memref<100x4000xf32, #tpu.memory_space<vmem>>, vector<1x4000xf32>
      tpu.vector_store %arg3[%swap3A, %swap3A_312], %dot_general3A_311 {strides = array<i32>} : memref<100x4000xf32, #tpu.memory_space<vmem>>, vector<1x4000xf32>,
      %add3A = arith.constant 12 : i32
      %add3A_314 = arith.addi %scan3A_296, %add3A : i32
      %lt3A = arith.constant 100 : i32
      %lt3A_315 = arith.cmpi slt, %add3A_314, %lt3A : i32
      %convert_element_type3A = arith.extui %lt3A_315 : i1 to i32
      %cond3A = arith.constant 0 : i32
      %cond3A_316 = arith.cmpi ne, %convert_element_type3A, %cond3A : i32
      scf.if %cond3A_316 {
        %add3A_317 = arith.constant 12 : i32
        %add3A_318 = arith.addi %scan3A_296, %add3A_317 : i32
        %mul3A_319 = arith.constant 4000 : i32
        %mul3A_320 = arith.muli %add3A_318, %mul3A_319 : i32
        %multiple_of3A_321 = tpu.assume_multiple %mul3A_320, 4000 : i32
        %dma_start3A_322 = tpu.memref_slice %arg5[%rem3A_297] : memref<12x!tpu.dma_semaphore, #tpu.memory_space<semaphore_mem>> -> memref<1x!tpu.dma_semaphore, #tpu.memory_space<semaphore_mem>>
        %dma_start3A_323 = tpu.memref_squeeze %dma_start3A_322 : memref<1x!tpu.dma_semaphore, #tpu.memory_space<semaphore_mem>> -> memref<!tpu.dma_semaphore, #tpu.memory_space<semaphore_mem>>
        %dma_start3A_324 = arith.constant 0 : i32
        %dma_start3A_325 = arith.constant 0 : i32
        %dma_start3A_326 = tpu.memref_slice %arg4[%rem3A_297, %dma_start3A_324, %dma_start3A_325] : memref<12x4000x128xf32, #tpu.memory_space<vmem>> -> memref<1x4000x128xf32, #tpu.memory_space<vmem>>
        %dma_start3A_327 = tpu.memref_squeeze %dma_start3A_326 : memref<1x4000x128xf32, #tpu.memory_space<vmem>> -> memref<4000x128xf32, #tpu.memory_space<vmem>>
        %dma_start3A_328 = arith.constant 0 : i32
        %dma_start3A_329 = tpu.memref_slice %arg1[%multiple_of3A_321, %dma_start3A_328] : memref<400000x128xf32, #tpu.memory_space<any>> -> memref<4000x128xf32, #tpu.memory_space<any>>
        tpu.enqueue_dma source(%dma_start3A_329 : memref<4000x128xf32, #tpu.memory_space<any>>) target(%dma_start3A_327 : memref<4000x128xf32, #tpu.memory_space<vmem>>) target_semaphore(%dma_start3A_323 : memref<!tpu.dma_semaphore, #tpu.memory_space<semaphore_mem>>)
      } else {
      }
    }
    %scan3A_295 = arith.constant 100 : i32
    return
  }
}

</mosaic_0001>

<sc_bundles>
// kernel: kernel.4.cloned.1.call-start
scs
__scs_entry_jumppad:
0x0: {  	(pc) =	sbr.rel $0x88, $3  }
0x1: {  	(tag) =	ssettag $0x0;
	lr =	simm.s32 $0x1  }
0x2: {  	[smem:$0x3F9C] =	sst lr;
	_ =	strace $0xD0000000  }
0x3: {  	_ = 	snop  }
0x4: {  	_ = 	snop  }
0x5: {  	_ = 	snop  }
0x6: {  	_ = 	snop  }
0x7: {  	_ = 	snop  }
__scs_overlays_trampoline_lowered:
0x8: {  	[smem:$0x3FAB] =	sst s0  }
0x9: {  	[smem:$0x3FAC] =	sst s1  }
0xa: {  	[smem:$0x3FAD] =	sst s2  }
0xb: {  	[smem:$0x3FAE] =	sst s3  }
0xc: {  	[smem:$0x3FAF] =	sst s4  }
0xd: {  	[smem:$0x3FB0] =	sst s5  }
0xe: {  	[smem:$0x3FB1] =	sst s6  }
0xf: {  	[smem:$0x3FB2] =	sst s7  }
0x10: {  	[smem:$0x3FB3] =	sst s8  }
0x11: {  	[smem:$0x3FB4] =	sst s9;
	s0 =	simm.s32 @!p0 $0x0  }
0x12: {  	s1 =	sld [smem:$0x3F9A];
	s0 =	simm.s32 @p0 $0x1  }
0x13: {  	[smem:$0x3FB5] =	sst s0;
	s0 =	simm.s32 @!p1 $0x0  }
0x14: {  	s2 =	sld [smem:$0x3F99];
	s0 =	simm.s32 @p1 $0x1  }
0x15: {  	[smem:$0x3FB6] =	sst s0;
	s0 =	simm.s32 @!p2 $0x0  }
0x16: {  	s3 =	sld [smem:$0x3FDB];
	s0 =	simm.s32 @p2 $0x1  }
0x17: {  	s4 =	simm.s32 $0x1BF5;
	[smem:$0x3FB8] =	sst s0  }
0x18: {  	s0 =	sld [smem:$0x3F9B];
	_ =	swait.ge [sflag:s4], $0x0  }
0x19: {  	s7 =	sld [smem:$0x3F9C]  }
0x1a: {  	s8 =	sadd.s32 $0xFFFFE003, lr  }
0x1b: {  	s9 =	sadd.s32 $0xFFFFFEF7, lr;
	s5 =	simm.s32 $0xFFFFFFFF;
	p2 =	slt.u32 s8, $0xFFFFF086  }
0x1c: {  	p1 =	slt.u32 s9, $0xF7A;
	s5 =	simm.s32 @!p2 $0x0  }
0x1d: {  	s5 =	simm.s32 @p1 $0x1;
	p0 =	seq.s32 s7, s2  }
0x1e: {  	s7 =	smul.u32 @!p0 $0xF7A, s2;
	p2 =	seq.s32 @!p0 s5, $0x0  }
0x1f: {  	s9 =	smul.u32 $0xF7A, s1;
	s8 =	simm.s32 @!p0 $0x1BF5;
	p2 =	por !p2, p0  }
0x20: {  	[sflag:s8] =	ssyncset.s32 @!p0 $0xFFFFF086;
	s6 =	sadd.s32 @!p0 s3, s7;
	s7 =	simm.s32 @!p0 $0x108  }
0x21: {  	s3 =	sadd.s32 s3, s9;
	s6 =	sadd.s32 @!p0 $0x88, s6;
	s7 =	simm.s32 @p2 $0x1082  }
0x22: {  	[simem:s7], [sflag:s8] =	dma.local @!p0 [hbm:s6], $0xF7A  }
0x23: {  	s9 =	sor.u32 $0xD0000000, s2;
	s6 =	simm.s32 $0x108;
	_ =	swait.ge @!p0 [sflag:s8], $0x0  }
0x24: {  	s3 =	sadd.s32 $0x88, s3;
	s6 =	simm.s32 @!p1 $0x1082;
	[sflag:s4] =	ssyncset.s32 $0xFFFFF086  }
0x25: {  	[simem:s6], [sflag:s4] =	dma.local [hbm:s3], $0xF7A  }
0x26: {  	[smem:$0x3F9C] =	sst s1;
	(tag) =	ssettag s2;
	_ =	strace s9  }
0x27: {  	s1 =	sld [smem:$0x3FAC]  }
0x28: {  	s2 =	sld [smem:$0x3FAD]  }
0x29: {  	s4 =	sld [smem:$0x3FAF]  }
0x2a: {  	p0 =	seq.s32 s5, $0x0;
	s5 =	sld [smem:$0x3FB0]  }
0x2b: {  	s6 =	sld [smem:$0x3FB1]  }
0x2c: {  	s7 =	sld [smem:$0x3FB2]  }
0x2d: {  	s3 =	simm.s32 $0x108;
	s8 =	sld [smem:$0x3FB3]  }
0x2e: {  	s3 =	simm.s32 @!p0 $0x1082;
	s9 =	sld [smem:$0x3FB4]  }
0x2f: {  	lr =	sadd.s32 s0, s3;
	s0 =	sld [smem:$0x3FAB]  }
0x30: {  	s3 =	sld [smem:$0x3FAE]  }
0x31: {  	[smem:$0x3FB7] =	sst s10  }
0x32: {  	s10 =	sld [smem:$0x3FB5];
	_ =	sdelay $0x3  }
0x33: {  	p0 =	seq.s32 s10, $0x1;
	s10 =	sld [smem:$0x3FB7];
	_ =	sdelay $0x3  }
0x34: {  	[smem:$0x3FB7] =	sst s10  }
0x35: {  	s10 =	sld [smem:$0x3FB6];
	_ =	sdelay $0x3  }
0x36: {  	p1 =	seq.s32 s10, $0x1;
	s10 =	sld [smem:$0x3FB7];
	_ =	sdelay $0x3  }
0x37: {  	[smem:$0x3FB7] =	sst s10  }
0x38: {  	s10 =	sld [smem:$0x3FB8]  }
0x39: {  	_ = 	snop;
	(pc) =	sbr.ind lr, $3  }
0x3a: {  	_ = 	snop  }
0x3b: {  	_ = 	snop  }
0x3c: {  	p2 =	seq.s32 s10, $0x1;
	s10 =	sld [smem:$0x3FB7]  }
0x3d: {  	_ =	shalt  }
0x3e: {  	_ =	shalt  }
0x3f: {  	_ =	shalt  }
0x40: {  	_ =	shalt  }
0x41: {  	_ =	shalt  }
0x42: {  	_ =	shalt  }
0x43: {  	_ =	shalt  }
0x44: {  	_ =	shalt  }
0x45: {  	_ =	shalt  }
0x46: {  	_ =	shalt  }
0x47: {  	_ =	shalt  }
0x48: {  	_ =	shalt  }
0x49: {  	_ =	shalt  }
0x4a: {  	_ =	shalt  }
0x4b: {  	_ =	shalt  }
0x4c: {  	_ =	shalt  }
0x4d: {  	_ =	shalt  }
0x4e: {  	_ =	shalt  }
0x4f: {  	_ =	shalt  }
0x50: {  	_ =	shalt  }
0x51: {  	_ =	shalt  }
0x52: {  	_ =	shalt  }
0x53: {  	_ =	shalt  }
0x54: {  	_ =	shalt  }
0x55: {  	_ =	shalt  }
0x56: {  	_ =	shalt  }
0x57: {  	_ =	shalt  }
0x58: {  	_ =	shalt  }
0x59: {  	_ =	shalt  }
0x5a: {  	_ =	shalt  }
0x5b: {  	_ =	shalt  }
0x5c: {  	_ =	shalt  }
0x5d: {  	_ =	shalt  }
0x5e: {  	_ =	shalt  }
0x5f: {  	_ =	shalt  }
0x60: {  	_ =	shalt  }
0x61: {  	_ =	shalt  }
0x62: {  	_ =	shalt  }
0x63: {  	_ =	shalt  }
0x64: {  	_ =	shalt  }
0x65: {  	_ =	shalt  }
0x66: {  	_ =	shalt  }
0x67: {  	_ =	shalt  }
0x68: {  	_ =	shalt  }
0x69: {  	_ =	shalt  }
0x6a: {  	_ =	shalt  }
0x6b: {  	_ =	shalt  }
0x6c: {  	_ =	shalt  }
0x6d: {  	_ =	shalt  }
0x6e: {  	_ =	shalt  }
0x6f: {  	_ =	shalt  }
0x70: {  	_ =	shalt  }
0x71: {  	_ =	shalt  }
0x72: {  	_ =	shalt  }
0x73: {  	_ =	shalt  }
0x74: {  	_ =	shalt  }
0x75: {  	_ =	shalt  }
0x76: {  	_ =	shalt  }
0x77: {  	_ =	shalt  }
0x78: {  	_ =	shalt  }
0x79: {  	_ =	shalt  }
0x7a: {  	_ =	shalt  }
0x7b: {  	_ =	shalt  }
0x7c: {  	_ =	shalt  }
0x7d: {  	_ =	shalt  }
0x7e: {  	_ =	shalt  }
0x7f: {  	_ =	shalt  }
0x80: {  	_ =	shalt  }
0x81: {  	_ =	shalt  }
0x82: {  	_ =	shalt  }
0x83: {  	_ =	shalt  }
0x84: {  	_ =	shalt  }
0x85: {  	_ =	shalt  }
0x86: {  	_ =	shalt  }
0x87: {  	_ =	shalt  }
.Lfunc_end0:
.L_simem_size_0:
called_computation_lowered:
.L_overlay_start_0:
0x88: {  	s2 =	sld [smem:$0x3FD9]  }
0x89: {  	s3 =	sld [smem:$0x3FFE];
	_ =	sdelay $0x1  }
0x8a: {  	s1 =	srdreg.scid  }
0x8b: {  	s0 =	sand.u32 $0x1, s1  }
0x8c: {  	s17 =	sshll.u32 s0, $0xA;
	s2 =	sadd.s32 s3, s2  }
0x8d: {  	s2 =	sadd.s32 s2, s17  }
0x8e: {  	[smem:$0x3FC3] =	sst s2  }
0x8f: {  	_ = 	snop  }
0x90: {  	s2 =	sld [smem:$0x3FC5]  }
0x91: {  	s18 =	sld [smem:$0x3FD0];
	(tm) =	ssettm $0x1  }
0x92: {  	s4 =	sld [smem:$0x3FFB];
	_ =	sdelay $0x3  }
0x93: {  	_ =	strace s4  }
0x94: {  	s4 =	sld [smem:$0x3FFC];
	_ =	sdelay $0x3  }
0x95: {  	_ =	strace s4  }
0x96: {  	s4 =	sld [smem:$0x3FFD];
	_ =	sdelay $0x3  }
0x97: {  	_ =	strace s4  }
0x98: {  	_ =	strace $0x8FFFFFFF  }
0x99: {  	s19 =	sld [smem:$0x3FDB];
	_ =	sdelay $0x1  }
0x9a: {  	s5 =	simm.s32 $_scs_section_size  }
0x9b: {  	s6 =	simm.s32 $_size__tile_overlayer_lowered;
	s7 =	simm.s32 $_tile_overlayer_lowered  }
0x9c: {  	s22 =	simm.s32 $0x1BFF;
	s21 =	sshll.u32 s7, $0x1;
	s4 =	sadd.s32 s5, s19  }
0x9d: {  	s8 =	simm.s32 $0x0;
	s20 =	sshll.u32 s6, $0x1;
	s6 =	sadd.s32 s21, s4  }
0x9e: {  	[timem:s8], [sflag:s22] =	dma.local [hbm:s6], s20  }
0x9f: {  	_ =	swait.ge [sflag:s22], s20  }
0xa0: {  	s5 =	ssub.s32 $0x0, s20;
	[sflag:s22] =	ssyncset.done $0x0  }
0xa1: {  	[sflag:s22] =	ssyncadd.s32 s5;
	_ =	sdelay $0x1  }
0xa2: {  	s23 =	simm.s32 $0x1B8B  }
0xa3: {  	_ =	swait.ge [sflag:s23], $0x1  }
0xa4: {  	[sflag:s23] =	ssyncset.done $0x0  }
0xa5: {  	s25 =	simm.s32 $0x1B8E;
	s24 =	sld [smem:$0x3FFE];
	[sflag:s23] =	ssyncadd.s32 $0xFFFFFFFF  }
0xa6: {  	s26 =	simm.s32 $execute0_lowered;
	[smem:$0x3FD2] =	sst s25  }
0xa7: {  	s6 =	sshll.u32 s26, $0x1;
	_ =	strace $0x80000046;
	[dreg:$0x1] =	wrdreg $0xFFFFFFFF  }
0xa8: {  	s28 =	simm.s32 $_size_execute0_lowered;
	s4 =	sadd.s32 s4, s6;
	[dreg:$0x0] =	wrdreg $0x0  }
0xa9: {  	s6 =	sshll.u32 s28, $0x1;
	[dreg:$0x2] =	wrdreg s4  }
0xaa: {  	[dreg:$0x3] =	wrdreg s6  }
0xab: {  	[dreg:$0x4] =	wrdreg $0xC0  }
0xac: {  	_ =	task [dreg:s8], $0x5FFFF  }
0xad: {  	[dreg:$0x1] =	wrdreg $0xFFFFFFFF  }
0xae: {  	[dreg:$0x0] =	wrdreg $0x60  }
0xaf: {  	[dreg:$0x2] =	wrdreg s24  }
0xb0: {  	[dreg:$0x3] =	wrdreg s2  }
0xb1: {  	[dreg:$0x4] =	wrdreg s18  }
0xb2: {  	[dreg:$0x5] =	wrdreg $0x5000  }
0xb3: {  	[dreg:$0x6] =	wrdreg $0x9  }
0xb4: {  	_ =	task.clear_ibuf [dreg:s8], $0x7FFFF;
	_ =	strace $0x90000046  }
0xb5: {  	s29 =	simm.s32 $0x9;
	_ =	strace $0x80000048  }
0xb6: {  	_ =	swait.ge [sflag:s29], $0x1  }
0xb7: {  	[sflag:s29] =	ssyncadd.s32 $0xFFFFFFFF  }
0xb8: {  	_ =	strace $0x90000048  }
0xb9: {  	_ =	sfence  }
0xba: {  	s30 =	sld [smem:$0x0];
	_ =	sdelay $0x2  }
0xbb: {  	s31 =	sshll.u32 s1, $0xD;
	s1 =	sshrl.u32 s1, $0x2  }
0xbc: {  	s3 =	sand.u32 $0x4000, s31;
	s1 =	sadd.s32 s1, s30  }
0xbd: {  	s0 =	sor.u32 s3, s0;
	s1 =	sshll.u32 s1, $0x11  }
0xbe: {  	s0 =	sor.u32 s1, s0  }
0xbf: {  	s0 =	sadd.s32 $0x8F2B, s0  }
0xc0: {  	[sflag:s0] =	ssyncadd.remote.s32 $0x1  }
0xc1: {  	_ =	sfence.sel $0xFFFF  }
0xc2: {  	[dreg:$0x0] =	wrdreg $0xFFFFFFFF;
	(pc) =	sbr.abs _section_cstart, $3  }
0xc3: {  	[dreg:$0x1] =	wrdreg $0xFFFFFFFF  }
0xc4: {  	_ =	task.clear_ibuf [dreg:s8], $0x2FFFF;
	_ =	strace $0x9FFFFFFF  }
0xc5: {  	(tm) =	ssettm $0x7FFFFFFF  }
tec
execute0_lowered:
.L_overlay_start_1:
0x0: {  	(tag) =	ssettag $0x1  }
0x1: {  	s0 =	rddreg [dreg:$0x0]  }
0x2: {  	s1 =	rddreg [dreg:$0x1]  }
0x3: {  	s2 =	rddreg [dreg:$0x2]  }
0x4: {  	s13 =	rddreg [dreg:$0x3]  }
0x5: {  	s5 =	stileid.u32;
	s3 =	srdreg.scid;
	s15 =	simm.s32 $0x7E80  }
0x6: {  	s16 =	simm.s32 $0x5;
	s17 =	simm.s32 $0x80;
	s18 =	simm.s32 $0x280  }
0x7: {  	s26 =	simm.s32 $0x4;
	s19 =	simm.s32 $0x1;
	s20 =	simm.s32 $0x780  }
0x8: {  	s23 =	simm.s32 $0x2;
	s14 =	simm.s32 $0xCC80;
	s21 =	simm.s32 $0x10  }
0x9: {  	s22 =	simm.s32 $0xA580;
	s24 =	simm.s32 $0xCD00;
	s25 =	simm.s32 $0x3  }
0xa: {  	s28 =	simm.s32 $0xCD80;
	s29 =	simm.s32 $0x0;
	s6 =	sand.u32 $0x1, s3  }
0xb: {  	s4 =	sshll.u32 s5, $0x1;
	s3 =	simm.s32 $0x0;
	s10 =	smul.u32 $0x280, s5  }
0xc: {  	s5 =	sadd.s32 $0x3C00, s0;
	s4 =	sor.u32 s6, s4;
	[smem:$0x7FF] =	sst s3  }
0xd: {  	s6 =	ssub.s32 $0x2, s6;
	s7 =	smul.u32 $0x2710, s4;
	_ =	strace $0x80000047  }
0xe: {  	s4 =	sadd.s32 $0xA00, s0;
	s8 =	sshrl.u32 s10, $0x3;
	s31 =	sshrl.u32 s6, $0x1  }
0xf: {  	s10 =	sadd.s32 s10, s13;
	s13 =	simm.s32 $0xA500;
	s9 =	sadd.s32 s8, s0  }
0x10: {  	s12 =	ssub.s32 s6, s31;
	s11 =	sshrl.u32 s7, $0x3;
	s9 =	sadd.s32 $0x23A00, s9  }
0x11: {  	s12 =	smax.u32 s12, $0x1;
	s0 =	sadd.s32 s11, s0;
	s8 =	sadd.s32 s1, s11  }
0x12: {  	s11 =	sadd.s32 s2, s11;
	s6 =	sadd.s32 $0x10000, s0;
	s7 =	sadd.s32 $0x19C40, s0  }
.LBB2_1:
0x13: {  	s0 =	simm.s32 $0x2F80  }
0x14: {  	[tilespmem:s0], [sflag:$0x3] =	stream.linear.gather [hbm4b:s6+s3], $0x2710, $0x38;
	[tilespmem:$0xF500] =	vst v63  }
0x15: {  	s2 =	simm.s32 $0x5700  }
0x16: {  	[tilespmem:s2], [sflag:$0x3] =	stream.linear.gather [hbm4b:s7+s3], $0x2710, $0x38;
	[tilespmem:$0xF500] =	vst v63  }
0x17: {  	_ = 	snop  }
0x18: {  	[tilespmem:s15], [sflag:$0x4] =	stream.linear.gather [hbm4b:s8+s3], $0x2710, $0x38;
	[tilespmem:$0xF500] =	vst v63  }
0x19: {  	_ = 	snop  }
0x1a: {  	[tilespmem:s3], [sflag:$0x5] =	stream.linear.gather [hbm4b:s9+s3], $0x280, $0x38;
	[tilespmem:$0xF500] =	vst v63  }
0x1b: {  	_ =	swait.ge [sflag:s16], $0x280  }
0x1c: {  	[sflag:s16] =	ssyncset.done $0x0  }
0x1d: {  	[sflag:s16] =	ssyncadd.s32 $0xFFFFFD80  }
0x1e: {  	[tilespmem:s18], [sflag:$0x1] =	stream.indirect.gather [hbm4b:s4+s17], $0x1, s3, s17, $0xb8;
	[tilespmem:$0xF500] =	vst v63  }
0x1f: {  	s1 =	simm.s32 $0x300  }
0x20: {  	[tilespmem:s1], [sflag:$0x1] =	stream.indirect.gather [hbm4b:s4+s17], $0x1, s17, s17, $0xb8;
	[tilespmem:$0xF500] =	vst v63  }
0x21: {  	s2 =	simm.s32 $0x100;
	s1 =	simm.s32 $0x380  }
0x22: {  	[tilespmem:s1], [sflag:$0x1] =	stream.indirect.gather [hbm4b:s4+s17], $0x1, s2, s17, $0xb8;
	[tilespmem:$0xF500] =	vst v63  }
0x23: {  	s1 =	simm.s32 $0x180;
	s2 =	simm.s32 $0x400  }
0x24: {  	[tilespmem:s2], [sflag:$0x1] =	stream.indirect.gather [hbm4b:s4+s17], $0x1, s1, s17, $0xb8;
	[tilespmem:$0xF500] =	vst v63  }
0x25: {  	s1 =	simm.s32 $0x200;
	s2 =	simm.s32 $0x480  }
0x26: {  	[tilespmem:s2], [sflag:$0x1] =	stream.indirect.gather [hbm4b:s4+s17], $0x1, s1, s17, $0xb8;
	[tilespmem:$0xF500] =	vst v63  }
0x27: {  	_ =	swait.ge [sflag:s26], $0x2710  }
0x28: {  	[sflag:s26] =	ssyncset.done $0x0  }
0x29: {  	s2 =	simm.s32 $0xA600;
	[sflag:s26] =	ssyncadd.s32 $0xFFFFD8F0  }
0x2a: {  	[tilespmem:s2], [sflag:$0x2] =	stream.indirect.gather [hbm4b:s5+s17], $0x1, s15, s17, $0xb8;
	[tilespmem:$0xF500] =	vst v63  }
0x2b: {  	s1 =	simm.s32 $0x7F00;
	s2 =	simm.s32 $0xA680  }
0x2c: {  	[tilespmem:s2], [sflag:$0x2] =	stream.indirect.gather [hbm4b:s5+s17], $0x1, s1, s17, $0xb8;
	[tilespmem:$0xF500] =	vst v63  }
0x2d: {  	s1 =	simm.s32 $0x7F80;
	s2 =	simm.s32 $0xA700  }
0x2e: {  	[tilespmem:s2], [sflag:$0x2] =	stream.indirect.gather [hbm4b:s5+s17], $0x1, s1, s17, $0xb8;
	[tilespmem:$0xF500] =	vst v63  }
0x2f: {  	s1 =	simm.s32 $0x8000;
	s2 =	simm.s32 $0xA780  }
0x30: {  	[tilespmem:s2], [sflag:$0x2] =	stream.indirect.gather [hbm4b:s5+s17], $0x1, s1, s17, $0xb8;
	[tilespmem:$0xF500] =	vst v63  }
0x31: {  	s1 =	simm.s32 $0x8080;
	s2 =	simm.s32 $0xA800  }
0x32: {  	[tilespmem:s2], [sflag:$0x2] =	stream.indirect.gather [hbm4b:s5+s17], $0x1, s1, s17, $0xb8;
	[tilespmem:$0xF500] =	vst v63  }
0x33: {  	s1 =	simm.s32 $0x8100;
	s2 =	simm.s32 $0xA880  }
0x34: {  	[tilespmem:s2], [sflag:$0x2] =	stream.indirect.gather [hbm4b:s5+s17], $0x1, s1, s17, $0xb8;
	[tilespmem:$0xF500] =	vst v63  }
0x35: {  	s1 =	simm.s32 $0x8180;
	s2 =	simm.s32 $0xA900  }
0x36: {  	[tilespmem:s2], [sflag:$0x2] =	stream.indirect.gather [hbm4b:s5+s17], $0x1, s1, s17, $0xb8;
	[tilespmem:$0xF500] =	vst v63  }
0x37: {  	s1 =	simm.s32 $0x8200;
	s2 =	simm.s32 $0xA980  }
0x38: {  	[tilespmem:s2], [sflag:$0x2] =	stream.indirect.gather [hbm4b:s5+s17], $0x1, s1, s17, $0xb8;
	[tilespmem:$0xF500] =	vst v63  }
0x39: {  	s1 =	simm.s32 $0x8280;
	s2 =	simm.s32 $0xAA00  }
0x3a: {  	[tilespmem:s2], [sflag:$0x2] =	stream.indirect.gather [hbm4b:s5+s17], $0x1, s1, s17, $0xb8;
	[tilespmem:$0xF500] =	vst v63  }
0x3b: {  	s1 =	simm.s32 $0x8300;
	s2 =	simm.s32 $0xAA80  }
0x3c: {  	[tilespmem:s2], [sflag:$0x2] =	stream.indirect.gather [hbm4b:s5+s17], $0x1, s1, s17, $0xb8;
	[tilespmem:$0xF500] =	vst v63  }
0x3d: {  	s1 =	simm.s32 $0x8380;
	s2 =	simm.s32 $0xAB00  }
0x3e: {  	[tilespmem:s2], [sflag:$0x2] =	stream.indirect.gather [hbm4b:s5+s17], $0x1, s1, s17, $0xb8;
	[tilespmem:$0xF500] =	vst v63  }
0x3f: {  	s1 =	simm.s32 $0x8400;
	s2 =	simm.s32 $0xAB80  }
0x40: {  	[tilespmem:s2], [sflag:$0x2] =	stream.indirect.gather [hbm4b:s5+s17], $0x1, s1, s17, $0xb8;
	[tilespmem:$0xF500] =	vst v63  }
0x41: {  	s1 =	simm.s32 $0x8480;
	s2 =	simm.s32 $0xAC00  }
0x42: {  	[tilespmem:s2], [sflag:$0x2] =	stream.indirect.gather [hbm4b:s5+s17], $0x1, s1, s17, $0xb8;
	[tilespmem:$0xF500] =	vst v63  }
0x43: {  	_ =	swait.ge [sflag:s19], $0x80  }
0x44: {  	[sflag:s19] =	ssyncset.done $0x0  }
0x45: {  	[sflag:s19] =	ssyncadd.s32 $0xFFFFFF80  }
0x46: {  	_ =	swait.ge [sflag:s19], $0x80  }
0x47: {  	[sflag:s19] =	ssyncset.done $0x0  }
0x48: {  	[sflag:s19] =	ssyncadd.s32 $0xFFFFFF80  }
0x49: {  	_ =	swait.ge [sflag:s19], $0x80  }
0x4a: {  	[sflag:s19] =	ssyncset.done $0x0  }
0x4b: {  	[sflag:s19] =	ssyncadd.s32 $0xFFFFFF80  }
0x4c: {  	_ =	swait.ge [sflag:s19], $0x80  }
0x4d: {  	[sflag:s19] =	ssyncset.done $0x0  }
0x4e: {  	[sflag:s19] =	ssyncadd.s32 $0xFFFFFF80  }
0x4f: {  	_ =	swait.ge [sflag:s19], $0x80  }
0x50: {  	[sflag:s19] =	ssyncset.done $0x0  }
0x51: {  	[sflag:s19] =	ssyncadd.s32 $0xFFFFFF80  }
0x52: {  	[spmem:s10] =	stream.linear.scatter [tilespmem:s18], [sflag:$0x5], $0x280, $0x38;
	[tilespmem:$0xF500] =	vst v63  }
0x53: {  	_ =	swait.ge [sflag:s16], $0x280  }
0x54: {  	[sflag:s16] =	ssyncset.done $0x0  }
0x55: {  	[sflag:s16] =	ssyncadd.s32 $0xFFFFFD80  }
0x56: {  	[bflag:$0x0] =	sbarrier.arrive $0xFFFF  }
0x57: {  	s2 =	rddreg [dreg:$0x3]  }
0x58: {  	[tilespmem:s20], [sflag:$0x5] =	stream.linear.gather [spmem:s2], $0x2800, $0x38;
	[tilespmem:$0xF500] =	vst v63  }
0x59: {  	_ =	swait.ge [sflag:s16], $0x2800  }
0x5a: {  	[sflag:s16] =	ssyncset.done $0x0  }
0x5b: {  	s1 =	simm.s32 $0x8500;
	s2 =	simm.s32 $0xAC80;
	[sflag:s16] =	ssyncadd.s32 $0xFFFFD800  }
0x5c: {  	[tilespmem:s2], [sflag:$0x2] =	stream.indirect.gather [hbm4b:s5+s17], $0x1, s1, s17, $0xb8;
	[tilespmem:$0xF500] =	vst v63  }
0x5d: {  	_ =	swait.ge [sflag:s23], $0x80  }
0x5e: {  	[sflag:s23] =	ssyncset.done $0x0  }
0x5f: {  	s1 =	simm.s32 $0x8580;
	s2 =	simm.s32 $0xAD00;
	[sflag:s23] =	ssyncadd.s32 $0xFFFFFF80  }
0x60: {  	[tilespmem:s2], [sflag:$0x2] =	stream.indirect.gather [hbm4b:s5+s17], $0x1, s1, s17, $0xb8;
	[tilespmem:$0xF500] =	vst v63  }
0x61: {  	_ =	swait.ge [sflag:s23], $0x80  }
0x62: {  	[sflag:s23] =	ssyncset.done $0x0  }
0x63: {  	s1 =	simm.s32 $0x8600;
	s2 =	simm.s32 $0xAD80;
	[sflag:s23] =	ssyncadd.s32 $0xFFFFFF80  }
0x64: {  	[tilespmem:s2], [sflag:$0x2] =	stream.indirect.gather [hbm4b:s5+s17], $0x1, s1, s17, $0xb8;
	[tilespmem:$0xF500] =	vst v63  }
0x65: {  	_ =	swait.ge [sflag:s23], $0x80  }
0x66: {  	[sflag:s23] =	ssyncset.done $0x0  }
0x67: {  	s1 =	simm.s32 $0x8680;
	s2 =	simm.s32 $0xAE00;
	[sflag:s23] =	ssyncadd.s32 $0xFFFFFF80  }
0x68: {  	[tilespmem:s2], [sflag:$0x2] =	stream.indirect.gather [hbm4b:s5+s17], $0x1, s1, s17, $0xb8;
	[tilespmem:$0xF500] =	vst v63  }
0x69: {  	_ =	swait.ge [sflag:s23], $0x80  }
0x6a: {  	[sflag:s23] =	ssyncset.done $0x0  }
0x6b: {  	s1 =	simm.s32 $0x8700;
	s2 =	simm.s32 $0xAE80;
	[sflag:s23] =	ssyncadd.s32 $0xFFFFFF80  }
0x6c: {  	[tilespmem:s2], [sflag:$0x2] =	stream.indirect.gather [hbm4b:s5+s17], $0x1, s1, s17, $0xb8;
	[tilespmem:$0xF500] =	vst v63  }
0x6d: {  	_ =	swait.ge [sflag:s23], $0x80  }
0x6e: {  	[sflag:s23] =	ssyncset.done $0x0  }
0x6f: {  	s1 =	simm.s32 $0x8780;
	s2 =	simm.s32 $0xAF00;
	[sflag:s23] =	ssyncadd.s32 $0xFFFFFF80  }
0x70: {  	[tilespmem:s2], [sflag:$0x2] =	stream.indirect.gather [hbm4b:s5+s17], $0x1, s1, s17, $0xb8;
	[tilespmem:$0xF500] =	vst v63  }
0x71: {  	_ =	swait.ge [sflag:s23], $0x80  }
0x72: {  	[sflag:s23] =	ssyncset.done $0x0  }
0x73: {  	s1 =	simm.s32 $0x8800;
	s2 =	simm.s32 $0xAF80;
	[sflag:s23] =	ssyncadd.s32 $0xFFFFFF80  }
0x74: {  	[tilespmem:s2], [sflag:$0x2] =	stream.indirect.gather [hbm4b:s5+s17], $0x1, s1, s17, $0xb8;
	[tilespmem:$0xF500] =	vst v63  }
0x75: {  	_ =	swait.ge [sflag:s23], $0x80  }
0x76: {  	[sflag:s23] =	ssyncset.done $0x0  }
0x77: {  	s1 =	simm.s32 $0x8880;
	s2 =	simm.s32 $0xB000;
	[sflag:s23] =	ssyncadd.s32 $0xFFFFFF80  }
0x78: {  	[tilespmem:s2], [sflag:$0x2] =	stream.indirect.gather [hbm4b:s5+s17], $0x1, s1, s17, $0xb8;
	[tilespmem:$0xF500] =	vst v63  }
0x79: {  	_ =	swait.ge [sflag:s23], $0x80  }
0x7a: {  	[sflag:s23] =	ssyncset.done $0x0  }
0x7b: {  	s1 =	simm.s32 $0x8900;
	s2 =	simm.s32 $0xB080;
	[sflag:s23] =	ssyncadd.s32 $0xFFFFFF80  }
0x7c: {  	[tilespmem:s2], [sflag:$0x2] =	stream.indirect.gather [hbm4b:s5+s17], $0x1, s1, s17, $0xb8;
	[tilespmem:$0xF500] =	vst v63  }
0x7d: {  	_ =	swait.ge [sflag:s23], $0x80  }
0x7e: {  	[sflag:s23] =	ssyncset.done $0x0  }
0x7f: {  	s1 =	simm.s32 $0x8980;
	s2 =	simm.s32 $0xB100;
	[sflag:s23] =	ssyncadd.s32 $0xFFFFFF80  }
0x80: {  	[tilespmem:s2], [sflag:$0x2] =	stream.indirect.gather [hbm4b:s5+s17], $0x1, s1, s17, $0xb8;
	[tilespmem:$0xF500] =	vst v63  }
0x81: {  	_ =	swait.ge [sflag:s23], $0x80  }
0x82: {  	[sflag:s23] =	ssyncset.done $0x0  }
0x83: {  	s1 =	simm.s32 $0x8A00;
	s2 =	simm.s32 $0xB180;
	[sflag:s23] =	ssyncadd.s32 $0xFFFFFF80  }
0x84: {  	[tilespmem:s2], [sflag:$0x2] =	stream.indirect.gather [hbm4b:s5+s17], $0x1, s1, s17, $0xb8;
	[tilespmem:$0xF500] =	vst v63  }
0x85: {  	_ =	swait.ge [sflag:s23], $0x80  }
0x86: {  	[sflag:s23] =	ssyncset.done $0x0  }
0x87: {  	s1 =	simm.s32 $0x8A80;
	s2 =	simm.s32 $0xB200;
	[sflag:s23] =	ssyncadd.s32 $0xFFFFFF80  }
0x88: {  	[tilespmem:s2], [sflag:$0x2] =	stream.indirect.gather [hbm4b:s5+s17], $0x1, s1, s17, $0xb8;
	[tilespmem:$0xF500] =	vst v63  }
0x89: {  	_ =	swait.ge [sflag:s23], $0x80  }
0x8a: {  	[sflag:s23] =	ssyncset.done $0x0  }
0x8b: {  	s1 =	simm.s32 $0x8B00;
	s2 =	simm.s32 $0xB280;
	[sflag:s23] =	ssyncadd.s32 $0xFFFFFF80  }
0x8c: {  	[tilespmem:s2], [sflag:$0x2] =	stream.indirect.gather [hbm4b:s5+s17], $0x1, s1, s17, $0xb8;
	[tilespmem:$0xF500] =	vst v63  }
0x8d: {  	_ =	swait.ge [sflag:s23], $0x80  }
0x8e: {  	[sflag:s23] =	ssyncset.done $0x0  }
0x8f: {  	s1 =	simm.s32 $0x8B80;
	s2 =	simm.s32 $0xB300;
	[sflag:s23] =	ssyncadd.s32 $0xFFFFFF80  }
0x90: {  	[tilespmem:s2], [sflag:$0x2] =	stream.indirect.gather [hbm4b:s5+s17], $0x1, s1, s17, $0xb8;
	[tilespmem:$0xF500] =	vst v63  }
0x91: {  	_ =	swait.ge [sflag:s23], $0x80  }
0x92: {  	[sflag:s23] =	ssyncset.done $0x0  }
0x93: {  	s1 =	simm.s32 $0x8C00;
	s2 =	simm.s32 $0xB380;
	[sflag:s23] =	ssyncadd.s32 $0xFFFFFF80  }
0x94: {  	[tilespmem:s2], [sflag:$0x2] =	stream.indirect.gather [hbm4b:s5+s17], $0x1, s1, s17, $0xb8;
	[tilespmem:$0xF500] =	vst v63  }
0x95: {  	_ =	swait.ge [sflag:s23], $0x80  }
0x96: {  	[sflag:s23] =	ssyncset.done $0x0  }
0x97: {  	s1 =	simm.s32 $0x8C80;
	s2 =	simm.s32 $0xB400;
	[sflag:s23] =	ssyncadd.s32 $0xFFFFFF80  }
0x98: {  	[tilespmem:s2], [sflag:$0x2] =	stream.indirect.gather [hbm4b:s5+s17], $0x1, s1, s17, $0xb8;
	[tilespmem:$0xF500] =	vst v63  }
0x99: {  	_ =	swait.ge [sflag:s23], $0x80  }
0x9a: {  	[sflag:s23] =	ssyncset.done $0x0  }
0x9b: {  	s1 =	simm.s32 $0x8D00;
	s2 =	simm.s32 $0xB480;
	[sflag:s23] =	ssyncadd.s32 $0xFFFFFF80  }
0x9c: {  	[tilespmem:s2], [sflag:$0x2] =	stream.indirect.gather [hbm4b:s5+s17], $0x1, s1, s17, $0xb8;
	[tilespmem:$0xF500] =	vst v63  }
0x9d: {  	_ =	swait.ge [sflag:s23], $0x80  }
0x9e: {  	[sflag:s23] =	ssyncset.done $0x0  }
0x9f: {  	s1 =	simm.s32 $0x8D80;
	s2 =	simm.s32 $0xB500;
	[sflag:s23] =	ssyncadd.s32 $0xFFFFFF80  }
0xa0: {  	[tilespmem:s2], [sflag:$0x2] =	stream.indirect.gather [hbm4b:s5+s17], $0x1, s1, s17, $0xb8;
	[tilespmem:$0xF500] =	vst v63  }
0xa1: {  	_ =	swait.ge [sflag:s23], $0x80  }
0xa2: {  	[sflag:s23] =	ssyncset.done $0x0  }
0xa3: {  	s1 =	simm.s32 $0x8E00;
	s2 =	simm.s32 $0xB580;
	[sflag:s23] =	ssyncadd.s32 $0xFFFFFF80  }
0xa4: {  	[tilespmem:s2], [sflag:$0x2] =	stream.indirect.gather [hbm4b:s5+s17], $0x1, s1, s17, $0xb8;
	[tilespmem:$0xF500] =	vst v63  }
0xa5: {  	_ =	swait.ge [sflag:s23], $0x80  }
0xa6: {  	[sflag:s23] =	ssyncset.done $0x0  }
0xa7: {  	s1 =	simm.s32 $0x8E80;
	s2 =	simm.s32 $0xB600;
	[sflag:s23] =	ssyncadd.s32 $0xFFFFFF80  }
0xa8: {  	[tilespmem:s2], [sflag:$0x2] =	stream.indirect.gather [hbm4b:s5+s17], $0x1, s1, s17, $0xb8;
	[tilespmem:$0xF500] =	vst v63  }
0xa9: {  	_ =	swait.ge [sflag:s23], $0x80  }
0xaa: {  	[sflag:s23] =	ssyncset.done $0x0  }
0xab: {  	s1 =	simm.s32 $0x8F00;
	s2 =	simm.s32 $0xB680;
	[sflag:s23] =	ssyncadd.s32 $0xFFFFFF80  }
0xac: {  	[tilespmem:s2], [sflag:$0x2] =	stream.indirect.gather [hbm4b:s5+s17], $0x1, s1, s17, $0xb8;
	[tilespmem:$0xF500] =	vst v63  }
0xad: {  	_ =	swait.ge [sflag:s23], $0x80  }
0xae: {  	[sflag:s23] =	ssyncset.done $0x0  }
0xaf: {  	s1 =	simm.s32 $0x8F80;
	s2 =	simm.s32 $0xB700;
	[sflag:s23] =	ssyncadd.s32 $0xFFFFFF80  }
0xb0: {  	[tilespmem:s2], [sflag:$0x2] =	stream.indirect.gather [hbm4b:s5+s17], $0x1, s1, s17, $0xb8;
	[tilespmem:$0xF500] =	vst v63  }
0xb1: {  	_ =	swait.ge [sflag:s23], $0x80  }
0xb2: {  	[sflag:s23] =	ssyncset.done $0x0  }
0xb3: {  	s1 =	simm.s32 $0x9000;
	s2 =	simm.s32 $0xB780;
	[sflag:s23] =	ssyncadd.s32 $0xFFFFFF80  }
0xb4: {  	[tilespmem:s2], [sflag:$0x2] =	stream.indirect.gather [hbm4b:s5+s17], $0x1, s1, s17, $0xb8;
	[tilespmem:$0xF500] =	vst v63  }
0xb5: {  	_ =	swait.ge [sflag:s23], $0x80  }
0xb6: {  	[sflag:s23] =	ssyncset.done $0x0  }
0xb7: {  	s1 =	simm.s32 $0x9080;
	s2 =	simm.s32 $0xB800;
	[sflag:s23] =	ssyncadd.s32 $0xFFFFFF80  }
0xb8: {  	[tilespmem:s2], [sflag:$0x2] =	stream.indirect.gather [hbm4b:s5+s17], $0x1, s1, s17, $0xb8;
	[tilespmem:$0xF500] =	vst v63  }
0xb9: {  	_ =	swait.ge [sflag:s23], $0x80  }
0xba: {  	[sflag:s23] =	ssyncset.done $0x0  }
0xbb: {  	s1 =	simm.s32 $0x9100;
	s2 =	simm.s32 $0xB880;
	[sflag:s23] =	ssyncadd.s32 $0xFFFFFF80  }
0xbc: {  	[tilespmem:s2], [sflag:$0x2] =	stream.indirect.gather [hbm4b:s5+s17], $0x1, s1, s17, $0xb8;
	[tilespmem:$0xF500] =	vst v63  }
0xbd: {  	_ =	swait.ge [sflag:s23], $0x80  }
0xbe: {  	[sflag:s23] =	ssyncset.done $0x0  }
0xbf: {  	s1 =	simm.s32 $0x9180;
	s2 =	simm.s32 $0xB900;
	[sflag:s23] =	ssyncadd.s32 $0xFFFFFF80  }
0xc0: {  	[tilespmem:s2], [sflag:$0x2] =	stream.indirect.gather [hbm4b:s5+s17], $0x1, s1, s17, $0xb8;
	[tilespmem:$0xF500] =	vst v63  }
0xc1: {  	_ =	swait.ge [sflag:s23], $0x80  }
0xc2: {  	[sflag:s23] =	ssyncset.done $0x0  }
0xc3: {  	s1 =	simm.s32 $0x9200;
	s2 =	simm.s32 $0xB980;
	[sflag:s23] =	ssyncadd.s32 $0xFFFFFF80  }
0xc4: {  	[tilespmem:s2], [sflag:$0x2] =	stream.indirect.gather [hbm4b:s5+s17], $0x1, s1, s17, $0xb8;
	[tilespmem:$0xF500] =	vst v63  }
0xc5: {  	_ =	swait.ge [sflag:s23], $0x80  }
0xc6: {  	[sflag:s23] =	ssyncset.done $0x0  }
0xc7: {  	s1 =	simm.s32 $0x9280;
	s2 =	simm.s32 $0xBA00;
	[sflag:s23] =	ssyncadd.s32 $0xFFFFFF80  }
0xc8: {  	[tilespmem:s2], [sflag:$0x2] =	stream.indirect.gather [hbm4b:s5+s17], $0x1, s1, s17, $0xb8;
	[tilespmem:$0xF500] =	vst v63  }
0xc9: {  	_ =	swait.ge [sflag:s23], $0x80  }
0xca: {  	[sflag:s23] =	ssyncset.done $0x0  }
0xcb: {  	s1 =	simm.s32 $0x9300;
	s2 =	simm.s32 $0xBA80;
	[sflag:s23] =	ssyncadd.s32 $0xFFFFFF80  }
0xcc: {  	[tilespmem:s2], [sflag:$0x2] =	stream.indirect.gather [hbm4b:s5+s17], $0x1, s1, s17, $0xb8;
	[tilespmem:$0xF500] =	vst v63  }
0xcd: {  	_ =	swait.ge [sflag:s23], $0x80  }
0xce: {  	[sflag:s23] =	ssyncset.done $0x0  }
0xcf: {  	s1 =	simm.s32 $0x9380;
	s2 =	simm.s32 $0xBB00;
	[sflag:s23] =	ssyncadd.s32 $0xFFFFFF80  }
0xd0: {  	[tilespmem:s2], [sflag:$0x2] =	stream.indirect.gather [hbm4b:s5+s17], $0x1, s1, s17, $0xb8;
	[tilespmem:$0xF500] =	vst v63  }
0xd1: {  	_ =	swait.ge [sflag:s23], $0x80  }
0xd2: {  	[sflag:s23] =	ssyncset.done $0x0  }
0xd3: {  	s1 =	simm.s32 $0x9400;
	s2 =	simm.s32 $0xBB80;
	[sflag:s23] =	ssyncadd.s32 $0xFFFFFF80  }
0xd4: {  	[tilespmem:s2], [sflag:$0x2] =	stream.indirect.gather [hbm4b:s5+s17], $0x1, s1, s17, $0xb8;
	[tilespmem:$0xF500] =	vst v63  }
0xd5: {  	_ =	swait.ge [sflag:s23], $0x80  }
0xd6: {  	[sflag:s23] =	ssyncset.done $0x0  }
0xd7: {  	s1 =	simm.s32 $0x9480;
	s2 =	simm.s32 $0xBC00;
	[sflag:s23] =	ssyncadd.s32 $0xFFFFFF80  }
0xd8: {  	[tilespmem:s2], [sflag:$0x2] =	stream.indirect.gather [hbm4b:s5+s17], $0x1, s1, s17, $0xb8;
	[tilespmem:$0xF500] =	vst v63  }
0xd9: {  	_ =	swait.ge [sflag:s23], $0x80  }
0xda: {  	[sflag:s23] =	ssyncset.done $0x0  }
0xdb: {  	s1 =	simm.s32 $0x9500;
	s2 =	simm.s32 $0xBC80;
	[sflag:s23] =	ssyncadd.s32 $0xFFFFFF80  }
0xdc: {  	[tilespmem:s2], [sflag:$0x2] =	stream.indirect.gather [hbm4b:s5+s17], $0x1, s1, s17, $0xb8;
	[tilespmem:$0xF500] =	vst v63  }
0xdd: {  	_ =	swait.ge [sflag:s23], $0x80  }
0xde: {  	[sflag:s23] =	ssyncset.done $0x0  }
0xdf: {  	s1 =	simm.s32 $0x9580;
	s2 =	simm.s32 $0xBD00;
	[sflag:s23] =	ssyncadd.s32 $0xFFFFFF80  }
0xe0: {  	[tilespmem:s2], [sflag:$0x2] =	stream.indirect.gather [hbm4b:s5+s17], $0x1, s1, s17, $0xb8;
	[tilespmem:$0xF500] =	vst v63  }
0xe1: {  	_ =	swait.ge [sflag:s23], $0x80  }
0xe2: {  	[sflag:s23] =	ssyncset.done $0x0  }
0xe3: {  	s1 =	simm.s32 $0x9600;
	s2 =	simm.s32 $0xBD80;
	[sflag:s23] =	ssyncadd.s32 $0xFFFFFF80  }
0xe4: {  	[tilespmem:s2], [sflag:$0x2] =	stream.indirect.gather [hbm4b:s5+s17], $0x1, s1, s17, $0xb8;
	[tilespmem:$0xF500] =	vst v63  }
0xe5: {  	_ =	swait.ge [sflag:s23], $0x80  }
0xe6: {  	[sflag:s23] =	ssyncset.done $0x0  }
0xe7: {  	s1 =	simm.s32 $0x9680;
	s2 =	simm.s32 $0xBE00;
	[sflag:s23] =	ssyncadd.s32 $0xFFFFFF80  }
0xe8: {  	[tilespmem:s2], [sflag:$0x2] =	stream.indirect.gather [hbm4b:s5+s17], $0x1, s1, s17, $0xb8;
	[tilespmem:$0xF500] =	vst v63  }
0xe9: {  	_ =	swait.ge [sflag:s23], $0x80  }
0xea: {  	[sflag:s23] =	ssyncset.done $0x0  }
0xeb: {  	s1 =	simm.s32 $0x9700;
	s2 =	simm.s32 $0xBE80;
	[sflag:s23] =	ssyncadd.s32 $0xFFFFFF80  }
0xec: {  	[tilespmem:s2], [sflag:$0x2] =	stream.indirect.gather [hbm4b:s5+s17], $0x1, s1, s17, $0xb8;
	[tilespmem:$0xF500] =	vst v63  }
0xed: {  	_ =	swait.ge [sflag:s23], $0x80  }
0xee: {  	[sflag:s23] =	ssyncset.done $0x0  }
0xef: {  	s1 =	simm.s32 $0x9780;
	s2 =	simm.s32 $0xBF00;
	[sflag:s23] =	ssyncadd.s32 $0xFFFFFF80  }
0xf0: {  	[tilespmem:s2], [sflag:$0x2] =	stream.indirect.gather [hbm4b:s5+s17], $0x1, s1, s17, $0xb8;
	[tilespmem:$0xF500] =	vst v63  }
0xf1: {  	_ =	swait.ge [sflag:s23], $0x80  }
0xf2: {  	[sflag:s23] =	ssyncset.done $0x0  }
0xf3: {  	s1 =	simm.s32 $0x9800;
	s2 =	simm.s32 $0xBF80;
	[sflag:s23] =	ssyncadd.s32 $0xFFFFFF80  }
0xf4: {  	[tilespmem:s2], [sflag:$0x2] =	stream.indirect.gather [hbm4b:s5+s17], $0x1, s1, s17, $0xb8;
	[tilespmem:$0xF500] =	vst v63  }
0xf5: {  	_ =	swait.ge [sflag:s23], $0x80  }
0xf6: {  	[sflag:s23] =	ssyncset.done $0x0  }
0xf7: {  	s1 =	simm.s32 $0x9880;
	s2 =	simm.s32 $0xC000;
	[sflag:s23] =	ssyncadd.s32 $0xFFFFFF80  }
0xf8: {  	[tilespmem:s2], [sflag:$0x2] =	stream.indirect.gather [hbm4b:s5+s17], $0x1, s1, s17, $0xb8;
	[tilespmem:$0xF500] =	vst v63  }
0xf9: {  	_ =	swait.ge [sflag:s23], $0x80  }
0xfa: {  	[sflag:s23] =	ssyncset.done $0x0  }
0xfb: {  	s1 =	simm.s32 $0x9900;
	s2 =	simm.s32 $0xC080;
	[sflag:s23] =	ssyncadd.s32 $0xFFFFFF80  }
0xfc: {  	[tilespmem:s2], [sflag:$0x2] =	stream.indirect.gather [hbm4b:s5+s17], $0x1, s1, s17, $0xb8;
	[tilespmem:$0xF500] =	vst v63  }
0xfd: {  	_ =	swait.ge [sflag:s23], $0x80  }
0xfe: {  	[sflag:s23] =	ssyncset.done $0x0  }
0xff: {  	s1 =	simm.s32 $0x9980;
	s2 =	simm.s32 $0xC100;
	[sflag:s23] =	ssyncadd.s32 $0xFFFFFF80  }
0x100: {  	[tilespmem:s2], [sflag:$0x2] =	stream.indirect.gather [hbm4b:s5+s17], $0x1, s1, s17, $0xb8;
	[tilespmem:$0xF500] =	vst v63  }
0x101: {  	_ =	swait.ge [sflag:s23], $0x80  }
0x102: {  	[sflag:s23] =	ssyncset.done $0x0  }
0x103: {  	s1 =	simm.s32 $0x9A00;
	s2 =	simm.s32 $0xC180;
	[sflag:s23] =	ssyncadd.s32 $0xFFFFFF80  }
0x104: {  	[tilespmem:s2], [sflag:$0x2] =	stream.indirect.gather [hbm4b:s5+s17], $0x1, s1, s17, $0xb8;
	[tilespmem:$0xF500] =	vst v63  }
0x105: {  	_ =	swait.ge [sflag:s23], $0x80  }
0x106: {  	[sflag:s23] =	ssyncset.done $0x0  }
0x107: {  	s1 =	simm.s32 $0x9A80;
	s2 =	simm.s32 $0xC200;
	[sflag:s23] =	ssyncadd.s32 $0xFFFFFF80  }
0x108: {  	[tilespmem:s2], [sflag:$0x2] =	stream.indirect.gather [hbm4b:s5+s17], $0x1, s1, s17, $0xb8;
	[tilespmem:$0xF500] =	vst v63  }
0x109: {  	_ =	swait.ge [sflag:s23], $0x80  }
0x10a: {  	[sflag:s23] =	ssyncset.done $0x0  }
0x10b: {  	s1 =	simm.s32 $0x9B00;
	s2 =	simm.s32 $0xC280;
	[sflag:s23] =	ssyncadd.s32 $0xFFFFFF80  }
0x10c: {  	[tilespmem:s2], [sflag:$0x2] =	stream.indirect.gather [hbm4b:s5+s17], $0x1, s1, s17, $0xb8;
	[tilespmem:$0xF500] =	vst v63  }
0x10d: {  	_ =	swait.ge [sflag:s23], $0x80  }
0x10e: {  	[sflag:s23] =	ssyncset.done $0x0  }
0x10f: {  	s1 =	simm.s32 $0x9B80;
	s2 =	simm.s32 $0xC300;
	[sflag:s23] =	ssyncadd.s32 $0xFFFFFF80  }
0x110: {  	[tilespmem:s2], [sflag:$0x2] =	stream.indirect.gather [hbm4b:s5+s17], $0x1, s1, s17, $0xb8;
	[tilespmem:$0xF500] =	vst v63  }
0x111: {  	_ =	swait.ge [sflag:s23], $0x80  }
0x112: {  	[sflag:s23] =	ssyncset.done $0x0  }
0x113: {  	s1 =	simm.s32 $0x9C00;
	s2 =	simm.s32 $0xC380;
	[sflag:s23] =	ssyncadd.s32 $0xFFFFFF80  }
0x114: {  	[tilespmem:s2], [sflag:$0x2] =	stream.indirect.gather [hbm4b:s5+s17], $0x1, s1, s17, $0xb8;
	[tilespmem:$0xF500] =	vst v63  }
0x115: {  	_ =	swait.ge [sflag:s23], $0x80  }
0x116: {  	[sflag:s23] =	ssyncset.done $0x0  }
0x117: {  	s1 =	simm.s32 $0x9C80;
	s2 =	simm.s32 $0xC400;
	[sflag:s23] =	ssyncadd.s32 $0xFFFFFF80  }
0x118: {  	[tilespmem:s2], [sflag:$0x2] =	stream.indirect.gather [hbm4b:s5+s17], $0x1, s1, s17, $0xb8;
	[tilespmem:$0xF500] =	vst v63  }
0x119: {  	_ =	swait.ge [sflag:s23], $0x80  }
0x11a: {  	[sflag:s23] =	ssyncset.done $0x0  }
0x11b: {  	s1 =	simm.s32 $0x9D00;
	s2 =	simm.s32 $0xC480;
	[sflag:s23] =	ssyncadd.s32 $0xFFFFFF80  }
0x11c: {  	[tilespmem:s2], [sflag:$0x2] =	stream.indirect.gather [hbm4b:s5+s17], $0x1, s1, s17, $0xb8;
	[tilespmem:$0xF500] =	vst v63  }
0x11d: {  	_ =	swait.ge [sflag:s23], $0x80  }
0x11e: {  	[sflag:s23] =	ssyncset.done $0x0  }
0x11f: {  	s1 =	simm.s32 $0x9D80;
	s2 =	simm.s32 $0xC500;
	[sflag:s23] =	ssyncadd.s32 $0xFFFFFF80  }
0x120: {  	[tilespmem:s2], [sflag:$0x2] =	stream.indirect.gather [hbm4b:s5+s17], $0x1, s1, s17, $0xb8;
	[tilespmem:$0xF500] =	vst v63  }
0x121: {  	_ =	swait.ge [sflag:s23], $0x80  }
0x122: {  	[sflag:s23] =	ssyncset.done $0x0  }
0x123: {  	s1 =	simm.s32 $0x9E00;
	s2 =	simm.s32 $0xC580;
	[sflag:s23] =	ssyncadd.s32 $0xFFFFFF80  }
0x124: {  	[tilespmem:s2], [sflag:$0x2] =	stream.indirect.gather [hbm4b:s5+s17], $0x1, s1, s17, $0xb8;
	[tilespmem:$0xF500] =	vst v63  }
0x125: {  	_ =	swait.ge [sflag:s23], $0x80  }
0x126: {  	[sflag:s23] =	ssyncset.done $0x0  }
0x127: {  	s1 =	simm.s32 $0x9E80;
	s2 =	simm.s32 $0xC600;
	[sflag:s23] =	ssyncadd.s32 $0xFFFFFF80  }
0x128: {  	[tilespmem:s2], [sflag:$0x2] =	stream.indirect.gather [hbm4b:s5+s17], $0x1, s1, s17, $0xb8;
	[tilespmem:$0xF500] =	vst v63  }
0x129: {  	_ =	swait.ge [sflag:s23], $0x80  }
0x12a: {  	[sflag:s23] =	ssyncset.done $0x0  }
0x12b: {  	s1 =	simm.s32 $0x9F00;
	s2 =	simm.s32 $0xC680;
	[sflag:s23] =	ssyncadd.s32 $0xFFFFFF80  }
0x12c: {  	[tilespmem:s2], [sflag:$0x2] =	stream.indirect.gather [hbm4b:s5+s17], $0x1, s1, s17, $0xb8;
	[tilespmem:$0xF500] =	vst v63  }
0x12d: {  	_ =	swait.ge [sflag:s23], $0x80  }
0x12e: {  	[sflag:s23] =	ssyncset.done $0x0  }
0x12f: {  	s1 =	simm.s32 $0x9F80;
	s2 =	simm.s32 $0xC700;
	[sflag:s23] =	ssyncadd.s32 $0xFFFFFF80  }
0x130: {  	[tilespmem:s2], [sflag:$0x2] =	stream.indirect.gather [hbm4b:s5+s17], $0x1, s1, s17, $0xb8;
	[tilespmem:$0xF500] =	vst v63  }
0x131: {  	_ =	swait.ge [sflag:s23], $0x80  }
0x132: {  	[sflag:s23] =	ssyncset.done $0x0  }
0x133: {  	s1 =	simm.s32 $0xA000;
	s2 =	simm.s32 $0xC780;
	[sflag:s23] =	ssyncadd.s32 $0xFFFFFF80  }
0x134: {  	[tilespmem:s2], [sflag:$0x2] =	stream.indirect.gather [hbm4b:s5+s17], $0x1, s1, s17, $0xb8;
	[tilespmem:$0xF500] =	vst v63  }
0x135: {  	_ =	swait.ge [sflag:s23], $0x80  }
0x136: {  	[sflag:s23] =	ssyncset.done $0x0  }
0x137: {  	s1 =	simm.s32 $0xA080;
	s2 =	simm.s32 $0xC800;
	[sflag:s23] =	ssyncadd.s32 $0xFFFFFF80  }
0x138: {  	[tilespmem:s2], [sflag:$0x2] =	stream.indirect.gather [hbm4b:s5+s17], $0x1, s1, s17, $0xb8;
	[tilespmem:$0xF500] =	vst v63  }
0x139: {  	_ =	swait.ge [sflag:s23], $0x80  }
0x13a: {  	[sflag:s23] =	ssyncset.done $0x0  }
0x13b: {  	s1 =	simm.s32 $0xA100;
	s2 =	simm.s32 $0xC880;
	[sflag:s23] =	ssyncadd.s32 $0xFFFFFF80  }
0x13c: {  	[tilespmem:s2], [sflag:$0x2] =	stream.indirect.gather [hbm4b:s5+s17], $0x1, s1, s17, $0xb8;
	[tilespmem:$0xF500] =	vst v63  }
0x13d: {  	_ =	swait.ge [sflag:s23], $0x80  }
0x13e: {  	[sflag:s23] =	ssyncset.done $0x0  }
0x13f: {  	s1 =	simm.s32 $0xA180;
	s2 =	simm.s32 $0xC900;
	[sflag:s23] =	ssyncadd.s32 $0xFFFFFF80  }
0x140: {  	[tilespmem:s2], [sflag:$0x2] =	stream.indirect.gather [hbm4b:s5+s17], $0x1, s1, s17, $0xb8;
	[tilespmem:$0xF500] =	vst v63  }
0x141: {  	_ =	swait.ge [sflag:s23], $0x80  }
0x142: {  	[sflag:s23] =	ssyncset.done $0x0  }
0x143: {  	s1 =	simm.s32 $0xA200;
	s2 =	simm.s32 $0xC980;
	[sflag:s23] =	ssyncadd.s32 $0xFFFFFF80  }
0x144: {  	[tilespmem:s2], [sflag:$0x2] =	stream.indirect.gather [hbm4b:s5+s17], $0x1, s1, s17, $0xb8;
	[tilespmem:$0xF500] =	vst v63  }
0x145: {  	_ =	swait.ge [sflag:s23], $0x80  }
0x146: {  	[sflag:s23] =	ssyncset.done $0x0  }
0x147: {  	s1 =	simm.s32 $0xA280;
	s2 =	simm.s32 $0xCA00;
	[sflag:s23] =	ssyncadd.s32 $0xFFFFFF80  }
0x148: {  	[tilespmem:s2], [sflag:$0x2] =	stream.indirect.gather [hbm4b:s5+s17], $0x1, s1, s17, $0xb8;
	[tilespmem:$0xF500] =	vst v63  }
0x149: {  	_ =	swait.ge [sflag:s23], $0x80  }
0x14a: {  	[sflag:s23] =	ssyncset.done $0x0  }
0x14b: {  	s1 =	simm.s32 $0xA300;
	s2 =	simm.s32 $0xCA80;
	[sflag:s23] =	ssyncadd.s32 $0xFFFFFF80  }
0x14c: {  	[tilespmem:s2], [sflag:$0x2] =	stream.indirect.gather [hbm4b:s5+s17], $0x1, s1, s17, $0xb8;
	[tilespmem:$0xF500] =	vst v63  }
0x14d: {  	_ =	swait.ge [sflag:s23], $0x80  }
0x14e: {  	[sflag:s23] =	ssyncset.done $0x0  }
0x14f: {  	s1 =	simm.s32 $0xA380;
	s2 =	simm.s32 $0xCB00;
	[sflag:s23] =	ssyncadd.s32 $0xFFFFFF80  }
0x150: {  	[tilespmem:s2], [sflag:$0x2] =	stream.indirect.gather [hbm4b:s5+s17], $0x1, s1, s17, $0xb8;
	[tilespmem:$0xF500] =	vst v63  }
0x151: {  	_ =	swait.ge [sflag:s23], $0x80  }
0x152: {  	[sflag:s23] =	ssyncset.done $0x0  }
0x153: {  	s1 =	simm.s32 $0xA400;
	s2 =	simm.s32 $0xCB80;
	[sflag:s23] =	ssyncadd.s32 $0xFFFFFF80  }
0x154: {  	[tilespmem:s2], [sflag:$0x2] =	stream.indirect.gather [hbm4b:s5+s17], $0x1, s1, s17, $0xb8;
	[tilespmem:$0xF500] =	vst v63  }
0x155: {  	_ =	swait.ge [sflag:s23], $0x80  }
0x156: {  	[sflag:s23] =	ssyncset.done $0x0  }
0x157: {  	s1 =	simm.s32 $0xA480;
	s2 =	simm.s32 $0xCC00;
	[sflag:s23] =	ssyncadd.s32 $0xFFFFFF80  }
0x158: {  	[tilespmem:s2], [sflag:$0x2] =	stream.indirect.gather [hbm4b:s5+s17], $0x1, s1, s17, $0xb8;
	[tilespmem:$0xF500] =	vst v63  }
0x159: {  	_ =	swait.ge [sflag:s23], $0x80  }
0x15a: {  	[sflag:s23] =	ssyncset.done $0x0  }
0x15b: {  	[sflag:s23] =	ssyncadd.s32 $0xFFFFFF80  }
0x15c: {  	[tilespmem:s14], [sflag:$0x2] =	stream.indirect.gather [hbm4b:s5+s17], $0x1, s13, s17, $0xb8;
	[tilespmem:$0xF500] =	vst v63  }
0x15d: {  	_ =	swait.ge [sflag:s23], $0x80  }
0x15e: {  	[sflag:s23] =	ssyncset.done $0x0  }
0x15f: {  	[sflag:s23] =	ssyncadd.s32 $0xFFFFFF80  }
0x160: {  	[tilespmem:s24], [sflag:$0x2] =	stream.indirect.gather [hbm4b:s5+s21], $0x1, s22, s21, $0xb8;
	[tilespmem:$0xF500] =	vst v63  }
0x161: {  	_ =	swait.ge [sflag:s25], $0x2710  }
0x162: {  	[sflag:s25] =	ssyncset.done $0x0  }
0x163: {  	[sflag:s25] =	ssyncadd.s32 $0xFFFFD8F0  }
0x164: {  	_ =	swait.ge [sflag:s25], $0x2710  }
0x165: {  	[sflag:s25] =	ssyncset.done $0x0  }
0x166: {  	[sflag:s25] =	ssyncadd.s32 $0xFFFFD8F0  }
0x167: {  	_ =	swait.ge [sflag:s23], $0x80  }
0x168: {  	[sflag:s23] =	ssyncset.done $0x0  }
0x169: {  	[sflag:s23] =	ssyncadd.s32 $0xFFFFFF80  }
0x16a: {  	_ =	swait.ge [sflag:s23], $0x80  }
0x16b: {  	[sflag:s23] =	ssyncset.done $0x0  }
0x16c: {  	[sflag:s23] =	ssyncadd.s32 $0xFFFFFF80  }
0x16d: {  	_ =	swait.ge [sflag:s23], $0x80  }
0x16e: {  	[sflag:s23] =	ssyncset.done $0x0  }
0x16f: {  	[sflag:s23] =	ssyncadd.s32 $0xFFFFFF80  }
0x170: {  	_ =	swait.ge [sflag:s23], $0x80  }
0x171: {  	[sflag:s23] =	ssyncset.done $0x0  }
0x172: {  	[sflag:s23] =	ssyncadd.s32 $0xFFFFFF80  }
0x173: {  	_ =	swait.ge [sflag:s23], $0x80  }
0x174: {  	[sflag:s23] =	ssyncset.done $0x0  }
0x175: {  	[sflag:s23] =	ssyncadd.s32 $0xFFFFFF80  }
0x176: {  	_ =	swait.ge [sflag:s23], $0x80  }
0x177: {  	[sflag:s23] =	ssyncset.done $0x0  }
0x178: {  	[sflag:s23] =	ssyncadd.s32 $0xFFFFFF80  }
0x179: {  	_ =	swait.ge [sflag:s23], $0x80  }
0x17a: {  	[sflag:s23] =	ssyncset.done $0x0  }
0x17b: {  	[sflag:s23] =	ssyncadd.s32 $0xFFFFFF80  }
0x17c: {  	_ =	swait.ge [sflag:s23], $0x80  }
0x17d: {  	[sflag:s23] =	ssyncset.done $0x0  }
0x17e: {  	[sflag:s23] =	ssyncadd.s32 $0xFFFFFF80  }
0x17f: {  	_ =	swait.ge [sflag:s23], $0x80  }
0x180: {  	[sflag:s23] =	ssyncset.done $0x0  }
0x181: {  	[sflag:s23] =	ssyncadd.s32 $0xFFFFFF80  }
0x182: {  	_ =	swait.ge [sflag:s23], $0x80  }
0x183: {  	[sflag:s23] =	ssyncset.done $0x0  }
0x184: {  	[sflag:s23] =	ssyncadd.s32 $0xFFFFFF80  }
0x185: {  	_ =	swait.ge [sflag:s23], $0x80  }
0x186: {  	[sflag:s23] =	ssyncset.done $0x0  }
0x187: {  	[sflag:s23] =	ssyncadd.s32 $0xFFFFFF80  }
0x188: {  	_ =	swait.ge [sflag:s23], $0x80  }
0x189: {  	[sflag:s23] =	ssyncset.done $0x0  }
0x18a: {  	[sflag:s23] =	ssyncadd.s32 $0xFFFFFF80  }
0x18b: {  	_ =	swait.ge [sflag:s23], $0x80  }
0x18c: {  	[sflag:s23] =	ssyncset.done $0x0  }
0x18d: {  	[sflag:s23] =	ssyncadd.s32 $0xFFFFFF80  }
0x18e: {  	_ =	swait.ge [sflag:s23], $0x10  }
0x18f: {  	[sflag:s23] =	ssyncset.done $0x0  }
0x190: {  	s2 =	simm.s32 $0x2FA0;
	[sflag:s23] =	ssyncadd.s32 $0xFFFFFFF0  }
0x191: {  	v0 =	vld [tilespmem:s2+$0x10]  }
0x192: {  	s30 =	simm.s32 $0x5720;
	v1 =	vld [tilespmem:s2+$0xFFFFFFF0]  }
0x193: {  	v2 =	vld [tilespmem:s30+$0x10]  }
0x194: {  	v3 =	vld [tilespmem:s2+$0x0]  }
0x195: {  	v4 =	vld [tilespmem:s2+$0xFFFFFFE0]  }
0x196: {  	v5 =	vld [tilespmem:s30+$0xFFFFFFE0]  }
0x197: {  	v7 =	vld [tilespmem:s30+$0xFFFFFFF0]  }
0x198: {  	s31 =	simm.s32 $0xA620;
	v8 =	vld [tilespmem:s30+$0x0]  }
0x199: {  	v9 =	vld [tilespmem:s31+$0x10]  }
0x19a: {  	v11 =	vld [tilespmem:s31+$0xFFFFFFE0]  }
0x19b: {  	v6 =	vld.idx.msk [tilespmem:v0+s20+$0x0], $0xffff  }
0x19c: {  	v2 =	vld.idx.msk [tilespmem:v2+s20+$0x0], $0xffff  }
0x19d: {  	v0 =	vld.idx.msk [tilespmem:v1+s20+$0x0], $0xffff  }
0x19e: {  	v10 =	vld.idx.msk [tilespmem:v4+s20+$0x0], $0xffff  }
0x19f: {  	v1 =	vld.idx.msk [tilespmem:v3+s20+$0x0], $0xffff  }
0x1a0: {  	v3 =	vadd.f32 v9, v6;
	v6 =	vld [tilespmem:s31+$0xFFFFFFF0]  }
0x1a1: {  	v4 =	vld [tilespmem:s31+$0x0]  }
0x1a2: {  	v9 =	vsub.f32 v3, v2;
	v2 =	vld.idx.msk [tilespmem:v5+s20+$0x0], $0xffff  }
0x1a3: {  	s0 =	simm.s32 $0xCDA0;
	v3 =	vld.idx.msk [tilespmem:v7+s20+$0x0], $0xffff  }
0x1a4: {  	s1 =	simm.s32 $0x0;
	s2 =	simm.s32 $0x2FE0;
	v7 =	vadd.f32 v11, v10;
	v5 =	vld.idx.msk [tilespmem:v8+s20+$0x0], $0xffff;
	[tilespmem:s0+$0x10] =	vst v9  }
.LBB2_2:
0x1a5: {  	v8 =	vld [tilespmem:s2+$0x10];
	s1 =	sadd.s32 $0x40, s1;
	v0 =	vadd.f32 v6, v0  }
0x1a6: {  	s30 =	sadd.s32 $0x40, s30;
	v6 =	vld [tilespmem:s2+$0xFFFFFFF0];
	p0 =	slt.u32 s1, $0x26C0;
	v1 =	vadd.f32 v4, v1  }
0x1a7: {  	v4 =	vld [tilespmem:s30+$0x10]  }
0x1a8: {  	v2 =	vsub.f32 v7, v2;
	v9 =	vld [tilespmem:s2+$0x0]  }
0x1a9: {  	v0 =	vsub.f32 v0, v3;
	v7 =	vld [tilespmem:s2+$0xFFFFFFE0]  }
0x1aa: {  	v1 =	vsub.f32 v1, v5;
	v3 =	vld [tilespmem:s30+$0xFFFFFFE0];
	[tilespmem:s0+$0xFFFFFFE0] =	vst v2  }
0x1ab: {  	v5 =	vld [tilespmem:s30+$0xFFFFFFF0];
	[tilespmem:s0+$0xFFFFFFF0] =	vst v0  }
0x1ac: {  	v10 =	vld [tilespmem:s30+$0x0];
	[tilespmem:s0+$0x0] =	vst v1  }
0x1ad: {  	s31 =	sadd.s32 $0x40, s31;
	v2 =	vld.idx.msk [tilespmem:v8+s20+$0x0], $0xffff  }
0x1ae: {  	v8 =	vld [tilespmem:s31+$0x10]  }
0x1af: {  	v11 =	vld.idx.msk [tilespmem:v4+s20+$0x0], $0xffff  }
0x1b0: {  	v0 =	vld.idx.msk [tilespmem:v6+s20+$0x0], $0xffff  }
0x1b1: {  	v7 =	vld.idx.msk [tilespmem:v7+s20+$0x0], $0xffff  }
0x1b2: {  	v1 =	vld.idx.msk [tilespmem:v9+s20+$0x0], $0xffff  }
0x1b3: {  	v9 =	vld [tilespmem:s31+$0xFFFFFFE0];
	v2 =	vadd.f32 v8, v2  }
.Ltmp0:
0x1b4: {  	v6 =	vld [tilespmem:s31+$0xFFFFFFF0];
	(pc) =	sbr.rel @p0 .LBB2_2-.Ltmp0, $4  }
0x1b5: {  	v4 =	vld [tilespmem:s31+$0x0];
	v8 =	vsub.f32 v2, v11  }
0x1b6: {  	s0 =	sadd.s32 $0x40, s0;
	v2 =	vld.idx.msk [tilespmem:v3+s20+$0x0], $0xffff  }
0x1b7: {  	v3 =	vld.idx.msk [tilespmem:v5+s20+$0x0], $0xffff;
	[tilespmem:s0+$0x10] =	vst v8  }
0x1b8: {  	s2 =	sadd.s32 $0x40, s2;
	v7 =	vadd.f32 v9, v7;
	v5 =	vld.idx.msk [tilespmem:v10+s20+$0x0], $0xffff  }
0x1b9: {  	_ = 	snop  }
0x1ba: {  	v0 =	vadd.f32 v6, v0  }
0x1bb: {  	v1 =	vadd.f32 v4, v1;
	v2 =	vsub.f32 v7, v2  }
0x1bc: {  	v0 =	vsub.f32 v0, v3  }
0x1bd: {  	[tilespmem:s0+$0xFFFFFFE0] =	vst v2;
	v1 =	vsub.f32 v1, v5  }
0x1be: {  	[tilespmem:s0+$0xFFFFFFF0] =	vst v0  }
0x1bf: {  	[tilespmem:s0+$0x0] =	vst v1  }
0x1c0: {  	v0 =	vld [tilespmem:$0x5680];
	_ =	sdelay $0x1  }
0x1c1: {  	v1 =	vld [tilespmem:$0x7E00];
	_ =	sdelay $0x4  }
0x1c2: {  	v2 =	vld [tilespmem:$0xCD00]  }
0x1c3: {  	v0 =	vld.idx.msk [tilespmem:v0+s20+$0x0], $0xffff;
	_ =	sdelay $0x1  }
0x1c4: {  	v1 =	vld.idx.msk [tilespmem:v1+s20+$0x0], $0xffff;
	_ =	sdelay $0x2  }
0x1c5: {  	v0 =	vadd.f32 v2, v0;
	_ =	sdelay $0x1  }
0x1c6: {  	s29 =	sadd.s32 $0x1, s29;
	v0 =	vsub.f32 v0, v1  }
0x1c7: {  	p0 =	sne.s32 s29, s12  }
.Ltmp1:
0x1c8: {  	[tilespmem:$0xF480] =	vst v0;
	(pc) =	sbr.rel @p0 .LBB2_1-.Ltmp1, $4  }
0x1c9: {  	[hbm4b:s11+s3] =	stream.linear.scatter [tilespmem:s28], [sflag:$0x5], $0x2710, $0x38;
	[tilespmem:$0xF500] =	vst v63  }
0x1ca: {  	_ =	swait.ge [sflag:s16], $0x2710  }
0x1cb: {  	[sflag:s16] =	ssyncset.done $0x0  }
0x1cc: {  	[sflag:s16] =	ssyncadd.s32 $0xFFFFD8F0  }
0x1cd: {  	_ =	sfence.sel $0x180000  }
0x1ce: {  	[bflag:$0x0] =	sbarrier.arrive $0xFFFF  }
0x1cf: {  	_ =	strace $0x90000047  }
0x1d0: {  	s0 =	stileid.u32;
	[bflag:$0x2] =	sbarrier.arrive $0xFFFF  }
0x1d1: {  	p0 =	sne.s32 s0, $0x0;
	s0 =	rddreg [dreg:$0x4]  }
0x1d2: {  	s0 =	sadd.s32 @!p0 $0x100000, s0  }
0x1d3: {  	[sflag:s0] =	ssyncadd.tile.s32 @!p0 $0x1;
	_ =	shalt  }
.Lfunc_end2:
_tile_overlayer_lowered:
.L_overlay_start_2:
0x1d4: {  	(tag) =	ssettag $0x2  }
0x1d5: {  	s0 =	rddreg [dreg:$0x0];
	s2 =	stileid.u32  }
0x1d6: {  	s1 =	rddreg [dreg:$0x1];
	p0 =	sne.s32 s2, $0x0  }
0x1d7: {  	s3 =	rddreg [dreg:$0x2];
	[bflag:$0x3] =	sbarrier.arrive $0xFFFF;
	s2 =	simm.s32 @!p0 $0x1C05  }
0x1d8: {  	[timem:s3], [sflag:s2] =	dma.local @!p0 [hbm:s0], s1  }
0x1d9: {  	s0 =	simm.s32 @!p0 $0x5  }
0x1da: {  	_ =	swait.ge @!p0 [sflag:s0], s1  }
0x1db: {  	s1 =	ssub.s32 @!p0 $0x0, s1;
	[sflag:s0] =	ssyncset.done @!p0 $0x0  }
0x1dc: {  	[sflag:s0] =	ssyncadd.s32 @!p0 s1  }
0x1dd: {  	[bflag:$0x3] =	sbarrier.arrive $0xFFFF  }
0x1de: {  	_ =	shalt  }

</sc_bundles>
